<compile_context>
chip_gen: v7x
topology: tpu7x:2x2x1
jax: 0.10.2.dev20260603
libtpu: 0.0.44.dev20260713+nightly
codegen_flags: <defaults>
</compile_context>

<pallas_src>
import functools

import jax
import jax.numpy as jnp
from jax import lax
from jax.experimental import pallas as pl
from jax.experimental.pallas import tpu as pltpu
from jax.experimental.pallas import tpu_sc as plsc

N = 2_000_000
CHUNK = 8_000
NCHUNKS = N // CHUNK
VECS = CHUNK // 16
NW = 32
JMAX = -(-NCHUNKS // NW)
NBINS = 10
LANES = 16
BSLOTS = 16
SEG = BSLOTS * LANES
ACCLEN = 2 * SEG
PACK = 4096.0

_B9 = 0.9


def _tec_body(conf_hbm, pred_hbm, targ_hbm, out_hbm,
              conf_b0, pred_b0, targ_b0, conf_b1, pred_b1, targ_b1,
              acc_v, sem0, sem1):
    wid = lax.axis_index("s") * 2 + lax.axis_index("c")
    bufs = ((conf_b0, pred_b0, targ_b0, sem0), (conf_b1, pred_b1, targ_b1, sem1))

    zeros = jnp.zeros((LANES,), jnp.float32)
    for i in range(ACCLEN // LANES):
        acc_v[pl.ds(i * LANES, LANES)] = zeros

    lane = lax.iota(jnp.int32, 16)
    b9 = jnp.full((LANES,), _B9, jnp.float32)
    one = jnp.ones((LANES,), jnp.int32)
    zero = jnp.zeros((LANES,), jnp.int32)

    def make_vec_body(conf_v, pred_v, targ_v):
        def vec_body(i):
            conf = conf_v[pl.ds(i * 16, 16)]
            pred = pred_v[pl.ds(i * 16, 16)]
            targ = targ_v[pl.ds(i * 16, 16)]
            packed = jnp.where(pred == targ, 1.0 + PACK, 1.0).astype(jnp.float32)
            b0 = jnp.minimum((conf * 10.0).astype(jnp.int32), 9)
            b0f = b0.astype(jnp.float32)
            lof = jnp.where(b0 == 9, b9, b0f * 0.1)
            hif = jnp.where(b0 == 8, b9, (b0f + 1.0) * 0.1)
            b1 = b0 + jnp.where(conf > hif, one, zero) - jnp.where(conf <= lof, one, zero)
            addr = (b1 & 15) * 16 + lane
            plsc.addupdate_scatter(acc_v, [addr], packed)
            plsc.addupdate_scatter(acc_v, [addr + SEG], conf)
        return vec_body

    def fire(j):
        c = wid + NW * j
        cv, pv, tv, sem = bufs[j % 2]

        @pl.when(c < NCHUNKS)
        def _():
            s = c * CHUNK
            pltpu.async_copy(conf_hbm.at[pl.ds(s, CHUNK)], cv, sem)
            pltpu.async_copy(pred_hbm.at[pl.ds(s, CHUNK)], pv, sem)
            pltpu.async_copy(targ_hbm.at[pl.ds(s, CHUNK)], tv, sem)

    def drain_and_process(j):
        c = wid + NW * j
        cv, pv, tv, sem = bufs[j % 2]

        @pl.when(c < NCHUNKS)
        def _():
            s = c * CHUNK
            pltpu.make_async_copy(conf_hbm.at[pl.ds(s, CHUNK)], cv, sem).wait()
            pltpu.make_async_copy(pred_hbm.at[pl.ds(s, CHUNK)], pv, sem).wait()
            pltpu.make_async_copy(targ_hbm.at[pl.ds(s, CHUNK)], tv, sem).wait()
            plsc.parallel_loop(0, VECS, unroll=4)(make_vec_body(cv, pv, tv))

    fire(0)
    for j in range(JMAX):
        if j + 1 < JMAX:
            fire(j + 1)
        drain_and_process(j)

    pltpu.sync_copy(acc_v, out_hbm.at[wid])


_mesh = plsc.VectorSubcoreMesh(core_axis_name="c", subcore_axis_name="s")

_ece_partials = functools.partial(
    pl.kernel,
    out_type=jax.ShapeDtypeStruct((NW, ACCLEN), jnp.float32),
    mesh=_mesh,
    scratch_types=[
        pltpu.VMEM((CHUNK,), jnp.float32),
        pltpu.VMEM((CHUNK,), jnp.int32),
        pltpu.VMEM((CHUNK,), jnp.int32),
        pltpu.VMEM((CHUNK,), jnp.float32),
        pltpu.VMEM((CHUNK,), jnp.int32),
        pltpu.VMEM((CHUNK,), jnp.int32),
        pltpu.VMEM((ACCLEN,), jnp.float32),
        pltpu.SemaphoreType.DMA,
        pltpu.SemaphoreType.DMA,
    ],
    compiler_params=pltpu.CompilerParams(needs_layout_passes=False),
)(_tec_body)


@jax.jit
def kernel(confidences, predictions, targets):
    parts = _ece_partials(confidences, predictions, targets)
    view = parts.reshape(NW, 2, BSLOTS, LANES)[:, :, :NBINS, :]
    packed = view[:, 0]
    s_conf = view[:, 1].sum(axis=(0, 2))
    acc = jnp.floor(packed / PACK)
    cnt = (packed - acc * PACK).sum(axis=(0, 2))
    s_acc = acc.sum(axis=(0, 2))
    safe = jnp.maximum(cnt, 1.0)
    contrib = (cnt / N) * jnp.abs(s_acc / safe - s_conf / safe)
    ece = jnp.sum(jnp.where(cnt > 0.0, contrib, 0.0))
    return jnp.float32(0.1) * ece

# --- scband reference (transcript-rebuilt; emitter-appended) ---
"""Pipeline reference for scband-confidence-calibration-loss-44392781971618 (READ-ONLY COPY).

The authoritative reference and input builder live on the scoring server;
editing this copy changes nothing except your own understanding.
"""

import jax, jax.numpy as jnp
import numpy as np

N = 2_000_000
N_BINS = 10
CAL_WEIGHT = 0.1
N_CLASSES = 1000


def setup_inputs(seed: int = 0) -> dict:
    key = jax.random.key(seed)
    k1, k2, k3 = jax.random.split(key, 3)
    confidences = jax.random.uniform(k1, (N,), dtype=jnp.float32)
    predictions = jax.random.randint(k2, (N,), 0, N_CLASSES, dtype=jnp.int32)
    targets = jax.random.randint(k3, (N,), 0, N_CLASSES, dtype=jnp.int32)
    return {"confidences": confidences, "predictions": predictions, "targets": targets}


def reference(confidences, predictions, targets):
    accuracies = (predictions == targets).astype(jnp.float32)
    bins = np.linspace(0.0, 1.0, N_BINS + 1)
    n = confidences.shape[0]
    ece = jnp.asarray(0.0, dtype=jnp.float32)
    for i in range(N_BINS):
        bin_lower = float(bins[i])
        bin_upper = float(bins[i + 1])
        in_bin = (confidences > bin_lower) & (confidences <= bin_upper)
        mask = in_bin.astype(jnp.float32)
        count = jnp.sum(mask)
        safe_count = jnp.maximum(count, 1.0)
        avg_confidence = jnp.sum(confidences * mask) / safe_count
        avg_accuracy = jnp.sum(accuracies * mask) / safe_count
        bin_weight = count / n
        contrib = bin_weight * jnp.abs(avg_accuracy - avg_confidence)
        ece = ece + jnp.where(count > 0, contrib, 0.0)
    return CAL_WEIGHT * ece

if __name__ == "__main__":
    import jax
    _d = setup_inputs()
    print(jax.jit(kernel)(*tuple(_d.values())))

</pallas_src>

<mosaic_0001>
#map = affine_map<(d0, d1) -> (0)>
#map1 = affine_map<(d0, d1) -> (0, 0)>
module attributes {stable_mosaic.version = 14 : i64} {
  func.func @_tec_body(%arg0: i32, %arg1: i32, %arg2: memref<2000000xf32, #tpu.memory_space<hbm>>, %arg3: memref<2000000xi32, #tpu.memory_space<hbm>>, %arg4: memref<2000000xi32, #tpu.memory_space<hbm>>, %arg5: memref<32x512xf32, #tpu.memory_space<hbm>>, %arg6: memref<8000xf32, #tpu.memory_space<vmem>>, %arg7: memref<8000xi32, #tpu.memory_space<vmem>>, %arg8: memref<8000xi32, #tpu.memory_space<vmem>>, %arg9: memref<8000xf32, #tpu.memory_space<vmem>>, %arg10: memref<8000xi32, #tpu.memory_space<vmem>>, %arg11: memref<8000xi32, #tpu.memory_space<vmem>>, %arg12: memref<512xf32, #tpu.memory_space<vmem>>, %arg13: memref<!tpu.dma_semaphore, #tpu.memory_space<semaphore_mem>>, %arg14: memref<!tpu.dma_semaphore, #tpu.memory_space<semaphore_mem>>) attributes {dimension_semantics = [#tpu.dimension_semantics<core_parallel>, #tpu.dimension_semantics<subcore_parallel>], iteration_bounds = array<i64: 2, 16>, scalar_prefetch = 0 : i64, scratch_operands = 9 : i64, tpu.core_type = #tpu.core_type<sc_vector_subcore>, window_params = [{transform_indices = #map}, {transform_indices = #map}, {transform_indices = #map}, {transform_indices = #map1}]} {
    %mul3A = arith.constant 2 : i32
    %mul3A_0 = arith.muli %arg1, %mul3A : i32
    %add3A = arith.addi %mul3A_0, %arg0 : i32
    %broadcast_in_dim3A = arith.constant 0.000000e+00 : f32
    %broadcast_in_dim3A_1 = vector.broadcast %broadcast_in_dim3A : f32 to vector<16xf32>
    %swap3A = arith.constant 0 : index
    %swap3A_2 = tpu.vector_load %arg12[%swap3A] {strides = array<i32>} : memref<512xf32, #tpu.memory_space<vmem>>, vector<16xf32>,
    tpu.vector_store %arg12[%swap3A], %broadcast_in_dim3A_1 {strides = array<i32>} : memref<512xf32, #tpu.memory_space<vmem>>, vector<16xf32>,
    %swap3A_3 = arith.constant 16 : index
    %swap3A_4 = tpu.vector_load %arg12[%swap3A_3] {strides = array<i32>} : memref<512xf32, #tpu.memory_space<vmem>>, vector<16xf32>,
    tpu.vector_store %arg12[%swap3A_3], %broadcast_in_dim3A_1 {strides = array<i32>} : memref<512xf32, #tpu.memory_space<vmem>>, vector<16xf32>,
    %swap3A_5 = arith.constant 32 : index
    %swap3A_6 = tpu.vector_load %arg12[%swap3A_5] {strides = array<i32>} : memref<512xf32, #tpu.memory_space<vmem>>, vector<16xf32>,
    tpu.vector_store %arg12[%swap3A_5], %broadcast_in_dim3A_1 {strides = array<i32>} : memref<512xf32, #tpu.memory_space<vmem>>, vector<16xf32>,
    %swap3A_7 = arith.constant 48 : index
    %swap3A_8 = tpu.vector_load %arg12[%swap3A_7] {strides = array<i32>} : memref<512xf32, #tpu.memory_space<vmem>>, vector<16xf32>,
    tpu.vector_store %arg12[%swap3A_7], %broadcast_in_dim3A_1 {strides = array<i32>} : memref<512xf32, #tpu.memory_space<vmem>>, vector<16xf32>,
    %swap3A_9 = arith.constant 64 : index
    %swap3A_10 = tpu.vector_load %arg12[%swap3A_9] {strides = array<i32>} : memref<512xf32, #tpu.memory_space<vmem>>, vector<16xf32>,
    tpu.vector_store %arg12[%swap3A_9], %broadcast_in_dim3A_1 {strides = array<i32>} : memref<512xf32, #tpu.memory_space<vmem>>, vector<16xf32>,
    %swap3A_11 = arith.constant 80 : index
    %swap3A_12 = tpu.vector_load %arg12[%swap3A_11] {strides = array<i32>} : memref<512xf32, #tpu.memory_space<vmem>>, vector<16xf32>,
    tpu.vector_store %arg12[%swap3A_11], %broadcast_in_dim3A_1 {strides = array<i32>} : memref<512xf32, #tpu.memory_space<vmem>>, vector<16xf32>,
    %swap3A_13 = arith.constant 96 : index
    %swap3A_14 = tpu.vector_load %arg12[%swap3A_13] {strides = array<i32>} : memref<512xf32, #tpu.memory_space<vmem>>, vector<16xf32>,
    tpu.vector_store %arg12[%swap3A_13], %broadcast_in_dim3A_1 {strides = array<i32>} : memref<512xf32, #tpu.memory_space<vmem>>, vector<16xf32>,
    %swap3A_15 = arith.constant 112 : index
    %swap3A_16 = tpu.vector_load %arg12[%swap3A_15] {strides = array<i32>} : memref<512xf32, #tpu.memory_space<vmem>>, vector<16xf32>,
    tpu.vector_store %arg12[%swap3A_15], %broadcast_in_dim3A_1 {strides = array<i32>} : memref<512xf32, #tpu.memory_space<vmem>>, vector<16xf32>,
    %swap3A_17 = arith.constant 128 : index
    %swap3A_18 = tpu.vector_load %arg12[%swap3A_17] {strides = array<i32>} : memref<512xf32, #tpu.memory_space<vmem>>, vector<16xf32>,
    tpu.vector_store %arg12[%swap3A_17], %broadcast_in_dim3A_1 {strides = array<i32>} : memref<512xf32, #tpu.memory_space<vmem>>, vector<16xf32>,
    %swap3A_19 = arith.constant 144 : index
    %swap3A_20 = tpu.vector_load %arg12[%swap3A_19] {strides = array<i32>} : memref<512xf32, #tpu.memory_space<vmem>>, vector<16xf32>,
    tpu.vector_store %arg12[%swap3A_19], %broadcast_in_dim3A_1 {strides = array<i32>} : memref<512xf32, #tpu.memory_space<vmem>>, vector<16xf32>,
    %swap3A_21 = arith.constant 160 : index
    %swap3A_22 = tpu.vector_load %arg12[%swap3A_21] {strides = array<i32>} : memref<512xf32, #tpu.memory_space<vmem>>, vector<16xf32>,
    tpu.vector_store %arg12[%swap3A_21], %broadcast_in_dim3A_1 {strides = array<i32>} : memref<512xf32, #tpu.memory_space<vmem>>, vector<16xf32>,
    %swap3A_23 = arith.constant 176 : index
    %swap3A_24 = tpu.vector_load %arg12[%swap3A_23] {strides = array<i32>} : memref<512xf32, #tpu.memory_space<vmem>>, vector<16xf32>,
    tpu.vector_store %arg12[%swap3A_23], %broadcast_in_dim3A_1 {strides = array<i32>} : memref<512xf32, #tpu.memory_space<vmem>>, vector<16xf32>,
    %swap3A_25 = arith.constant 192 : index
    %swap3A_26 = tpu.vector_load %arg12[%swap3A_25] {strides = array<i32>} : memref<512xf32, #tpu.memory_space<vmem>>, vector<16xf32>,
    tpu.vector_store %arg12[%swap3A_25], %broadcast_in_dim3A_1 {strides = array<i32>} : memref<512xf32, #tpu.memory_space<vmem>>, vector<16xf32>,
    %swap3A_27 = arith.constant 208 : index
    %swap3A_28 = tpu.vector_load %arg12[%swap3A_27] {strides = array<i32>} : memref<512xf32, #tpu.memory_space<vmem>>, vector<16xf32>,
    tpu.vector_store %arg12[%swap3A_27], %broadcast_in_dim3A_1 {strides = array<i32>} : memref<512xf32, #tpu.memory_space<vmem>>, vector<16xf32>,
    %swap3A_29 = arith.constant 224 : index
    %swap3A_30 = tpu.vector_load %arg12[%swap3A_29] {strides = array<i32>} : memref<512xf32, #tpu.memory_space<vmem>>, vector<16xf32>,
    tpu.vector_store %arg12[%swap3A_29], %broadcast_in_dim3A_1 {strides = array<i32>} : memref<512xf32, #tpu.memory_space<vmem>>, vector<16xf32>,
    %swap3A_31 = arith.constant 240 : index
    %swap3A_32 = tpu.vector_load %arg12[%swap3A_31] {strides = array<i32>} : memref<512xf32, #tpu.memory_space<vmem>>, vector<16xf32>,
    tpu.vector_store %arg12[%swap3A_31], %broadcast_in_dim3A_1 {strides = array<i32>} : memref<512xf32, #tpu.memory_space<vmem>>, vector<16xf32>,
    %swap3A_33 = arith.constant 256 : index
    %swap3A_34 = tpu.vector_load %arg12[%swap3A_33] {strides = array<i32>} : memref<512xf32, #tpu.memory_space<vmem>>, vector<16xf32>,
    tpu.vector_store %arg12[%swap3A_33], %broadcast_in_dim3A_1 {strides = array<i32>} : memref<512xf32, #tpu.memory_space<vmem>>, vector<16xf32>,
    %swap3A_35 = arith.constant 272 : index
    %swap3A_36 = tpu.vector_load %arg12[%swap3A_35] {strides = array<i32>} : memref<512xf32, #tpu.memory_space<vmem>>, vector<16xf32>,
    tpu.vector_store %arg12[%swap3A_35], %broadcast_in_dim3A_1 {strides = array<i32>} : memref<512xf32, #tpu.memory_space<vmem>>, vector<16xf32>,
    %swap3A_37 = arith.constant 288 : index
    %swap3A_38 = tpu.vector_load %arg12[%swap3A_37] {strides = array<i32>} : memref<512xf32, #tpu.memory_space<vmem>>, vector<16xf32>,
    tpu.vector_store %arg12[%swap3A_37], %broadcast_in_dim3A_1 {strides = array<i32>} : memref<512xf32, #tpu.memory_space<vmem>>, vector<16xf32>,
    %swap3A_39 = arith.constant 304 : index
    %swap3A_40 = tpu.vector_load %arg12[%swap3A_39] {strides = array<i32>} : memref<512xf32, #tpu.memory_space<vmem>>, vector<16xf32>,
    tpu.vector_store %arg12[%swap3A_39], %broadcast_in_dim3A_1 {strides = array<i32>} : memref<512xf32, #tpu.memory_space<vmem>>, vector<16xf32>,
    %swap3A_41 = arith.constant 320 : index
    %swap3A_42 = tpu.vector_load %arg12[%swap3A_41] {strides = array<i32>} : memref<512xf32, #tpu.memory_space<vmem>>, vector<16xf32>,
    tpu.vector_store %arg12[%swap3A_41], %broadcast_in_dim3A_1 {strides = array<i32>} : memref<512xf32, #tpu.memory_space<vmem>>, vector<16xf32>,
    %swap3A_43 = arith.constant 336 : index
    %swap3A_44 = tpu.vector_load %arg12[%swap3A_43] {strides = array<i32>} : memref<512xf32, #tpu.memory_space<vmem>>, vector<16xf32>,
    tpu.vector_store %arg12[%swap3A_43], %broadcast_in_dim3A_1 {strides = array<i32>} : memref<512xf32, #tpu.memory_space<vmem>>, vector<16xf32>,
    %swap3A_45 = arith.constant 352 : index
    %swap3A_46 = tpu.vector_load %arg12[%swap3A_45] {strides = array<i32>} : memref<512xf32, #tpu.memory_space<vmem>>, vector<16xf32>,
    tpu.vector_store %arg12[%swap3A_45], %broadcast_in_dim3A_1 {strides = array<i32>} : memref<512xf32, #tpu.memory_space<vmem>>, vector<16xf32>,
    %swap3A_47 = arith.constant 368 : index
    %swap3A_48 = tpu.vector_load %arg12[%swap3A_47] {strides = array<i32>} : memref<512xf32, #tpu.memory_space<vmem>>, vector<16xf32>,
    tpu.vector_store %arg12[%swap3A_47], %broadcast_in_dim3A_1 {strides = array<i32>} : memref<512xf32, #tpu.memory_space<vmem>>, vector<16xf32>,
    %swap3A_49 = arith.constant 384 : index
    %swap3A_50 = tpu.vector_load %arg12[%swap3A_49] {strides = array<i32>} : memref<512xf32, #tpu.memory_space<vmem>>, vector<16xf32>,
    tpu.vector_store %arg12[%swap3A_49], %broadcast_in_dim3A_1 {strides = array<i32>} : memref<512xf32, #tpu.memory_space<vmem>>, vector<16xf32>,
    %swap3A_51 = arith.constant 400 : index
    %swap3A_52 = tpu.vector_load %arg12[%swap3A_51] {strides = array<i32>} : memref<512xf32, #tpu.memory_space<vmem>>, vector<16xf32>,
    tpu.vector_store %arg12[%swap3A_51], %broadcast_in_dim3A_1 {strides = array<i32>} : memref<512xf32, #tpu.memory_space<vmem>>, vector<16xf32>,
    %swap3A_53 = arith.constant 416 : index
    %swap3A_54 = tpu.vector_load %arg12[%swap3A_53] {strides = array<i32>} : memref<512xf32, #tpu.memory_space<vmem>>, vector<16xf32>,
    tpu.vector_store %arg12[%swap3A_53], %broadcast_in_dim3A_1 {strides = array<i32>} : memref<512xf32, #tpu.memory_space<vmem>>, vector<16xf32>,
    %swap3A_55 = arith.constant 432 : index
    %swap3A_56 = tpu.vector_load %arg12[%swap3A_55] {strides = array<i32>} : memref<512xf32, #tpu.memory_space<vmem>>, vector<16xf32>,
    tpu.vector_store %arg12[%swap3A_55], %broadcast_in_dim3A_1 {strides = array<i32>} : memref<512xf32, #tpu.memory_space<vmem>>, vector<16xf32>,
    %swap3A_57 = arith.constant 448 : index
    %swap3A_58 = tpu.vector_load %arg12[%swap3A_57] {strides = array<i32>} : memref<512xf32, #tpu.memory_space<vmem>>, vector<16xf32>,
    tpu.vector_store %arg12[%swap3A_57], %broadcast_in_dim3A_1 {strides = array<i32>} : memref<512xf32, #tpu.memory_space<vmem>>, vector<16xf32>,
    %swap3A_59 = arith.constant 464 : index
    %swap3A_60 = tpu.vector_load %arg12[%swap3A_59] {strides = array<i32>} : memref<512xf32, #tpu.memory_space<vmem>>, vector<16xf32>,
    tpu.vector_store %arg12[%swap3A_59], %broadcast_in_dim3A_1 {strides = array<i32>} : memref<512xf32, #tpu.memory_space<vmem>>, vector<16xf32>,
    %swap3A_61 = arith.constant 480 : index
    %swap3A_62 = tpu.vector_load %arg12[%swap3A_61] {strides = array<i32>} : memref<512xf32, #tpu.memory_space<vmem>>, vector<16xf32>,
    tpu.vector_store %arg12[%swap3A_61], %broadcast_in_dim3A_1 {strides = array<i32>} : memref<512xf32, #tpu.memory_space<vmem>>, vector<16xf32>,
    %swap3A_63 = arith.constant 496 : index
    %swap3A_64 = tpu.vector_load %arg12[%swap3A_63] {strides = array<i32>} : memref<512xf32, #tpu.memory_space<vmem>>, vector<16xf32>,
    tpu.vector_store %arg12[%swap3A_63], %broadcast_in_dim3A_1 {strides = array<i32>} : memref<512xf32, #tpu.memory_space<vmem>>, vector<16xf32>,
    %iota3A = tpu.iota {dimensions = array<i32: 0>} : vector<16xi32>
    %broadcast_in_dim3A_65 = arith.constant 0.899999976 : f32
    %broadcast_in_dim3A_66 = vector.broadcast %broadcast_in_dim3A_65 : f32 to vector<16xf32>
    %broadcast_in_dim3A_67 = arith.constant 1 : i32
    %broadcast_in_dim3A_68 = vector.broadcast %broadcast_in_dim3A_67 : i32 to vector<16xi32>
    %broadcast_in_dim3A_69 = arith.constant 0 : i32
    %broadcast_in_dim3A_70 = vector.broadcast %broadcast_in_dim3A_69 : i32 to vector<16xi32>
    %add3A_71 = arith.constant 0 : i32
    %add3A_72 = arith.addi %add3A, %add3A_71 : i32
    %lt3A = arith.constant 250 : i32
    %lt3A_73 = arith.cmpi slt, %add3A_72, %lt3A : i32
    %convert_element_type3A = arith.extui %lt3A_73 : i1 to i32
    %cond3A = arith.constant 0 : i32
    %cond3A_74 = arith.cmpi ne, %convert_element_type3A, %cond3A : i32
    scf.if %cond3A_74 {
      %mul3A_180 = arith.constant 8000 : i32
      %mul3A_181 = arith.muli %add3A_72, %mul3A_180 : i32
      %dma_start3A = tpu.memref_slice %arg2[%mul3A_181] : memref<2000000xf32, #tpu.memory_space<hbm>> -> memref<8000xf32, #tpu.memory_space<hbm>>
      %dma_start3A_182 = tpu.memref_slice %arg2[%mul3A_181] : memref<2000000xf32, #tpu.memory_space<hbm>> -> memref<8000xf32, #tpu.memory_space<hbm>>
      tpu.enqueue_dma source(%dma_start3A_182 : memref<8000xf32, #tpu.memory_space<hbm>>) target(%arg6 : memref<8000xf32, #tpu.memory_space<vmem>>) target_semaphore(%arg13 : memref<!tpu.dma_semaphore, #tpu.memory_space<semaphore_mem>>)
      %dma_start3A_183 = tpu.memref_slice %arg3[%mul3A_181] : memref<2000000xi32, #tpu.memory_space<hbm>> -> memref<8000xi32, #tpu.memory_space<hbm>>
      %dma_start3A_184 = tpu.memref_slice %arg3[%mul3A_181] : memref<2000000xi32, #tpu.memory_space<hbm>> -> memref<8000xi32, #tpu.memory_space<hbm>>
      tpu.enqueue_dma source(%dma_start3A_184 : memref<8000xi32, #tpu.memory_space<hbm>>) target(%arg7 : memref<8000xi32, #tpu.memory_space<vmem>>) target_semaphore(%arg13 : memref<!tpu.dma_semaphore, #tpu.memory_space<semaphore_mem>>)
      %dma_start3A_185 = tpu.memref_slice %arg4[%mul3A_181] : memref<2000000xi32, #tpu.memory_space<hbm>> -> memref<8000xi32, #tpu.memory_space<hbm>>
      %dma_start3A_186 = tpu.memref_slice %arg4[%mul3A_181] : memref<2000000xi32, #tpu.memory_space<hbm>> -> memref<8000xi32, #tpu.memory_space<hbm>>
      tpu.enqueue_dma source(%dma_start3A_186 : memref<8000xi32, #tpu.memory_space<hbm>>) target(%arg8 : memref<8000xi32, #tpu.memory_space<vmem>>) target_semaphore(%arg13 : memref<!tpu.dma_semaphore, #tpu.memory_space<semaphore_mem>>)
    } else {
    }
    %add3A_75 = arith.constant 32 : i32
    %add3A_76 = arith.addi %add3A, %add3A_75 : i32
    %lt3A_77 = arith.constant 250 : i32
    %lt3A_78 = arith.cmpi slt, %add3A_76, %lt3A_77 : i32
    %convert_element_type3A_79 = arith.extui %lt3A_78 : i1 to i32
    %cond3A_80 = arith.constant 0 : i32
    %cond3A_81 = arith.cmpi ne, %convert_element_type3A_79, %cond3A_80 : i32
    scf.if %cond3A_81 {
      %mul3A_180 = arith.constant 8000 : i32
      %mul3A_181 = arith.muli %add3A_76, %mul3A_180 : i32
      %dma_start3A = tpu.memref_slice %arg2[%mul3A_181] : memref<2000000xf32, #tpu.memory_space<hbm>> -> memref<8000xf32, #tpu.memory_space<hbm>>
      %dma_start3A_182 = tpu.memref_slice %arg2[%mul3A_181] : memref<2000000xf32, #tpu.memory_space<hbm>> -> memref<8000xf32, #tpu.memory_space<hbm>>
      tpu.enqueue_dma source(%dma_start3A_182 : memref<8000xf32, #tpu.memory_space<hbm>>) target(%arg9 : memref<8000xf32, #tpu.memory_space<vmem>>) target_semaphore(%arg14 : memref<!tpu.dma_semaphore, #tpu.memory_space<semaphore_mem>>)
      %dma_start3A_183 = tpu.memref_slice %arg3[%mul3A_181] : memref<2000000xi32, #tpu.memory_space<hbm>> -> memref<8000xi32, #tpu.memory_space<hbm>>
      %dma_start3A_184 = tpu.memref_slice %arg3[%mul3A_181] : memref<2000000xi32, #tpu.memory_space<hbm>> -> memref<8000xi32, #tpu.memory_space<hbm>>
      tpu.enqueue_dma source(%dma_start3A_184 : memref<8000xi32, #tpu.memory_space<hbm>>) target(%arg10 : memref<8000xi32, #tpu.memory_space<vmem>>) target_semaphore(%arg14 : memref<!tpu.dma_semaphore, #tpu.memory_space<semaphore_mem>>)
      %dma_start3A_185 = tpu.memref_slice %arg4[%mul3A_181] : memref<2000000xi32, #tpu.memory_space<hbm>> -> memref<8000xi32, #tpu.memory_space<hbm>>
      %dma_start3A_186 = tpu.memref_slice %arg4[%mul3A_181] : memref<2000000xi32, #tpu.memory_space<hbm>> -> memref<8000xi32, #tpu.memory_space<hbm>>
      tpu.enqueue_dma source(%dma_start3A_186 : memref<8000xi32, #tpu.memory_space<hbm>>) target(%arg11 : memref<8000xi32, #tpu.memory_space<vmem>>) target_semaphore(%arg14 : memref<!tpu.dma_semaphore, #tpu.memory_space<semaphore_mem>>)
    } else {
    }
    %add3A_82 = arith.constant 0 : i32
    %add3A_83 = arith.addi %add3A, %add3A_82 : i32
    %lt3A_84 = arith.constant 250 : i32
    %lt3A_85 = arith.cmpi slt, %add3A_83, %lt3A_84 : i32
    %convert_element_type3A_86 = arith.extui %lt3A_85 : i1 to i32
    %cond3A_87 = arith.constant 0 : i32
    %cond3A_88 = arith.cmpi ne, %convert_element_type3A_86, %cond3A_87 : i32
    scf.if %cond3A_88 {
      %mul3A_180 = arith.constant 8000 : i32
      %mul3A_181 = arith.muli %add3A_83, %mul3A_180 : i32
      %dma_wait3A = tpu.memref_slice %arg2[%mul3A_181] : memref<2000000xf32, #tpu.memory_space<hbm>> -> memref<8000xf32, #tpu.memory_space<hbm>>
      %dma_wait3A_182 = tpu.memref_slice %arg2[%mul3A_181] : memref<2000000xf32, #tpu.memory_space<hbm>> -> memref<8000xf32, #tpu.memory_space<hbm>>
      tpu.wait_dma2 semaphore(%arg13 : memref<!tpu.dma_semaphore, #tpu.memory_space<semaphore_mem>>) src(%dma_wait3A_182 : memref<8000xf32, #tpu.memory_space<hbm>>) dst(%arg6 : memref<8000xf32, #tpu.memory_space<vmem>>)
      %dma_wait3A_183 = tpu.memref_slice %arg3[%mul3A_181] : memref<2000000xi32, #tpu.memory_space<hbm>> -> memref<8000xi32, #tpu.memory_space<hbm>>
      %dma_wait3A_184 = tpu.memref_slice %arg3[%mul3A_181] : memref<2000000xi32, #tpu.memory_space<hbm>> -> memref<8000xi32, #tpu.memory_space<hbm>>
      tpu.wait_dma2 semaphore(%arg13 : memref<!tpu.dma_semaphore, #tpu.memory_space<semaphore_mem>>) src(%dma_wait3A_184 : memref<8000xi32, #tpu.memory_space<hbm>>) dst(%arg7 : memref<8000xi32, #tpu.memory_space<vmem>>)
      %dma_wait3A_185 = tpu.memref_slice %arg4[%mul3A_181] : memref<2000000xi32, #tpu.memory_space<hbm>> -> memref<8000xi32, #tpu.memory_space<hbm>>
      %dma_wait3A_186 = tpu.memref_slice %arg4[%mul3A_181] : memref<2000000xi32, #tpu.memory_space<hbm>> -> memref<8000xi32, #tpu.memory_space<hbm>>
      tpu.wait_dma2 semaphore(%arg13 : memref<!tpu.dma_semaphore, #tpu.memory_space<semaphore_mem>>) src(%dma_wait3A_186 : memref<8000xi32, #tpu.memory_space<hbm>>) dst(%arg8 : memref<8000xi32, #tpu.memory_space<vmem>>)
      %parallel_loop3A = arith.constant 0 : i32
      %parallel_loop3A_187 = arith.constant 500 : i32
      %parallel_loop3A_188 = arith.constant 1 : i32
      scf.for %parallel_loop3A_189 = %parallel_loop3A to %parallel_loop3A_187 step %parallel_loop3A_188  : i32 {
        %parallel_loop3A_190 = arith.constant 16 : i32
        %parallel_loop3A_191 = arith.muli %parallel_loop3A_189, %parallel_loop3A_190 : i32
        %parallel_loop3A_192 = arith.index_cast %parallel_loop3A_191 : i32 to index
        %parallel_loop3A_193 = tpu.vector_load %arg6[%parallel_loop3A_192] {strides = array<i32>} : memref<8000xf32, #tpu.memory_space<vmem>>, vector<16xf32>,
        %parallel_loop3A_194 = arith.constant 16 : i32
        %parallel_loop3A_195 = arith.muli %parallel_loop3A_189, %parallel_loop3A_194 : i32
        %parallel_loop3A_196 = arith.index_cast %parallel_loop3A_195 : i32 to index
        %parallel_loop3A_197 = tpu.vector_load %arg7[%parallel_loop3A_196] {strides = array<i32>} : memref<8000xi32, #tpu.memory_space<vmem>>, vector<16xi32>,
        %parallel_loop3A_198 = arith.constant 16 : i32
        %parallel_loop3A_199 = arith.muli %parallel_loop3A_189, %parallel_loop3A_198 : i32
        %parallel_loop3A_200 = arith.index_cast %parallel_loop3A_199 : i32 to index
        %parallel_loop3A_201 = tpu.vector_load %arg8[%parallel_loop3A_200] {strides = array<i32>} : memref<8000xi32, #tpu.memory_space<vmem>>, vector<16xi32>,
        %parallel_loop3A_202 = arith.cmpi eq, %parallel_loop3A_197, %parallel_loop3A_201 : vector<16xi32>
        %parallel_loop3A_203 = arith.constant 4.097000e+03 : f32
        %parallel_loop3A_204 = arith.constant 1.000000e+00 : f32
        %parallel_loop3A_205 = vector.broadcast %parallel_loop3A_203 : f32 to vector<16xf32>
        %parallel_loop3A_206 = vector.broadcast %parallel_loop3A_204 : f32 to vector<16xf32>
        %parallel_loop3A_207 = arith.select %parallel_loop3A_202, %parallel_loop3A_205, %parallel_loop3A_206 : vector<16xi1>, vector<16xf32>
        %parallel_loop3A_208 = arith.constant 1.000000e+01 : f32
        %parallel_loop3A_209 = vector.broadcast %parallel_loop3A_208 : f32 to vector<16xf32>
        %parallel_loop3A_210 = arith.mulf %parallel_loop3A_193, %parallel_loop3A_209 : vector<16xf32>
        %parallel_loop3A_211 = arith.fptosi %parallel_loop3A_210 : vector<16xf32> to vector<16xi32>
        %parallel_loop3A_212 = arith.constant 9 : i32
        %parallel_loop3A_213 = vector.broadcast %parallel_loop3A_212 : i32 to vector<16xi32>
        %parallel_loop3A_214 = arith.minsi %parallel_loop3A_211, %parallel_loop3A_213 : vector<16xi32>
        %parallel_loop3A_215 = arith.sitofp %parallel_loop3A_214 : vector<16xi32> to vector<16xf32>
        %parallel_loop3A_216 = arith.constant 9 : i32
        %parallel_loop3A_217 = vector.broadcast %parallel_loop3A_216 : i32 to vector<16xi32>
        %parallel_loop3A_218 = arith.cmpi eq, %parallel_loop3A_214, %parallel_loop3A_217 : vector<16xi32>
        %parallel_loop3A_219 = arith.constant 1.000000e-01 : f32
        %parallel_loop3A_220 = vector.broadcast %parallel_loop3A_219 : f32 to vector<16xf32>
        %parallel_loop3A_221 = arith.mulf %parallel_loop3A_215, %parallel_loop3A_220 : vector<16xf32>
        %parallel_loop3A_222 = arith.select %parallel_loop3A_218, %broadcast_in_dim3A_66, %parallel_loop3A_221 : vector<16xi1>, vector<16xf32>
        %parallel_loop3A_223 = arith.constant 8 : i32
        %parallel_loop3A_224 = vector.broadcast %parallel_loop3A_223 : i32 to vector<16xi32>
        %parallel_loop3A_225 = arith.cmpi eq, %parallel_loop3A_214, %parallel_loop3A_224 : vector<16xi32>
        %parallel_loop3A_226 = arith.constant 1.000000e+00 : f32
        %parallel_loop3A_227 = vector.broadcast %parallel_loop3A_226 : f32 to vector<16xf32>
        %parallel_loop3A_228 = arith.addf %parallel_loop3A_215, %parallel_loop3A_227 : vector<16xf32>
        %parallel_loop3A_229 = arith.constant 1.000000e-01 : f32
        %parallel_loop3A_230 = vector.broadcast %parallel_loop3A_229 : f32 to vector<16xf32>
        %parallel_loop3A_231 = arith.mulf %parallel_loop3A_228, %parallel_loop3A_230 : vector<16xf32>
        %parallel_loop3A_232 = arith.select %parallel_loop3A_225, %broadcast_in_dim3A_66, %parallel_loop3A_231 : vector<16xi1>, vector<16xf32>
        %parallel_loop3A_233 = arith.cmpf ogt, %parallel_loop3A_193, %parallel_loop3A_232 : vector<16xf32>
        %parallel_loop3A_234 = arith.select %parallel_loop3A_233, %broadcast_in_dim3A_68, %broadcast_in_dim3A_70 : vector<16xi1>, vector<16xi32>
        %parallel_loop3A_235 = arith.addi %parallel_loop3A_214, %parallel_loop3A_234 : vector<16xi32>
        %parallel_loop3A_236 = arith.cmpf ole, %parallel_loop3A_193, %parallel_loop3A_222 : vector<16xf32>
        %parallel_loop3A_237 = arith.select %parallel_loop3A_236, %broadcast_in_dim3A_68, %broadcast_in_dim3A_70 : vector<16xi1>, vector<16xi32>
        %parallel_loop3A_238 = arith.subi %parallel_loop3A_235, %parallel_loop3A_237 : vector<16xi32>
        %parallel_loop3A_239 = arith.constant 15 : i32
        %parallel_loop3A_240 = vector.broadcast %parallel_loop3A_239 : i32 to vector<16xi32>
        %parallel_loop3A_241 = arith.andi %parallel_loop3A_238, %parallel_loop3A_240 : vector<16xi32>
        %parallel_loop3A_242 = arith.constant 16 : i32
        %parallel_loop3A_243 = vector.broadcast %parallel_loop3A_242 : i32 to vector<16xi32>
        %parallel_loop3A_244 = arith.muli %parallel_loop3A_241, %parallel_loop3A_243 : vector<16xi32>
        %parallel_loop3A_245 = arith.addi %parallel_loop3A_244, %iota3A : vector<16xi32>
        tpu.vector_store_idx %arg12[%parallel_loop3A_245], %parallel_loop3A_207 {add = true} : memref<512xf32, #tpu.memory_space<vmem>>[vector<16xi32>], vector<16xf32>,
        %parallel_loop3A_246 = arith.constant 256 : i32
        %parallel_loop3A_247 = vector.broadcast %parallel_loop3A_246 : i32 to vector<16xi32>
        %parallel_loop3A_248 = arith.addi %parallel_loop3A_245, %parallel_loop3A_247 : vector<16xi32>
        tpu.vector_store_idx %arg12[%parallel_loop3A_248], %parallel_loop3A_193 {add = true} : memref<512xf32, #tpu.memory_space<vmem>>[vector<16xi32>], vector<16xf32>,
      } {sc.loop_unroll_factor = 4 : i64, sc.parallel_access}
    } else {
    }
    %add3A_89 = arith.constant 64 : i32
    %add3A_90 = arith.addi %add3A, %add3A_89 : i32
    %lt3A_91 = arith.constant 250 : i32
    %lt3A_92 = arith.cmpi slt, %add3A_90, %lt3A_91 : i32
    %convert_element_type3A_93 = arith.extui %lt3A_92 : i1 to i32
    %cond3A_94 = arith.constant 0 : i32
    %cond3A_95 = arith.cmpi ne, %convert_element_type3A_93, %cond3A_94 : i32
    scf.if %cond3A_95 {
      %mul3A_180 = arith.constant 8000 : i32
      %mul3A_181 = arith.muli %add3A_90, %mul3A_180 : i32
      %dma_start3A = tpu.memref_slice %arg2[%mul3A_181] : memref<2000000xf32, #tpu.memory_space<hbm>> -> memref<8000xf32, #tpu.memory_space<hbm>>
      %dma_start3A_182 = tpu.memref_slice %arg2[%mul3A_181] : memref<2000000xf32, #tpu.memory_space<hbm>> -> memref<8000xf32, #tpu.memory_space<hbm>>
      tpu.enqueue_dma source(%dma_start3A_182 : memref<8000xf32, #tpu.memory_space<hbm>>) target(%arg6 : memref<8000xf32, #tpu.memory_space<vmem>>) target_semaphore(%arg13 : memref<!tpu.dma_semaphore, #tpu.memory_space<semaphore_mem>>)
      %dma_start3A_183 = tpu.memref_slice %arg3[%mul3A_181] : memref<2000000xi32, #tpu.memory_space<hbm>> -> memref<8000xi32, #tpu.memory_space<hbm>>
      %dma_start3A_184 = tpu.memref_slice %arg3[%mul3A_181] : memref<2000000xi32, #tpu.memory_space<hbm>> -> memref<8000xi32, #tpu.memory_space<hbm>>
      tpu.enqueue_dma source(%dma_start3A_184 : memref<8000xi32, #tpu.memory_space<hbm>>) target(%arg7 : memref<8000xi32, #tpu.memory_space<vmem>>) target_semaphore(%arg13 : memref<!tpu.dma_semaphore, #tpu.memory_space<semaphore_mem>>)
      %dma_start3A_185 = tpu.memref_slice %arg4[%mul3A_181] : memref<2000000xi32, #tpu.memory_space<hbm>> -> memref<8000xi32, #tpu.memory_space<hbm>>
      %dma_start3A_186 = tpu.memref_slice %arg4[%mul3A_181] : memref<2000000xi32, #tpu.memory_space<hbm>> -> memref<8000xi32, #tpu.memory_space<hbm>>
      tpu.enqueue_dma source(%dma_start3A_186 : memref<8000xi32, #tpu.memory_space<hbm>>) target(%arg8 : memref<8000xi32, #tpu.memory_space<vmem>>) target_semaphore(%arg13 : memref<!tpu.dma_semaphore, #tpu.memory_space<semaphore_mem>>)
    } else {
    }
    %add3A_96 = arith.constant 32 : i32
    %add3A_97 = arith.addi %add3A, %add3A_96 : i32
    %lt3A_98 = arith.constant 250 : i32
    %lt3A_99 = arith.cmpi slt, %add3A_97, %lt3A_98 : i32
    %convert_element_type3A_100 = arith.extui %lt3A_99 : i1 to i32
    %cond3A_101 = arith.constant 0 : i32
    %cond3A_102 = arith.cmpi ne, %convert_element_type3A_100, %cond3A_101 : i32
    scf.if %cond3A_102 {
      %mul3A_180 = arith.constant 8000 : i32
      %mul3A_181 = arith.muli %add3A_97, %mul3A_180 : i32
      %dma_wait3A = tpu.memref_slice %arg2[%mul3A_181] : memref<2000000xf32, #tpu.memory_space<hbm>> -> memref<8000xf32, #tpu.memory_space<hbm>>
      %dma_wait3A_182 = tpu.memref_slice %arg2[%mul3A_181] : memref<2000000xf32, #tpu.memory_space<hbm>> -> memref<8000xf32, #tpu.memory_space<hbm>>
      tpu.wait_dma2 semaphore(%arg14 : memref<!tpu.dma_semaphore, #tpu.memory_space<semaphore_mem>>) src(%dma_wait3A_182 : memref<8000xf32, #tpu.memory_space<hbm>>) dst(%arg9 : memref<8000xf32, #tpu.memory_space<vmem>>)
      %dma_wait3A_183 = tpu.memref_slice %arg3[%mul3A_181] : memref<2000000xi32, #tpu.memory_space<hbm>> -> memref<8000xi32, #tpu.memory_space<hbm>>
      %dma_wait3A_184 = tpu.memref_slice %arg3[%mul3A_181] : memref<2000000xi32, #tpu.memory_space<hbm>> -> memref<8000xi32, #tpu.memory_space<hbm>>
      tpu.wait_dma2 semaphore(%arg14 : memref<!tpu.dma_semaphore, #tpu.memory_space<semaphore_mem>>) src(%dma_wait3A_184 : memref<8000xi32, #tpu.memory_space<hbm>>) dst(%arg10 : memref<8000xi32, #tpu.memory_space<vmem>>)
      %dma_wait3A_185 = tpu.memref_slice %arg4[%mul3A_181] : memref<2000000xi32, #tpu.memory_space<hbm>> -> memref<8000xi32, #tpu.memory_space<hbm>>
      %dma_wait3A_186 = tpu.memref_slice %arg4[%mul3A_181] : memref<2000000xi32, #tpu.memory_space<hbm>> -> memref<8000xi32, #tpu.memory_space<hbm>>
      tpu.wait_dma2 semaphore(%arg14 : memref<!tpu.dma_semaphore, #tpu.memory_space<semaphore_mem>>) src(%dma_wait3A_186 : memref<8000xi32, #tpu.memory_space<hbm>>) dst(%arg11 : memref<8000xi32, #tpu.memory_space<vmem>>)
      %parallel_loop3A = arith.constant 0 : i32
      %parallel_loop3A_187 = arith.constant 500 : i32
      %parallel_loop3A_188 = arith.constant 1 : i32
      scf.for %parallel_loop3A_189 = %parallel_loop3A to %parallel_loop3A_187 step %parallel_loop3A_188  : i32 {
        %parallel_loop3A_190 = arith.constant 16 : i32
        %parallel_loop3A_191 = arith.muli %parallel_loop3A_189, %parallel_loop3A_190 : i32
        %parallel_loop3A_192 = arith.index_cast %parallel_loop3A_191 : i32 to index
        %parallel_loop3A_193 = tpu.vector_load %arg9[%parallel_loop3A_192] {strides = array<i32>} : memref<8000xf32, #tpu.memory_space<vmem>>, vector<16xf32>,
        %parallel_loop3A_194 = arith.constant 16 : i32
        %parallel_loop3A_195 = arith.muli %parallel_loop3A_189, %parallel_loop3A_194 : i32
        %parallel_loop3A_196 = arith.index_cast %parallel_loop3A_195 : i32 to index
        %parallel_loop3A_197 = tpu.vector_load %arg10[%parallel_loop3A_196] {strides = array<i32>} : memref<8000xi32, #tpu.memory_space<vmem>>, vector<16xi32>,
        %parallel_loop3A_198 = arith.constant 16 : i32
        %parallel_loop3A_199 = arith.muli %parallel_loop3A_189, %parallel_loop3A_198 : i32
        %parallel_loop3A_200 = arith.index_cast %parallel_loop3A_199 : i32 to index
        %parallel_loop3A_201 = tpu.vector_load %arg11[%parallel_loop3A_200] {strides = array<i32>} : memref<8000xi32, #tpu.memory_space<vmem>>, vector<16xi32>,
        %parallel_loop3A_202 = arith.cmpi eq, %parallel_loop3A_197, %parallel_loop3A_201 : vector<16xi32>
        %parallel_loop3A_203 = arith.constant 4.097000e+03 : f32
        %parallel_loop3A_204 = arith.constant 1.000000e+00 : f32
        %parallel_loop3A_205 = vector.broadcast %parallel_loop3A_203 : f32 to vector<16xf32>
        %parallel_loop3A_206 = vector.broadcast %parallel_loop3A_204 : f32 to vector<16xf32>
        %parallel_loop3A_207 = arith.select %parallel_loop3A_202, %parallel_loop3A_205, %parallel_loop3A_206 : vector<16xi1>, vector<16xf32>
        %parallel_loop3A_208 = arith.constant 1.000000e+01 : f32
        %parallel_loop3A_209 = vector.broadcast %parallel_loop3A_208 : f32 to vector<16xf32>
        %parallel_loop3A_210 = arith.mulf %parallel_loop3A_193, %parallel_loop3A_209 : vector<16xf32>
        %parallel_loop3A_211 = arith.fptosi %parallel_loop3A_210 : vector<16xf32> to vector<16xi32>
        %parallel_loop3A_212 = arith.constant 9 : i32
        %parallel_loop3A_213 = vector.broadcast %parallel_loop3A_212 : i32 to vector<16xi32>
        %parallel_loop3A_214 = arith.minsi %parallel_loop3A_211, %parallel_loop3A_213 : vector<16xi32>
        %parallel_loop3A_215 = arith.sitofp %parallel_loop3A_214 : vector<16xi32> to vector<16xf32>
        %parallel_loop3A_216 = arith.constant 9 : i32
        %parallel_loop3A_217 = vector.broadcast %parallel_loop3A_216 : i32 to vector<16xi32>
        %parallel_loop3A_218 = arith.cmpi eq, %parallel_loop3A_214, %parallel_loop3A_217 : vector<16xi32>
        %parallel_loop3A_219 = arith.constant 1.000000e-01 : f32
        %parallel_loop3A_220 = vector.broadcast %parallel_loop3A_219 : f32 to vector<16xf32>
        %parallel_loop3A_221 = arith.mulf %parallel_loop3A_215, %parallel_loop3A_220 : vector<16xf32>
        %parallel_loop3A_222 = arith.select %parallel_loop3A_218, %broadcast_in_dim3A_66, %parallel_loop3A_221 : vector<16xi1>, vector<16xf32>
        %parallel_loop3A_223 = arith.constant 8 : i32
        %parallel_loop3A_224 = vector.broadcast %parallel_loop3A_223 : i32 to vector<16xi32>
        %parallel_loop3A_225 = arith.cmpi eq, %parallel_loop3A_214, %parallel_loop3A_224 : vector<16xi32>
        %parallel_loop3A_226 = arith.constant 1.000000e+00 : f32
        %parallel_loop3A_227 = vector.broadcast %parallel_loop3A_226 : f32 to vector<16xf32>
        %parallel_loop3A_228 = arith.addf %parallel_loop3A_215, %parallel_loop3A_227 : vector<16xf32>
        %parallel_loop3A_229 = arith.constant 1.000000e-01 : f32
        %parallel_loop3A_230 = vector.broadcast %parallel_loop3A_229 : f32 to vector<16xf32>
        %parallel_loop3A_231 = arith.mulf %parallel_loop3A_228, %parallel_loop3A_230 : vector<16xf32>
        %parallel_loop3A_232 = arith.select %parallel_loop3A_225, %broadcast_in_dim3A_66, %parallel_loop3A_231 : vector<16xi1>, vector<16xf32>
        %parallel_loop3A_233 = arith.cmpf ogt, %parallel_loop3A_193, %parallel_loop3A_232 : vector<16xf32>
        %parallel_loop3A_234 = arith.select %parallel_loop3A_233, %broadcast_in_dim3A_68, %broadcast_in_dim3A_70 : vector<16xi1>, vector<16xi32>
        %parallel_loop3A_235 = arith.addi %parallel_loop3A_214, %parallel_loop3A_234 : vector<16xi32>
        %parallel_loop3A_236 = arith.cmpf ole, %parallel_loop3A_193, %parallel_loop3A_222 : vector<16xf32>
        %parallel_loop3A_237 = arith.select %parallel_loop3A_236, %broadcast_in_dim3A_68, %broadcast_in_dim3A_70 : vector<16xi1>, vector<16xi32>
        %parallel_loop3A_238 = arith.subi %parallel_loop3A_235, %parallel_loop3A_237 : vector<16xi32>
        %parallel_loop3A_239 = arith.constant 15 : i32
        %parallel_loop3A_240 = vector.broadcast %parallel_loop3A_239 : i32 to vector<16xi32>
        %parallel_loop3A_241 = arith.andi %parallel_loop3A_238, %parallel_loop3A_240 : vector<16xi32>
        %parallel_loop3A_242 = arith.constant 16 : i32
        %parallel_loop3A_243 = vector.broadcast %parallel_loop3A_242 : i32 to vector<16xi32>
        %parallel_loop3A_244 = arith.muli %parallel_loop3A_241, %parallel_loop3A_243 : vector<16xi32>
        %parallel_loop3A_245 = arith.addi %parallel_loop3A_244, %iota3A : vector<16xi32>
        tpu.vector_store_idx %arg12[%parallel_loop3A_245], %parallel_loop3A_207 {add = true} : memref<512xf32, #tpu.memory_space<vmem>>[vector<16xi32>], vector<16xf32>,
        %parallel_loop3A_246 = arith.constant 256 : i32
        %parallel_loop3A_247 = vector.broadcast %parallel_loop3A_246 : i32 to vector<16xi32>
        %parallel_loop3A_248 = arith.addi %parallel_loop3A_245, %parallel_loop3A_247 : vector<16xi32>
        tpu.vector_store_idx %arg12[%parallel_loop3A_248], %parallel_loop3A_193 {add = true} : memref<512xf32, #tpu.memory_space<vmem>>[vector<16xi32>], vector<16xf32>,
      } {sc.loop_unroll_factor = 4 : i64, sc.parallel_access}
    } else {
    }
    %add3A_103 = arith.constant 96 : i32
    %add3A_104 = arith.addi %add3A, %add3A_103 : i32
    %lt3A_105 = arith.constant 250 : i32
    %lt3A_106 = arith.cmpi slt, %add3A_104, %lt3A_105 : i32
    %convert_element_type3A_107 = arith.extui %lt3A_106 : i1 to i32
    %cond3A_108 = arith.constant 0 : i32
    %cond3A_109 = arith.cmpi ne, %convert_element_type3A_107, %cond3A_108 : i32
    scf.if %cond3A_109 {
      %mul3A_180 = arith.constant 8000 : i32
      %mul3A_181 = arith.muli %add3A_104, %mul3A_180 : i32
      %dma_start3A = tpu.memref_slice %arg2[%mul3A_181] : memref<2000000xf32, #tpu.memory_space<hbm>> -> memref<8000xf32, #tpu.memory_space<hbm>>
      %dma_start3A_182 = tpu.memref_slice %arg2[%mul3A_181] : memref<2000000xf32, #tpu.memory_space<hbm>> -> memref<8000xf32, #tpu.memory_space<hbm>>
      tpu.enqueue_dma source(%dma_start3A_182 : memref<8000xf32, #tpu.memory_space<hbm>>) target(%arg9 : memref<8000xf32, #tpu.memory_space<vmem>>) target_semaphore(%arg14 : memref<!tpu.dma_semaphore, #tpu.memory_space<semaphore_mem>>)
      %dma_start3A_183 = tpu.memref_slice %arg3[%mul3A_181] : memref<2000000xi32, #tpu.memory_space<hbm>> -> memref<8000xi32, #tpu.memory_space<hbm>>
      %dma_start3A_184 = tpu.memref_slice %arg3[%mul3A_181] : memref<2000000xi32, #tpu.memory_space<hbm>> -> memref<8000xi32, #tpu.memory_space<hbm>>
      tpu.enqueue_dma source(%dma_start3A_184 : memref<8000xi32, #tpu.memory_space<hbm>>) target(%arg10 : memref<8000xi32, #tpu.memory_space<vmem>>) target_semaphore(%arg14 : memref<!tpu.dma_semaphore, #tpu.memory_space<semaphore_mem>>)
      %dma_start3A_185 = tpu.memref_slice %arg4[%mul3A_181] : memref<2000000xi32, #tpu.memory_space<hbm>> -> memref<8000xi32, #tpu.memory_space<hbm>>
      %dma_start3A_186 = tpu.memref_slice %arg4[%mul3A_181] : memref<2000000xi32, #tpu.memory_space<hbm>> -> memref<8000xi32, #tpu.memory_space<hbm>>
      tpu.enqueue_dma source(%dma_start3A_186 : memref<8000xi32, #tpu.memory_space<hbm>>) target(%arg11 : memref<8000xi32, #tpu.memory_space<vmem>>) target_semaphore(%arg14 : memref<!tpu.dma_semaphore, #tpu.memory_space<semaphore_mem>>)
    } else {
    }
    %add3A_110 = arith.constant 64 : i32
    %add3A_111 = arith.addi %add3A, %add3A_110 : i32
    %lt3A_112 = arith.constant 250 : i32
    %lt3A_113 = arith.cmpi slt, %add3A_111, %lt3A_112 : i32
    %convert_element_type3A_114 = arith.extui %lt3A_113 : i1 to i32
    %cond3A_115 = arith.constant 0 : i32
    %cond3A_116 = arith.cmpi ne, %convert_element_type3A_114, %cond3A_115 : i32
    scf.if %cond3A_116 {
      %mul3A_180 = arith.constant 8000 : i32
      %mul3A_181 = arith.muli %add3A_111, %mul3A_180 : i32
      %dma_wait3A = tpu.memref_slice %arg2[%mul3A_181] : memref<2000000xf32, #tpu.memory_space<hbm>> -> memref<8000xf32, #tpu.memory_space<hbm>>
      %dma_wait3A_182 = tpu.memref_slice %arg2[%mul3A_181] : memref<2000000xf32, #tpu.memory_space<hbm>> -> memref<8000xf32, #tpu.memory_space<hbm>>
      tpu.wait_dma2 semaphore(%arg13 : memref<!tpu.dma_semaphore, #tpu.memory_space<semaphore_mem>>) src(%dma_wait3A_182 : memref<8000xf32, #tpu.memory_space<hbm>>) dst(%arg6 : memref<8000xf32, #tpu.memory_space<vmem>>)
      %dma_wait3A_183 = tpu.memref_slice %arg3[%mul3A_181] : memref<2000000xi32, #tpu.memory_space<hbm>> -> memref<8000xi32, #tpu.memory_space<hbm>>
      %dma_wait3A_184 = tpu.memref_slice %arg3[%mul3A_181] : memref<2000000xi32, #tpu.memory_space<hbm>> -> memref<8000xi32, #tpu.memory_space<hbm>>
      tpu.wait_dma2 semaphore(%arg13 : memref<!tpu.dma_semaphore, #tpu.memory_space<semaphore_mem>>) src(%dma_wait3A_184 : memref<8000xi32, #tpu.memory_space<hbm>>) dst(%arg7 : memref<8000xi32, #tpu.memory_space<vmem>>)
      %dma_wait3A_185 = tpu.memref_slice %arg4[%mul3A_181] : memref<2000000xi32, #tpu.memory_space<hbm>> -> memref<8000xi32, #tpu.memory_space<hbm>>
      %dma_wait3A_186 = tpu.memref_slice %arg4[%mul3A_181] : memref<2000000xi32, #tpu.memory_space<hbm>> -> memref<8000xi32, #tpu.memory_space<hbm>>
      tpu.wait_dma2 semaphore(%arg13 : memref<!tpu.dma_semaphore, #tpu.memory_space<semaphore_mem>>) src(%dma_wait3A_186 : memref<8000xi32, #tpu.memory_space<hbm>>) dst(%arg8 : memref<8000xi32, #tpu.memory_space<vmem>>)
      %parallel_loop3A = arith.constant 0 : i32
      %parallel_loop3A_187 = arith.constant 500 : i32
      %parallel_loop3A_188 = arith.constant 1 : i32
      scf.for %parallel_loop3A_189 = %parallel_loop3A to %parallel_loop3A_187 step %parallel_loop3A_188  : i32 {
        %parallel_loop3A_190 = arith.constant 16 : i32
        %parallel_loop3A_191 = arith.muli %parallel_loop3A_189, %parallel_loop3A_190 : i32
        %parallel_loop3A_192 = arith.index_cast %parallel_loop3A_191 : i32 to index
        %parallel_loop3A_193 = tpu.vector_load %arg6[%parallel_loop3A_192] {strides = array<i32>} : memref<8000xf32, #tpu.memory_space<vmem>>, vector<16xf32>,
        %parallel_loop3A_194 = arith.constant 16 : i32
        %parallel_loop3A_195 = arith.muli %parallel_loop3A_189, %parallel_loop3A_194 : i32
        %parallel_loop3A_196 = arith.index_cast %parallel_loop3A_195 : i32 to index
        %parallel_loop3A_197 = tpu.vector_load %arg7[%parallel_loop3A_196] {strides = array<i32>} : memref<8000xi32, #tpu.memory_space<vmem>>, vector<16xi32>,
        %parallel_loop3A_198 = arith.constant 16 : i32
        %parallel_loop3A_199 = arith.muli %parallel_loop3A_189, %parallel_loop3A_198 : i32
        %parallel_loop3A_200 = arith.index_cast %parallel_loop3A_199 : i32 to index
        %parallel_loop3A_201 = tpu.vector_load %arg8[%parallel_loop3A_200] {strides = array<i32>} : memref<8000xi32, #tpu.memory_space<vmem>>, vector<16xi32>,
        %parallel_loop3A_202 = arith.cmpi eq, %parallel_loop3A_197, %parallel_loop3A_201 : vector<16xi32>
        %parallel_loop3A_203 = arith.constant 4.097000e+03 : f32
        %parallel_loop3A_204 = arith.constant 1.000000e+00 : f32
        %parallel_loop3A_205 = vector.broadcast %parallel_loop3A_203 : f32 to vector<16xf32>
        %parallel_loop3A_206 = vector.broadcast %parallel_loop3A_204 : f32 to vector<16xf32>
        %parallel_loop3A_207 = arith.select %parallel_loop3A_202, %parallel_loop3A_205, %parallel_loop3A_206 : vector<16xi1>, vector<16xf32>
        %parallel_loop3A_208 = arith.constant 1.000000e+01 : f32
        %parallel_loop3A_209 = vector.broadcast %parallel_loop3A_208 : f32 to vector<16xf32>
        %parallel_loop3A_210 = arith.mulf %parallel_loop3A_193, %parallel_loop3A_209 : vector<16xf32>
        %parallel_loop3A_211 = arith.fptosi %parallel_loop3A_210 : vector<16xf32> to vector<16xi32>
        %parallel_loop3A_212 = arith.constant 9 : i32
        %parallel_loop3A_213 = vector.broadcast %parallel_loop3A_212 : i32 to vector<16xi32>
        %parallel_loop3A_214 = arith.minsi %parallel_loop3A_211, %parallel_loop3A_213 : vector<16xi32>
        %parallel_loop3A_215 = arith.sitofp %parallel_loop3A_214 : vector<16xi32> to vector<16xf32>
        %parallel_loop3A_216 = arith.constant 9 : i32
        %parallel_loop3A_217 = vector.broadcast %parallel_loop3A_216 : i32 to vector<16xi32>
        %parallel_loop3A_218 = arith.cmpi eq, %parallel_loop3A_214, %parallel_loop3A_217 : vector<16xi32>
        %parallel_loop3A_219 = arith.constant 1.000000e-01 : f32
        %parallel_loop3A_220 = vector.broadcast %parallel_loop3A_219 : f32 to vector<16xf32>
        %parallel_loop3A_221 = arith.mulf %parallel_loop3A_215, %parallel_loop3A_220 : vector<16xf32>
        %parallel_loop3A_222 = arith.select %parallel_loop3A_218, %broadcast_in_dim3A_66, %parallel_loop3A_221 : vector<16xi1>, vector<16xf32>
        %parallel_loop3A_223 = arith.constant 8 : i32
        %parallel_loop3A_224 = vector.broadcast %parallel_loop3A_223 : i32 to vector<16xi32>
        %parallel_loop3A_225 = arith.cmpi eq, %parallel_loop3A_214, %parallel_loop3A_224 : vector<16xi32>
        %parallel_loop3A_226 = arith.constant 1.000000e+00 : f32
        %parallel_loop3A_227 = vector.broadcast %parallel_loop3A_226 : f32 to vector<16xf32>
        %parallel_loop3A_228 = arith.addf %parallel_loop3A_215, %parallel_loop3A_227 : vector<16xf32>
        %parallel_loop3A_229 = arith.constant 1.000000e-01 : f32
        %parallel_loop3A_230 = vector.broadcast %parallel_loop3A_229 : f32 to vector<16xf32>
        %parallel_loop3A_231 = arith.mulf %parallel_loop3A_228, %parallel_loop3A_230 : vector<16xf32>
        %parallel_loop3A_232 = arith.select %parallel_loop3A_225, %broadcast_in_dim3A_66, %parallel_loop3A_231 : vector<16xi1>, vector<16xf32>
        %parallel_loop3A_233 = arith.cmpf ogt, %parallel_loop3A_193, %parallel_loop3A_232 : vector<16xf32>
        %parallel_loop3A_234 = arith.select %parallel_loop3A_233, %broadcast_in_dim3A_68, %broadcast_in_dim3A_70 : vector<16xi1>, vector<16xi32>
        %parallel_loop3A_235 = arith.addi %parallel_loop3A_214, %parallel_loop3A_234 : vector<16xi32>
        %parallel_loop3A_236 = arith.cmpf ole, %parallel_loop3A_193, %parallel_loop3A_222 : vector<16xf32>
        %parallel_loop3A_237 = arith.select %parallel_loop3A_236, %broadcast_in_dim3A_68, %broadcast_in_dim3A_70 : vector<16xi1>, vector<16xi32>
        %parallel_loop3A_238 = arith.subi %parallel_loop3A_235, %parallel_loop3A_237 : vector<16xi32>
        %parallel_loop3A_239 = arith.constant 15 : i32
        %parallel_loop3A_240 = vector.broadcast %parallel_loop3A_239 : i32 to vector<16xi32>
        %parallel_loop3A_241 = arith.andi %parallel_loop3A_238, %parallel_loop3A_240 : vector<16xi32>
        %parallel_loop3A_242 = arith.constant 16 : i32
        %parallel_loop3A_243 = vector.broadcast %parallel_loop3A_242 : i32 to vector<16xi32>
        %parallel_loop3A_244 = arith.muli %parallel_loop3A_241, %parallel_loop3A_243 : vector<16xi32>
        %parallel_loop3A_245 = arith.addi %parallel_loop3A_244, %iota3A : vector<16xi32>
        tpu.vector_store_idx %arg12[%parallel_loop3A_245], %parallel_loop3A_207 {add = true} : memref<512xf32, #tpu.memory_space<vmem>>[vector<16xi32>], vector<16xf32>,
        %parallel_loop3A_246 = arith.constant 256 : i32
        %parallel_loop3A_247 = vector.broadcast %parallel_loop3A_246 : i32 to vector<16xi32>
        %parallel_loop3A_248 = arith.addi %parallel_loop3A_245, %parallel_loop3A_247 : vector<16xi32>
        tpu.vector_store_idx %arg12[%parallel_loop3A_248], %parallel_loop3A_193 {add = true} : memref<512xf32, #tpu.memory_space<vmem>>[vector<16xi32>], vector<16xf32>,
      } {sc.loop_unroll_factor = 4 : i64, sc.parallel_access}
    } else {
    }
    %add3A_117 = arith.constant 128 : i32
    %add3A_118 = arith.addi %add3A, %add3A_117 : i32
    %lt3A_119 = arith.constant 250 : i32
    %lt3A_120 = arith.cmpi slt, %add3A_118, %lt3A_119 : i32
    %convert_element_type3A_121 = arith.extui %lt3A_120 : i1 to i32
    %cond3A_122 = arith.constant 0 : i32
    %cond3A_123 = arith.cmpi ne, %convert_element_type3A_121, %cond3A_122 : i32
    scf.if %cond3A_123 {
      %mul3A_180 = arith.constant 8000 : i32
      %mul3A_181 = arith.muli %add3A_118, %mul3A_180 : i32
      %dma_start3A = tpu.memref_slice %arg2[%mul3A_181] : memref<2000000xf32, #tpu.memory_space<hbm>> -> memref<8000xf32, #tpu.memory_space<hbm>>
      %dma_start3A_182 = tpu.memref_slice %arg2[%mul3A_181] : memref<2000000xf32, #tpu.memory_space<hbm>> -> memref<8000xf32, #tpu.memory_space<hbm>>
      tpu.enqueue_dma source(%dma_start3A_182 : memref<8000xf32, #tpu.memory_space<hbm>>) target(%arg6 : memref<8000xf32, #tpu.memory_space<vmem>>) target_semaphore(%arg13 : memref<!tpu.dma_semaphore, #tpu.memory_space<semaphore_mem>>)
      %dma_start3A_183 = tpu.memref_slice %arg3[%mul3A_181] : memref<2000000xi32, #tpu.memory_space<hbm>> -> memref<8000xi32, #tpu.memory_space<hbm>>
      %dma_start3A_184 = tpu.memref_slice %arg3[%mul3A_181] : memref<2000000xi32, #tpu.memory_space<hbm>> -> memref<8000xi32, #tpu.memory_space<hbm>>
      tpu.enqueue_dma source(%dma_start3A_184 : memref<8000xi32, #tpu.memory_space<hbm>>) target(%arg7 : memref<8000xi32, #tpu.memory_space<vmem>>) target_semaphore(%arg13 : memref<!tpu.dma_semaphore, #tpu.memory_space<semaphore_mem>>)
      %dma_start3A_185 = tpu.memref_slice %arg4[%mul3A_181] : memref<2000000xi32, #tpu.memory_space<hbm>> -> memref<8000xi32, #tpu.memory_space<hbm>>
      %dma_start3A_186 = tpu.memref_slice %arg4[%mul3A_181] : memref<2000000xi32, #tpu.memory_space<hbm>> -> memref<8000xi32, #tpu.memory_space<hbm>>
      tpu.enqueue_dma source(%dma_start3A_186 : memref<8000xi32, #tpu.memory_space<hbm>>) target(%arg8 : memref<8000xi32, #tpu.memory_space<vmem>>) target_semaphore(%arg13 : memref<!tpu.dma_semaphore, #tpu.memory_space<semaphore_mem>>)
    } else {
    }
    %add3A_124 = arith.constant 96 : i32
    %add3A_125 = arith.addi %add3A, %add3A_124 : i32
    %lt3A_126 = arith.constant 250 : i32
    %lt3A_127 = arith.cmpi slt, %add3A_125, %lt3A_126 : i32
    %convert_element_type3A_128 = arith.extui %lt3A_127 : i1 to i32
    %cond3A_129 = arith.constant 0 : i32
    %cond3A_130 = arith.cmpi ne, %convert_element_type3A_128, %cond3A_129 : i32
    scf.if %cond3A_130 {
      %mul3A_180 = arith.constant 8000 : i32
      %mul3A_181 = arith.muli %add3A_125, %mul3A_180 : i32
      %dma_wait3A = tpu.memref_slice %arg2[%mul3A_181] : memref<2000000xf32, #tpu.memory_space<hbm>> -> memref<8000xf32, #tpu.memory_space<hbm>>
      %dma_wait3A_182 = tpu.memref_slice %arg2[%mul3A_181] : memref<2000000xf32, #tpu.memory_space<hbm>> -> memref<8000xf32, #tpu.memory_space<hbm>>
      tpu.wait_dma2 semaphore(%arg14 : memref<!tpu.dma_semaphore, #tpu.memory_space<semaphore_mem>>) src(%dma_wait3A_182 : memref<8000xf32, #tpu.memory_space<hbm>>) dst(%arg9 : memref<8000xf32, #tpu.memory_space<vmem>>)
      %dma_wait3A_183 = tpu.memref_slice %arg3[%mul3A_181] : memref<2000000xi32, #tpu.memory_space<hbm>> -> memref<8000xi32, #tpu.memory_space<hbm>>
      %dma_wait3A_184 = tpu.memref_slice %arg3[%mul3A_181] : memref<2000000xi32, #tpu.memory_space<hbm>> -> memref<8000xi32, #tpu.memory_space<hbm>>
      tpu.wait_dma2 semaphore(%arg14 : memref<!tpu.dma_semaphore, #tpu.memory_space<semaphore_mem>>) src(%dma_wait3A_184 : memref<8000xi32, #tpu.memory_space<hbm>>) dst(%arg10 : memref<8000xi32, #tpu.memory_space<vmem>>)
      %dma_wait3A_185 = tpu.memref_slice %arg4[%mul3A_181] : memref<2000000xi32, #tpu.memory_space<hbm>> -> memref<8000xi32, #tpu.memory_space<hbm>>
      %dma_wait3A_186 = tpu.memref_slice %arg4[%mul3A_181] : memref<2000000xi32, #tpu.memory_space<hbm>> -> memref<8000xi32, #tpu.memory_space<hbm>>
      tpu.wait_dma2 semaphore(%arg14 : memref<!tpu.dma_semaphore, #tpu.memory_space<semaphore_mem>>) src(%dma_wait3A_186 : memref<8000xi32, #tpu.memory_space<hbm>>) dst(%arg11 : memref<8000xi32, #tpu.memory_space<vmem>>)
      %parallel_loop3A = arith.constant 0 : i32
      %parallel_loop3A_187 = arith.constant 500 : i32
      %parallel_loop3A_188 = arith.constant 1 : i32
      scf.for %parallel_loop3A_189 = %parallel_loop3A to %parallel_loop3A_187 step %parallel_loop3A_188  : i32 {
        %parallel_loop3A_190 = arith.constant 16 : i32
        %parallel_loop3A_191 = arith.muli %parallel_loop3A_189, %parallel_loop3A_190 : i32
        %parallel_loop3A_192 = arith.index_cast %parallel_loop3A_191 : i32 to index
        %parallel_loop3A_193 = tpu.vector_load %arg9[%parallel_loop3A_192] {strides = array<i32>} : memref<8000xf32, #tpu.memory_space<vmem>>, vector<16xf32>,
        %parallel_loop3A_194 = arith.constant 16 : i32
        %parallel_loop3A_195 = arith.muli %parallel_loop3A_189, %parallel_loop3A_194 : i32
        %parallel_loop3A_196 = arith.index_cast %parallel_loop3A_195 : i32 to index
        %parallel_loop3A_197 = tpu.vector_load %arg10[%parallel_loop3A_196] {strides = array<i32>} : memref<8000xi32, #tpu.memory_space<vmem>>, vector<16xi32>,
        %parallel_loop3A_198 = arith.constant 16 : i32
        %parallel_loop3A_199 = arith.muli %parallel_loop3A_189, %parallel_loop3A_198 : i32
        %parallel_loop3A_200 = arith.index_cast %parallel_loop3A_199 : i32 to index
        %parallel_loop3A_201 = tpu.vector_load %arg11[%parallel_loop3A_200] {strides = array<i32>} : memref<8000xi32, #tpu.memory_space<vmem>>, vector<16xi32>,
        %parallel_loop3A_202 = arith.cmpi eq, %parallel_loop3A_197, %parallel_loop3A_201 : vector<16xi32>
        %parallel_loop3A_203 = arith.constant 4.097000e+03 : f32
        %parallel_loop3A_204 = arith.constant 1.000000e+00 : f32
        %parallel_loop3A_205 = vector.broadcast %parallel_loop3A_203 : f32 to vector<16xf32>
        %parallel_loop3A_206 = vector.broadcast %parallel_loop3A_204 : f32 to vector<16xf32>
        %parallel_loop3A_207 = arith.select %parallel_loop3A_202, %parallel_loop3A_205, %parallel_loop3A_206 : vector<16xi1>, vector<16xf32>
        %parallel_loop3A_208 = arith.constant 1.000000e+01 : f32
        %parallel_loop3A_209 = vector.broadcast %parallel_loop3A_208 : f32 to vector<16xf32>
        %parallel_loop3A_210 = arith.mulf %parallel_loop3A_193, %parallel_loop3A_209 : vector<16xf32>
        %parallel_loop3A_211 = arith.fptosi %parallel_loop3A_210 : vector<16xf32> to vector<16xi32>
        %parallel_loop3A_212 = arith.constant 9 : i32
        %parallel_loop3A_213 = vector.broadcast %parallel_loop3A_212 : i32 to vector<16xi32>
        %parallel_loop3A_214 = arith.minsi %parallel_loop3A_211, %parallel_loop3A_213 : vector<16xi32>
        %parallel_loop3A_215 = arith.sitofp %parallel_loop3A_214 : vector<16xi32> to vector<16xf32>
        %parallel_loop3A_216 = arith.constant 9 : i32
        %parallel_loop3A_217 = vector.broadcast %parallel_loop3A_216 : i32 to vector<16xi32>
        %parallel_loop3A_218 = arith.cmpi eq, %parallel_loop3A_214, %parallel_loop3A_217 : vector<16xi32>
        %parallel_loop3A_219 = arith.constant 1.000000e-01 : f32
        %parallel_loop3A_220 = vector.broadcast %parallel_loop3A_219 : f32 to vector<16xf32>
        %parallel_loop3A_221 = arith.mulf %parallel_loop3A_215, %parallel_loop3A_220 : vector<16xf32>
        %parallel_loop3A_222 = arith.select %parallel_loop3A_218, %broadcast_in_dim3A_66, %parallel_loop3A_221 : vector<16xi1>, vector<16xf32>
        %parallel_loop3A_223 = arith.constant 8 : i32
        %parallel_loop3A_224 = vector.broadcast %parallel_loop3A_223 : i32 to vector<16xi32>
        %parallel_loop3A_225 = arith.cmpi eq, %parallel_loop3A_214, %parallel_loop3A_224 : vector<16xi32>
        %parallel_loop3A_226 = arith.constant 1.000000e+00 : f32
        %parallel_loop3A_227 = vector.broadcast %parallel_loop3A_226 : f32 to vector<16xf32>
        %parallel_loop3A_228 = arith.addf %parallel_loop3A_215, %parallel_loop3A_227 : vector<16xf32>
        %parallel_loop3A_229 = arith.constant 1.000000e-01 : f32
        %parallel_loop3A_230 = vector.broadcast %parallel_loop3A_229 : f32 to vector<16xf32>
        %parallel_loop3A_231 = arith.mulf %parallel_loop3A_228, %parallel_loop3A_230 : vector<16xf32>
        %parallel_loop3A_232 = arith.select %parallel_loop3A_225, %broadcast_in_dim3A_66, %parallel_loop3A_231 : vector<16xi1>, vector<16xf32>
        %parallel_loop3A_233 = arith.cmpf ogt, %parallel_loop3A_193, %parallel_loop3A_232 : vector<16xf32>
        %parallel_loop3A_234 = arith.select %parallel_loop3A_233, %broadcast_in_dim3A_68, %broadcast_in_dim3A_70 : vector<16xi1>, vector<16xi32>
        %parallel_loop3A_235 = arith.addi %parallel_loop3A_214, %parallel_loop3A_234 : vector<16xi32>
        %parallel_loop3A_236 = arith.cmpf ole, %parallel_loop3A_193, %parallel_loop3A_222 : vector<16xf32>
        %parallel_loop3A_237 = arith.select %parallel_loop3A_236, %broadcast_in_dim3A_68, %broadcast_in_dim3A_70 : vector<16xi1>, vector<16xi32>
        %parallel_loop3A_238 = arith.subi %parallel_loop3A_235, %parallel_loop3A_237 : vector<16xi32>
        %parallel_loop3A_239 = arith.constant 15 : i32
        %parallel_loop3A_240 = vector.broadcast %parallel_loop3A_239 : i32 to vector<16xi32>
        %parallel_loop3A_241 = arith.andi %parallel_loop3A_238, %parallel_loop3A_240 : vector<16xi32>
        %parallel_loop3A_242 = arith.constant 16 : i32
        %parallel_loop3A_243 = vector.broadcast %parallel_loop3A_242 : i32 to vector<16xi32>
        %parallel_loop3A_244 = arith.muli %parallel_loop3A_241, %parallel_loop3A_243 : vector<16xi32>
        %parallel_loop3A_245 = arith.addi %parallel_loop3A_244, %iota3A : vector<16xi32>
        tpu.vector_store_idx %arg12[%parallel_loop3A_245], %parallel_loop3A_207 {add = true} : memref<512xf32, #tpu.memory_space<vmem>>[vector<16xi32>], vector<16xf32>,
        %parallel_loop3A_246 = arith.constant 256 : i32
        %parallel_loop3A_247 = vector.broadcast %parallel_loop3A_246 : i32 to vector<16xi32>
        %parallel_loop3A_248 = arith.addi %parallel_loop3A_245, %parallel_loop3A_247 : vector<16xi32>
        tpu.vector_store_idx %arg12[%parallel_loop3A_248], %parallel_loop3A_193 {add = true} : memref<512xf32, #tpu.memory_space<vmem>>[vector<16xi32>], vector<16xf32>,
      } {sc.loop_unroll_factor = 4 : i64, sc.parallel_access}
    } else {
    }
    %add3A_131 = arith.constant 160 : i32
    %add3A_132 = arith.addi %add3A, %add3A_131 : i32
    %lt3A_133 = arith.constant 250 : i32
    %lt3A_134 = arith.cmpi slt, %add3A_132, %lt3A_133 : i32
    %convert_element_type3A_135 = arith.extui %lt3A_134 : i1 to i32
    %cond3A_136 = arith.constant 0 : i32
    %cond3A_137 = arith.cmpi ne, %convert_element_type3A_135, %cond3A_136 : i32
    scf.if %cond3A_137 {
      %mul3A_180 = arith.constant 8000 : i32
      %mul3A_181 = arith.muli %add3A_132, %mul3A_180 : i32
      %dma_start3A = tpu.memref_slice %arg2[%mul3A_181] : memref<2000000xf32, #tpu.memory_space<hbm>> -> memref<8000xf32, #tpu.memory_space<hbm>>
      %dma_start3A_182 = tpu.memref_slice %arg2[%mul3A_181] : memref<2000000xf32, #tpu.memory_space<hbm>> -> memref<8000xf32, #tpu.memory_space<hbm>>
      tpu.enqueue_dma source(%dma_start3A_182 : memref<8000xf32, #tpu.memory_space<hbm>>) target(%arg9 : memref<8000xf32, #tpu.memory_space<vmem>>) target_semaphore(%arg14 : memref<!tpu.dma_semaphore, #tpu.memory_space<semaphore_mem>>)
      %dma_start3A_183 = tpu.memref_slice %arg3[%mul3A_181] : memref<2000000xi32, #tpu.memory_space<hbm>> -> memref<8000xi32, #tpu.memory_space<hbm>>
      %dma_start3A_184 = tpu.memref_slice %arg3[%mul3A_181] : memref<2000000xi32, #tpu.memory_space<hbm>> -> memref<8000xi32, #tpu.memory_space<hbm>>
      tpu.enqueue_dma source(%dma_start3A_184 : memref<8000xi32, #tpu.memory_space<hbm>>) target(%arg10 : memref<8000xi32, #tpu.memory_space<vmem>>) target_semaphore(%arg14 : memref<!tpu.dma_semaphore, #tpu.memory_space<semaphore_mem>>)
      %dma_start3A_185 = tpu.memref_slice %arg4[%mul3A_181] : memref<2000000xi32, #tpu.memory_space<hbm>> -> memref<8000xi32, #tpu.memory_space<hbm>>
      %dma_start3A_186 = tpu.memref_slice %arg4[%mul3A_181] : memref<2000000xi32, #tpu.memory_space<hbm>> -> memref<8000xi32, #tpu.memory_space<hbm>>
      tpu.enqueue_dma source(%dma_start3A_186 : memref<8000xi32, #tpu.memory_space<hbm>>) target(%arg11 : memref<8000xi32, #tpu.memory_space<vmem>>) target_semaphore(%arg14 : memref<!tpu.dma_semaphore, #tpu.memory_space<semaphore_mem>>)
    } else {
    }
    %add3A_138 = arith.constant 128 : i32
    %add3A_139 = arith.addi %add3A, %add3A_138 : i32
    %lt3A_140 = arith.constant 250 : i32
    %lt3A_141 = arith.cmpi slt, %add3A_139, %lt3A_140 : i32
    %convert_element_type3A_142 = arith.extui %lt3A_141 : i1 to i32
    %cond3A_143 = arith.constant 0 : i32
    %cond3A_144 = arith.cmpi ne, %convert_element_type3A_142, %cond3A_143 : i32
    scf.if %cond3A_144 {
      %mul3A_180 = arith.constant 8000 : i32
      %mul3A_181 = arith.muli %add3A_139, %mul3A_180 : i32
      %dma_wait3A = tpu.memref_slice %arg2[%mul3A_181] : memref<2000000xf32, #tpu.memory_space<hbm>> -> memref<8000xf32, #tpu.memory_space<hbm>>
      %dma_wait3A_182 = tpu.memref_slice %arg2[%mul3A_181] : memref<2000000xf32, #tpu.memory_space<hbm>> -> memref<8000xf32, #tpu.memory_space<hbm>>
      tpu.wait_dma2 semaphore(%arg13 : memref<!tpu.dma_semaphore, #tpu.memory_space<semaphore_mem>>) src(%dma_wait3A_182 : memref<8000xf32, #tpu.memory_space<hbm>>) dst(%arg6 : memref<8000xf32, #tpu.memory_space<vmem>>)
      %dma_wait3A_183 = tpu.memref_slice %arg3[%mul3A_181] : memref<2000000xi32, #tpu.memory_space<hbm>> -> memref<8000xi32, #tpu.memory_space<hbm>>
      %dma_wait3A_184 = tpu.memref_slice %arg3[%mul3A_181] : memref<2000000xi32, #tpu.memory_space<hbm>> -> memref<8000xi32, #tpu.memory_space<hbm>>
      tpu.wait_dma2 semaphore(%arg13 : memref<!tpu.dma_semaphore, #tpu.memory_space<semaphore_mem>>) src(%dma_wait3A_184 : memref<8000xi32, #tpu.memory_space<hbm>>) dst(%arg7 : memref<8000xi32, #tpu.memory_space<vmem>>)
      %dma_wait3A_185 = tpu.memref_slice %arg4[%mul3A_181] : memref<2000000xi32, #tpu.memory_space<hbm>> -> memref<8000xi32, #tpu.memory_space<hbm>>
      %dma_wait3A_186 = tpu.memref_slice %arg4[%mul3A_181] : memref<2000000xi32, #tpu.memory_space<hbm>> -> memref<8000xi32, #tpu.memory_space<hbm>>
      tpu.wait_dma2 semaphore(%arg13 : memref<!tpu.dma_semaphore, #tpu.memory_space<semaphore_mem>>) src(%dma_wait3A_186 : memref<8000xi32, #tpu.memory_space<hbm>>) dst(%arg8 : memref<8000xi32, #tpu.memory_space<vmem>>)
      %parallel_loop3A = arith.constant 0 : i32
      %parallel_loop3A_187 = arith.constant 500 : i32
      %parallel_loop3A_188 = arith.constant 1 : i32
      scf.for %parallel_loop3A_189 = %parallel_loop3A to %parallel_loop3A_187 step %parallel_loop3A_188  : i32 {
        %parallel_loop3A_190 = arith.constant 16 : i32
        %parallel_loop3A_191 = arith.muli %parallel_loop3A_189, %parallel_loop3A_190 : i32
        %parallel_loop3A_192 = arith.index_cast %parallel_loop3A_191 : i32 to index
        %parallel_loop3A_193 = tpu.vector_load %arg6[%parallel_loop3A_192] {strides = array<i32>} : memref<8000xf32, #tpu.memory_space<vmem>>, vector<16xf32>,
        %parallel_loop3A_194 = arith.constant 16 : i32
        %parallel_loop3A_195 = arith.muli %parallel_loop3A_189, %parallel_loop3A_194 : i32
        %parallel_loop3A_196 = arith.index_cast %parallel_loop3A_195 : i32 to index
        %parallel_loop3A_197 = tpu.vector_load %arg7[%parallel_loop3A_196] {strides = array<i32>} : memref<8000xi32, #tpu.memory_space<vmem>>, vector<16xi32>,
        %parallel_loop3A_198 = arith.constant 16 : i32
        %parallel_loop3A_199 = arith.muli %parallel_loop3A_189, %parallel_loop3A_198 : i32
        %parallel_loop3A_200 = arith.index_cast %parallel_loop3A_199 : i32 to index
        %parallel_loop3A_201 = tpu.vector_load %arg8[%parallel_loop3A_200] {strides = array<i32>} : memref<8000xi32, #tpu.memory_space<vmem>>, vector<16xi32>,
        %parallel_loop3A_202 = arith.cmpi eq, %parallel_loop3A_197, %parallel_loop3A_201 : vector<16xi32>
        %parallel_loop3A_203 = arith.constant 4.097000e+03 : f32
        %parallel_loop3A_204 = arith.constant 1.000000e+00 : f32
        %parallel_loop3A_205 = vector.broadcast %parallel_loop3A_203 : f32 to vector<16xf32>
        %parallel_loop3A_206 = vector.broadcast %parallel_loop3A_204 : f32 to vector<16xf32>
        %parallel_loop3A_207 = arith.select %parallel_loop3A_202, %parallel_loop3A_205, %parallel_loop3A_206 : vector<16xi1>, vector<16xf32>
        %parallel_loop3A_208 = arith.constant 1.000000e+01 : f32
        %parallel_loop3A_209 = vector.broadcast %parallel_loop3A_208 : f32 to vector<16xf32>
        %parallel_loop3A_210 = arith.mulf %parallel_loop3A_193, %parallel_loop3A_209 : vector<16xf32>
        %parallel_loop3A_211 = arith.fptosi %parallel_loop3A_210 : vector<16xf32> to vector<16xi32>
        %parallel_loop3A_212 = arith.constant 9 : i32
        %parallel_loop3A_213 = vector.broadcast %parallel_loop3A_212 : i32 to vector<16xi32>
        %parallel_loop3A_214 = arith.minsi %parallel_loop3A_211, %parallel_loop3A_213 : vector<16xi32>
        %parallel_loop3A_215 = arith.sitofp %parallel_loop3A_214 : vector<16xi32> to vector<16xf32>
        %parallel_loop3A_216 = arith.constant 9 : i32
        %parallel_loop3A_217 = vector.broadcast %parallel_loop3A_216 : i32 to vector<16xi32>
        %parallel_loop3A_218 = arith.cmpi eq, %parallel_loop3A_214, %parallel_loop3A_217 : vector<16xi32>
        %parallel_loop3A_219 = arith.constant 1.000000e-01 : f32
        %parallel_loop3A_220 = vector.broadcast %parallel_loop3A_219 : f32 to vector<16xf32>
        %parallel_loop3A_221 = arith.mulf %parallel_loop3A_215, %parallel_loop3A_220 : vector<16xf32>
        %parallel_loop3A_222 = arith.select %parallel_loop3A_218, %broadcast_in_dim3A_66, %parallel_loop3A_221 : vector<16xi1>, vector<16xf32>
        %parallel_loop3A_223 = arith.constant 8 : i32
        %parallel_loop3A_224 = vector.broadcast %parallel_loop3A_223 : i32 to vector<16xi32>
        %parallel_loop3A_225 = arith.cmpi eq, %parallel_loop3A_214, %parallel_loop3A_224 : vector<16xi32>
        %parallel_loop3A_226 = arith.constant 1.000000e+00 : f32
        %parallel_loop3A_227 = vector.broadcast %parallel_loop3A_226 : f32 to vector<16xf32>
        %parallel_loop3A_228 = arith.addf %parallel_loop3A_215, %parallel_loop3A_227 : vector<16xf32>
        %parallel_loop3A_229 = arith.constant 1.000000e-01 : f32
        %parallel_loop3A_230 = vector.broadcast %parallel_loop3A_229 : f32 to vector<16xf32>
        %parallel_loop3A_231 = arith.mulf %parallel_loop3A_228, %parallel_loop3A_230 : vector<16xf32>
        %parallel_loop3A_232 = arith.select %parallel_loop3A_225, %broadcast_in_dim3A_66, %parallel_loop3A_231 : vector<16xi1>, vector<16xf32>
        %parallel_loop3A_233 = arith.cmpf ogt, %parallel_loop3A_193, %parallel_loop3A_232 : vector<16xf32>
        %parallel_loop3A_234 = arith.select %parallel_loop3A_233, %broadcast_in_dim3A_68, %broadcast_in_dim3A_70 : vector<16xi1>, vector<16xi32>
        %parallel_loop3A_235 = arith.addi %parallel_loop3A_214, %parallel_loop3A_234 : vector<16xi32>
        %parallel_loop3A_236 = arith.cmpf ole, %parallel_loop3A_193, %parallel_loop3A_222 : vector<16xf32>
        %parallel_loop3A_237 = arith.select %parallel_loop3A_236, %broadcast_in_dim3A_68, %broadcast_in_dim3A_70 : vector<16xi1>, vector<16xi32>
        %parallel_loop3A_238 = arith.subi %parallel_loop3A_235, %parallel_loop3A_237 : vector<16xi32>
        %parallel_loop3A_239 = arith.constant 15 : i32
        %parallel_loop3A_240 = vector.broadcast %parallel_loop3A_239 : i32 to vector<16xi32>
        %parallel_loop3A_241 = arith.andi %parallel_loop3A_238, %parallel_loop3A_240 : vector<16xi32>
        %parallel_loop3A_242 = arith.constant 16 : i32
        %parallel_loop3A_243 = vector.broadcast %parallel_loop3A_242 : i32 to vector<16xi32>
        %parallel_loop3A_244 = arith.muli %parallel_loop3A_241, %parallel_loop3A_243 : vector<16xi32>
        %parallel_loop3A_245 = arith.addi %parallel_loop3A_244, %iota3A : vector<16xi32>
        tpu.vector_store_idx %arg12[%parallel_loop3A_245], %parallel_loop3A_207 {add = true} : memref<512xf32, #tpu.memory_space<vmem>>[vector<16xi32>], vector<16xf32>,
        %parallel_loop3A_246 = arith.constant 256 : i32
        %parallel_loop3A_247 = vector.broadcast %parallel_loop3A_246 : i32 to vector<16xi32>
        %parallel_loop3A_248 = arith.addi %parallel_loop3A_245, %parallel_loop3A_247 : vector<16xi32>
        tpu.vector_store_idx %arg12[%parallel_loop3A_248], %parallel_loop3A_193 {add = true} : memref<512xf32, #tpu.memory_space<vmem>>[vector<16xi32>], vector<16xf32>,
      } {sc.loop_unroll_factor = 4 : i64, sc.parallel_access}
    } else {
    }
    %add3A_145 = arith.constant 192 : i32
    %add3A_146 = arith.addi %add3A, %add3A_145 : i32
    %lt3A_147 = arith.constant 250 : i32
    %lt3A_148 = arith.cmpi slt, %add3A_146, %lt3A_147 : i32
    %convert_element_type3A_149 = arith.extui %lt3A_148 : i1 to i32
    %cond3A_150 = arith.constant 0 : i32
    %cond3A_151 = arith.cmpi ne, %convert_element_type3A_149, %cond3A_150 : i32
    scf.if %cond3A_151 {
      %mul3A_180 = arith.constant 8000 : i32
      %mul3A_181 = arith.muli %add3A_146, %mul3A_180 : i32
      %dma_start3A = tpu.memref_slice %arg2[%mul3A_181] : memref<2000000xf32, #tpu.memory_space<hbm>> -> memref<8000xf32, #tpu.memory_space<hbm>>
      %dma_start3A_182 = tpu.memref_slice %arg2[%mul3A_181] : memref<2000000xf32, #tpu.memory_space<hbm>> -> memref<8000xf32, #tpu.memory_space<hbm>>
      tpu.enqueue_dma source(%dma_start3A_182 : memref<8000xf32, #tpu.memory_space<hbm>>) target(%arg6 : memref<8000xf32, #tpu.memory_space<vmem>>) target_semaphore(%arg13 : memref<!tpu.dma_semaphore, #tpu.memory_space<semaphore_mem>>)
      %dma_start3A_183 = tpu.memref_slice %arg3[%mul3A_181] : memref<2000000xi32, #tpu.memory_space<hbm>> -> memref<8000xi32, #tpu.memory_space<hbm>>
      %dma_start3A_184 = tpu.memref_slice %arg3[%mul3A_181] : memref<2000000xi32, #tpu.memory_space<hbm>> -> memref<8000xi32, #tpu.memory_space<hbm>>
      tpu.enqueue_dma source(%dma_start3A_184 : memref<8000xi32, #tpu.memory_space<hbm>>) target(%arg7 : memref<8000xi32, #tpu.memory_space<vmem>>) target_semaphore(%arg13 : memref<!tpu.dma_semaphore, #tpu.memory_space<semaphore_mem>>)
      %dma_start3A_185 = tpu.memref_slice %arg4[%mul3A_181] : memref<2000000xi32, #tpu.memory_space<hbm>> -> memref<8000xi32, #tpu.memory_space<hbm>>
      %dma_start3A_186 = tpu.memref_slice %arg4[%mul3A_181] : memref<2000000xi32, #tpu.memory_space<hbm>> -> memref<8000xi32, #tpu.memory_space<hbm>>
      tpu.enqueue_dma source(%dma_start3A_186 : memref<8000xi32, #tpu.memory_space<hbm>>) target(%arg8 : memref<8000xi32, #tpu.memory_space<vmem>>) target_semaphore(%arg13 : memref<!tpu.dma_semaphore, #tpu.memory_space<semaphore_mem>>)
    } else {
    }
    %add3A_152 = arith.constant 160 : i32
    %add3A_153 = arith.addi %add3A, %add3A_152 : i32
    %lt3A_154 = arith.constant 250 : i32
    %lt3A_155 = arith.cmpi slt, %add3A_153, %lt3A_154 : i32
    %convert_element_type3A_156 = arith.extui %lt3A_155 : i1 to i32
    %cond3A_157 = arith.constant 0 : i32
    %cond3A_158 = arith.cmpi ne, %convert_element_type3A_156, %cond3A_157 : i32
    scf.if %cond3A_158 {
      %mul3A_180 = arith.constant 8000 : i32
      %mul3A_181 = arith.muli %add3A_153, %mul3A_180 : i32
      %dma_wait3A = tpu.memref_slice %arg2[%mul3A_181] : memref<2000000xf32, #tpu.memory_space<hbm>> -> memref<8000xf32, #tpu.memory_space<hbm>>
      %dma_wait3A_182 = tpu.memref_slice %arg2[%mul3A_181] : memref<2000000xf32, #tpu.memory_space<hbm>> -> memref<8000xf32, #tpu.memory_space<hbm>>
      tpu.wait_dma2 semaphore(%arg14 : memref<!tpu.dma_semaphore, #tpu.memory_space<semaphore_mem>>) src(%dma_wait3A_182 : memref<8000xf32, #tpu.memory_space<hbm>>) dst(%arg9 : memref<8000xf32, #tpu.memory_space<vmem>>)
      %dma_wait3A_183 = tpu.memref_slice %arg3[%mul3A_181] : memref<2000000xi32, #tpu.memory_space<hbm>> -> memref<8000xi32, #tpu.memory_space<hbm>>
      %dma_wait3A_184 = tpu.memref_slice %arg3[%mul3A_181] : memref<2000000xi32, #tpu.memory_space<hbm>> -> memref<8000xi32, #tpu.memory_space<hbm>>
      tpu.wait_dma2 semaphore(%arg14 : memref<!tpu.dma_semaphore, #tpu.memory_space<semaphore_mem>>) src(%dma_wait3A_184 : memref<8000xi32, #tpu.memory_space<hbm>>) dst(%arg10 : memref<8000xi32, #tpu.memory_space<vmem>>)
      %dma_wait3A_185 = tpu.memref_slice %arg4[%mul3A_181] : memref<2000000xi32, #tpu.memory_space<hbm>> -> memref<8000xi32, #tpu.memory_space<hbm>>
      %dma_wait3A_186 = tpu.memref_slice %arg4[%mul3A_181] : memref<2000000xi32, #tpu.memory_space<hbm>> -> memref<8000xi32, #tpu.memory_space<hbm>>
      tpu.wait_dma2 semaphore(%arg14 : memref<!tpu.dma_semaphore, #tpu.memory_space<semaphore_mem>>) src(%dma_wait3A_186 : memref<8000xi32, #tpu.memory_space<hbm>>) dst(%arg11 : memref<8000xi32, #tpu.memory_space<vmem>>)
      %parallel_loop3A = arith.constant 0 : i32
      %parallel_loop3A_187 = arith.constant 500 : i32
      %parallel_loop3A_188 = arith.constant 1 : i32
      scf.for %parallel_loop3A_189 = %parallel_loop3A to %parallel_loop3A_187 step %parallel_loop3A_188  : i32 {
        %parallel_loop3A_190 = arith.constant 16 : i32
        %parallel_loop3A_191 = arith.muli %parallel_loop3A_189, %parallel_loop3A_190 : i32
        %parallel_loop3A_192 = arith.index_cast %parallel_loop3A_191 : i32 to index
        %parallel_loop3A_193 = tpu.vector_load %arg9[%parallel_loop3A_192] {strides = array<i32>} : memref<8000xf32, #tpu.memory_space<vmem>>, vector<16xf32>,
        %parallel_loop3A_194 = arith.constant 16 : i32
        %parallel_loop3A_195 = arith.muli %parallel_loop3A_189, %parallel_loop3A_194 : i32
        %parallel_loop3A_196 = arith.index_cast %parallel_loop3A_195 : i32 to index
        %parallel_loop3A_197 = tpu.vector_load %arg10[%parallel_loop3A_196] {strides = array<i32>} : memref<8000xi32, #tpu.memory_space<vmem>>, vector<16xi32>,
        %parallel_loop3A_198 = arith.constant 16 : i32
        %parallel_loop3A_199 = arith.muli %parallel_loop3A_189, %parallel_loop3A_198 : i32
        %parallel_loop3A_200 = arith.index_cast %parallel_loop3A_199 : i32 to index
        %parallel_loop3A_201 = tpu.vector_load %arg11[%parallel_loop3A_200] {strides = array<i32>} : memref<8000xi32, #tpu.memory_space<vmem>>, vector<16xi32>,
        %parallel_loop3A_202 = arith.cmpi eq, %parallel_loop3A_197, %parallel_loop3A_201 : vector<16xi32>
        %parallel_loop3A_203 = arith.constant 4.097000e+03 : f32
        %parallel_loop3A_204 = arith.constant 1.000000e+00 : f32
        %parallel_loop3A_205 = vector.broadcast %parallel_loop3A_203 : f32 to vector<16xf32>
        %parallel_loop3A_206 = vector.broadcast %parallel_loop3A_204 : f32 to vector<16xf32>
        %parallel_loop3A_207 = arith.select %parallel_loop3A_202, %parallel_loop3A_205, %parallel_loop3A_206 : vector<16xi1>, vector<16xf32>
        %parallel_loop3A_208 = arith.constant 1.000000e+01 : f32
        %parallel_loop3A_209 = vector.broadcast %parallel_loop3A_208 : f32 to vector<16xf32>
        %parallel_loop3A_210 = arith.mulf %parallel_loop3A_193, %parallel_loop3A_209 : vector<16xf32>
        %parallel_loop3A_211 = arith.fptosi %parallel_loop3A_210 : vector<16xf32> to vector<16xi32>
        %parallel_loop3A_212 = arith.constant 9 : i32
        %parallel_loop3A_213 = vector.broadcast %parallel_loop3A_212 : i32 to vector<16xi32>
        %parallel_loop3A_214 = arith.minsi %parallel_loop3A_211, %parallel_loop3A_213 : vector<16xi32>
        %parallel_loop3A_215 = arith.sitofp %parallel_loop3A_214 : vector<16xi32> to vector<16xf32>
        %parallel_loop3A_216 = arith.constant 9 : i32
        %parallel_loop3A_217 = vector.broadcast %parallel_loop3A_216 : i32 to vector<16xi32>
        %parallel_loop3A_218 = arith.cmpi eq, %parallel_loop3A_214, %parallel_loop3A_217 : vector<16xi32>
        %parallel_loop3A_219 = arith.constant 1.000000e-01 : f32
        %parallel_loop3A_220 = vector.broadcast %parallel_loop3A_219 : f32 to vector<16xf32>
        %parallel_loop3A_221 = arith.mulf %parallel_loop3A_215, %parallel_loop3A_220 : vector<16xf32>
        %parallel_loop3A_222 = arith.select %parallel_loop3A_218, %broadcast_in_dim3A_66, %parallel_loop3A_221 : vector<16xi1>, vector<16xf32>
        %parallel_loop3A_223 = arith.constant 8 : i32
        %parallel_loop3A_224 = vector.broadcast %parallel_loop3A_223 : i32 to vector<16xi32>
        %parallel_loop3A_225 = arith.cmpi eq, %parallel_loop3A_214, %parallel_loop3A_224 : vector<16xi32>
        %parallel_loop3A_226 = arith.constant 1.000000e+00 : f32
        %parallel_loop3A_227 = vector.broadcast %parallel_loop3A_226 : f32 to vector<16xf32>
        %parallel_loop3A_228 = arith.addf %parallel_loop3A_215, %parallel_loop3A_227 : vector<16xf32>
        %parallel_loop3A_229 = arith.constant 1.000000e-01 : f32
        %parallel_loop3A_230 = vector.broadcast %parallel_loop3A_229 : f32 to vector<16xf32>
        %parallel_loop3A_231 = arith.mulf %parallel_loop3A_228, %parallel_loop3A_230 : vector<16xf32>
        %parallel_loop3A_232 = arith.select %parallel_loop3A_225, %broadcast_in_dim3A_66, %parallel_loop3A_231 : vector<16xi1>, vector<16xf32>
        %parallel_loop3A_233 = arith.cmpf ogt, %parallel_loop3A_193, %parallel_loop3A_232 : vector<16xf32>
        %parallel_loop3A_234 = arith.select %parallel_loop3A_233, %broadcast_in_dim3A_68, %broadcast_in_dim3A_70 : vector<16xi1>, vector<16xi32>
        %parallel_loop3A_235 = arith.addi %parallel_loop3A_214, %parallel_loop3A_234 : vector<16xi32>
        %parallel_loop3A_236 = arith.cmpf ole, %parallel_loop3A_193, %parallel_loop3A_222 : vector<16xf32>
        %parallel_loop3A_237 = arith.select %parallel_loop3A_236, %broadcast_in_dim3A_68, %broadcast_in_dim3A_70 : vector<16xi1>, vector<16xi32>
        %parallel_loop3A_238 = arith.subi %parallel_loop3A_235, %parallel_loop3A_237 : vector<16xi32>
        %parallel_loop3A_239 = arith.constant 15 : i32
        %parallel_loop3A_240 = vector.broadcast %parallel_loop3A_239 : i32 to vector<16xi32>
        %parallel_loop3A_241 = arith.andi %parallel_loop3A_238, %parallel_loop3A_240 : vector<16xi32>
        %parallel_loop3A_242 = arith.constant 16 : i32
        %parallel_loop3A_243 = vector.broadcast %parallel_loop3A_242 : i32 to vector<16xi32>
        %parallel_loop3A_244 = arith.muli %parallel_loop3A_241, %parallel_loop3A_243 : vector<16xi32>
        %parallel_loop3A_245 = arith.addi %parallel_loop3A_244, %iota3A : vector<16xi32>
        tpu.vector_store_idx %arg12[%parallel_loop3A_245], %parallel_loop3A_207 {add = true} : memref<512xf32, #tpu.memory_space<vmem>>[vector<16xi32>], vector<16xf32>,
        %parallel_loop3A_246 = arith.constant 256 : i32
        %parallel_loop3A_247 = vector.broadcast %parallel_loop3A_246 : i32 to vector<16xi32>
        %parallel_loop3A_248 = arith.addi %parallel_loop3A_245, %parallel_loop3A_247 : vector<16xi32>
        tpu.vector_store_idx %arg12[%parallel_loop3A_248], %parallel_loop3A_193 {add = true} : memref<512xf32, #tpu.memory_space<vmem>>[vector<16xi32>], vector<16xf32>,
      } {sc.loop_unroll_factor = 4 : i64, sc.parallel_access}
    } else {
    }
    %add3A_159 = arith.constant 224 : i32
    %add3A_160 = arith.addi %add3A, %add3A_159 : i32
    %lt3A_161 = arith.constant 250 : i32
    %lt3A_162 = arith.cmpi slt, %add3A_160, %lt3A_161 : i32
    %convert_element_type3A_163 = arith.extui %lt3A_162 : i1 to i32
    %cond3A_164 = arith.constant 0 : i32
    %cond3A_165 = arith.cmpi ne, %convert_element_type3A_163, %cond3A_164 : i32
    scf.if %cond3A_165 {
      %mul3A_180 = arith.constant 8000 : i32
      %mul3A_181 = arith.muli %add3A_160, %mul3A_180 : i32
      %dma_start3A = tpu.memref_slice %arg2[%mul3A_181] : memref<2000000xf32, #tpu.memory_space<hbm>> -> memref<8000xf32, #tpu.memory_space<hbm>>
      %dma_start3A_182 = tpu.memref_slice %arg2[%mul3A_181] : memref<2000000xf32, #tpu.memory_space<hbm>> -> memref<8000xf32, #tpu.memory_space<hbm>>
      tpu.enqueue_dma source(%dma_start3A_182 : memref<8000xf32, #tpu.memory_space<hbm>>) target(%arg9 : memref<8000xf32, #tpu.memory_space<vmem>>) target_semaphore(%arg14 : memref<!tpu.dma_semaphore, #tpu.memory_space<semaphore_mem>>)
      %dma_start3A_183 = tpu.memref_slice %arg3[%mul3A_181] : memref<2000000xi32, #tpu.memory_space<hbm>> -> memref<8000xi32, #tpu.memory_space<hbm>>
      %dma_start3A_184 = tpu.memref_slice %arg3[%mul3A_181] : memref<2000000xi32, #tpu.memory_space<hbm>> -> memref<8000xi32, #tpu.memory_space<hbm>>
      tpu.enqueue_dma source(%dma_start3A_184 : memref<8000xi32, #tpu.memory_space<hbm>>) target(%arg10 : memref<8000xi32, #tpu.memory_space<vmem>>) target_semaphore(%arg14 : memref<!tpu.dma_semaphore, #tpu.memory_space<semaphore_mem>>)
      %dma_start3A_185 = tpu.memref_slice %arg4[%mul3A_181] : memref<2000000xi32, #tpu.memory_space<hbm>> -> memref<8000xi32, #tpu.memory_space<hbm>>
      %dma_start3A_186 = tpu.memref_slice %arg4[%mul3A_181] : memref<2000000xi32, #tpu.memory_space<hbm>> -> memref<8000xi32, #tpu.memory_space<hbm>>
      tpu.enqueue_dma source(%dma_start3A_186 : memref<8000xi32, #tpu.memory_space<hbm>>) target(%arg11 : memref<8000xi32, #tpu.memory_space<vmem>>) target_semaphore(%arg14 : memref<!tpu.dma_semaphore, #tpu.memory_space<semaphore_mem>>)
    } else {
    }
    %add3A_166 = arith.constant 192 : i32
    %add3A_167 = arith.addi %add3A, %add3A_166 : i32
    %lt3A_168 = arith.constant 250 : i32
    %lt3A_169 = arith.cmpi slt, %add3A_167, %lt3A_168 : i32
    %convert_element_type3A_170 = arith.extui %lt3A_169 : i1 to i32
    %cond3A_171 = arith.constant 0 : i32
    %cond3A_172 = arith.cmpi ne, %convert_element_type3A_170, %cond3A_171 : i32
    scf.if %cond3A_172 {
      %mul3A_180 = arith.constant 8000 : i32
      %mul3A_181 = arith.muli %add3A_167, %mul3A_180 : i32
      %dma_wait3A = tpu.memref_slice %arg2[%mul3A_181] : memref<2000000xf32, #tpu.memory_space<hbm>> -> memref<8000xf32, #tpu.memory_space<hbm>>
      %dma_wait3A_182 = tpu.memref_slice %arg2[%mul3A_181] : memref<2000000xf32, #tpu.memory_space<hbm>> -> memref<8000xf32, #tpu.memory_space<hbm>>
      tpu.wait_dma2 semaphore(%arg13 : memref<!tpu.dma_semaphore, #tpu.memory_space<semaphore_mem>>) src(%dma_wait3A_182 : memref<8000xf32, #tpu.memory_space<hbm>>) dst(%arg6 : memref<8000xf32, #tpu.memory_space<vmem>>)
      %dma_wait3A_183 = tpu.memref_slice %arg3[%mul3A_181] : memref<2000000xi32, #tpu.memory_space<hbm>> -> memref<8000xi32, #tpu.memory_space<hbm>>
      %dma_wait3A_184 = tpu.memref_slice %arg3[%mul3A_181] : memref<2000000xi32, #tpu.memory_space<hbm>> -> memref<8000xi32, #tpu.memory_space<hbm>>
      tpu.wait_dma2 semaphore(%arg13 : memref<!tpu.dma_semaphore, #tpu.memory_space<semaphore_mem>>) src(%dma_wait3A_184 : memref<8000xi32, #tpu.memory_space<hbm>>) dst(%arg7 : memref<8000xi32, #tpu.memory_space<vmem>>)
      %dma_wait3A_185 = tpu.memref_slice %arg4[%mul3A_181] : memref<2000000xi32, #tpu.memory_space<hbm>> -> memref<8000xi32, #tpu.memory_space<hbm>>
      %dma_wait3A_186 = tpu.memref_slice %arg4[%mul3A_181] : memref<2000000xi32, #tpu.memory_space<hbm>> -> memref<8000xi32, #tpu.memory_space<hbm>>
      tpu.wait_dma2 semaphore(%arg13 : memref<!tpu.dma_semaphore, #tpu.memory_space<semaphore_mem>>) src(%dma_wait3A_186 : memref<8000xi32, #tpu.memory_space<hbm>>) dst(%arg8 : memref<8000xi32, #tpu.memory_space<vmem>>)
      %parallel_loop3A = arith.constant 0 : i32
      %parallel_loop3A_187 = arith.constant 500 : i32
      %parallel_loop3A_188 = arith.constant 1 : i32
      scf.for %parallel_loop3A_189 = %parallel_loop3A to %parallel_loop3A_187 step %parallel_loop3A_188  : i32 {
        %parallel_loop3A_190 = arith.constant 16 : i32
        %parallel_loop3A_191 = arith.muli %parallel_loop3A_189, %parallel_loop3A_190 : i32
        %parallel_loop3A_192 = arith.index_cast %parallel_loop3A_191 : i32 to index
        %parallel_loop3A_193 = tpu.vector_load %arg6[%parallel_loop3A_192] {strides = array<i32>} : memref<8000xf32, #tpu.memory_space<vmem>>, vector<16xf32>,
        %parallel_loop3A_194 = arith.constant 16 : i32
        %parallel_loop3A_195 = arith.muli %parallel_loop3A_189, %parallel_loop3A_194 : i32
        %parallel_loop3A_196 = arith.index_cast %parallel_loop3A_195 : i32 to index
        %parallel_loop3A_197 = tpu.vector_load %arg7[%parallel_loop3A_196] {strides = array<i32>} : memref<8000xi32, #tpu.memory_space<vmem>>, vector<16xi32>,
        %parallel_loop3A_198 = arith.constant 16 : i32
        %parallel_loop3A_199 = arith.muli %parallel_loop3A_189, %parallel_loop3A_198 : i32
        %parallel_loop3A_200 = arith.index_cast %parallel_loop3A_199 : i32 to index
        %parallel_loop3A_201 = tpu.vector_load %arg8[%parallel_loop3A_200] {strides = array<i32>} : memref<8000xi32, #tpu.memory_space<vmem>>, vector<16xi32>,
        %parallel_loop3A_202 = arith.cmpi eq, %parallel_loop3A_197, %parallel_loop3A_201 : vector<16xi32>
        %parallel_loop3A_203 = arith.constant 4.097000e+03 : f32
        %parallel_loop3A_204 = arith.constant 1.000000e+00 : f32
        %parallel_loop3A_205 = vector.broadcast %parallel_loop3A_203 : f32 to vector<16xf32>
        %parallel_loop3A_206 = vector.broadcast %parallel_loop3A_204 : f32 to vector<16xf32>
        %parallel_loop3A_207 = arith.select %parallel_loop3A_202, %parallel_loop3A_205, %parallel_loop3A_206 : vector<16xi1>, vector<16xf32>
        %parallel_loop3A_208 = arith.constant 1.000000e+01 : f32
        %parallel_loop3A_209 = vector.broadcast %parallel_loop3A_208 : f32 to vector<16xf32>
        %parallel_loop3A_210 = arith.mulf %parallel_loop3A_193, %parallel_loop3A_209 : vector<16xf32>
        %parallel_loop3A_211 = arith.fptosi %parallel_loop3A_210 : vector<16xf32> to vector<16xi32>
        %parallel_loop3A_212 = arith.constant 9 : i32
        %parallel_loop3A_213 = vector.broadcast %parallel_loop3A_212 : i32 to vector<16xi32>
        %parallel_loop3A_214 = arith.minsi %parallel_loop3A_211, %parallel_loop3A_213 : vector<16xi32>
        %parallel_loop3A_215 = arith.sitofp %parallel_loop3A_214 : vector<16xi32> to vector<16xf32>
        %parallel_loop3A_216 = arith.constant 9 : i32
        %parallel_loop3A_217 = vector.broadcast %parallel_loop3A_216 : i32 to vector<16xi32>
        %parallel_loop3A_218 = arith.cmpi eq, %parallel_loop3A_214, %parallel_loop3A_217 : vector<16xi32>
        %parallel_loop3A_219 = arith.constant 1.000000e-01 : f32
        %parallel_loop3A_220 = vector.broadcast %parallel_loop3A_219 : f32 to vector<16xf32>
        %parallel_loop3A_221 = arith.mulf %parallel_loop3A_215, %parallel_loop3A_220 : vector<16xf32>
        %parallel_loop3A_222 = arith.select %parallel_loop3A_218, %broadcast_in_dim3A_66, %parallel_loop3A_221 : vector<16xi1>, vector<16xf32>
        %parallel_loop3A_223 = arith.constant 8 : i32
        %parallel_loop3A_224 = vector.broadcast %parallel_loop3A_223 : i32 to vector<16xi32>
        %parallel_loop3A_225 = arith.cmpi eq, %parallel_loop3A_214, %parallel_loop3A_224 : vector<16xi32>
        %parallel_loop3A_226 = arith.constant 1.000000e+00 : f32
        %parallel_loop3A_227 = vector.broadcast %parallel_loop3A_226 : f32 to vector<16xf32>
        %parallel_loop3A_228 = arith.addf %parallel_loop3A_215, %parallel_loop3A_227 : vector<16xf32>
        %parallel_loop3A_229 = arith.constant 1.000000e-01 : f32
        %parallel_loop3A_230 = vector.broadcast %parallel_loop3A_229 : f32 to vector<16xf32>
        %parallel_loop3A_231 = arith.mulf %parallel_loop3A_228, %parallel_loop3A_230 : vector<16xf32>
        %parallel_loop3A_232 = arith.select %parallel_loop3A_225, %broadcast_in_dim3A_66, %parallel_loop3A_231 : vector<16xi1>, vector<16xf32>
        %parallel_loop3A_233 = arith.cmpf ogt, %parallel_loop3A_193, %parallel_loop3A_232 : vector<16xf32>
        %parallel_loop3A_234 = arith.select %parallel_loop3A_233, %broadcast_in_dim3A_68, %broadcast_in_dim3A_70 : vector<16xi1>, vector<16xi32>
        %parallel_loop3A_235 = arith.addi %parallel_loop3A_214, %parallel_loop3A_234 : vector<16xi32>
        %parallel_loop3A_236 = arith.cmpf ole, %parallel_loop3A_193, %parallel_loop3A_222 : vector<16xf32>
        %parallel_loop3A_237 = arith.select %parallel_loop3A_236, %broadcast_in_dim3A_68, %broadcast_in_dim3A_70 : vector<16xi1>, vector<16xi32>
        %parallel_loop3A_238 = arith.subi %parallel_loop3A_235, %parallel_loop3A_237 : vector<16xi32>
        %parallel_loop3A_239 = arith.constant 15 : i32
        %parallel_loop3A_240 = vector.broadcast %parallel_loop3A_239 : i32 to vector<16xi32>
        %parallel_loop3A_241 = arith.andi %parallel_loop3A_238, %parallel_loop3A_240 : vector<16xi32>
        %parallel_loop3A_242 = arith.constant 16 : i32
        %parallel_loop3A_243 = vector.broadcast %parallel_loop3A_242 : i32 to vector<16xi32>
        %parallel_loop3A_244 = arith.muli %parallel_loop3A_241, %parallel_loop3A_243 : vector<16xi32>
        %parallel_loop3A_245 = arith.addi %parallel_loop3A_244, %iota3A : vector<16xi32>
        tpu.vector_store_idx %arg12[%parallel_loop3A_245], %parallel_loop3A_207 {add = true} : memref<512xf32, #tpu.memory_space<vmem>>[vector<16xi32>], vector<16xf32>,
        %parallel_loop3A_246 = arith.constant 256 : i32
        %parallel_loop3A_247 = vector.broadcast %parallel_loop3A_246 : i32 to vector<16xi32>
        %parallel_loop3A_248 = arith.addi %parallel_loop3A_245, %parallel_loop3A_247 : vector<16xi32>
        tpu.vector_store_idx %arg12[%parallel_loop3A_248], %parallel_loop3A_193 {add = true} : memref<512xf32, #tpu.memory_space<vmem>>[vector<16xi32>], vector<16xf32>,
      } {sc.loop_unroll_factor = 4 : i64, sc.parallel_access}
    } else {
    }
    %add3A_173 = arith.constant 224 : i32
    %add3A_174 = arith.addi %add3A, %add3A_173 : i32
    %lt3A_175 = arith.constant 250 : i32
    %lt3A_176 = arith.cmpi slt, %add3A_174, %lt3A_175 : i32
    %convert_element_type3A_177 = arith.extui %lt3A_176 : i1 to i32
    %cond3A_178 = arith.constant 0 : i32
    %cond3A_179 = arith.cmpi ne, %convert_element_type3A_177, %cond3A_178 : i32
    scf.if %cond3A_179 {
      %mul3A_180 = arith.constant 8000 : i32
      %mul3A_181 = arith.muli %add3A_174, %mul3A_180 : i32
      %dma_wait3A = tpu.memref_slice %arg2[%mul3A_181] : memref<2000000xf32, #tpu.memory_space<hbm>> -> memref<8000xf32, #tpu.memory_space<hbm>>
      %dma_wait3A_182 = tpu.memref_slice %arg2[%mul3A_181] : memref<2000000xf32, #tpu.memory_space<hbm>> -> memref<8000xf32, #tpu.memory_space<hbm>>
      tpu.wait_dma2 semaphore(%arg14 : memref<!tpu.dma_semaphore, #tpu.memory_space<semaphore_mem>>) src(%dma_wait3A_182 : memref<8000xf32, #tpu.memory_space<hbm>>) dst(%arg9 : memref<8000xf32, #tpu.memory_space<vmem>>)
      %dma_wait3A_183 = tpu.memref_slice %arg3[%mul3A_181] : memref<2000000xi32, #tpu.memory_space<hbm>> -> memref<8000xi32, #tpu.memory_space<hbm>>
      %dma_wait3A_184 = tpu.memref_slice %arg3[%mul3A_181] : memref<2000000xi32, #tpu.memory_space<hbm>> -> memref<8000xi32, #tpu.memory_space<hbm>>
      tpu.wait_dma2 semaphore(%arg14 : memref<!tpu.dma_semaphore, #tpu.memory_space<semaphore_mem>>) src(%dma_wait3A_184 : memref<8000xi32, #tpu.memory_space<hbm>>) dst(%arg10 : memref<8000xi32, #tpu.memory_space<vmem>>)
      %dma_wait3A_185 = tpu.memref_slice %arg4[%mul3A_181] : memref<2000000xi32, #tpu.memory_space<hbm>> -> memref<8000xi32, #tpu.memory_space<hbm>>
      %dma_wait3A_186 = tpu.memref_slice %arg4[%mul3A_181] : memref<2000000xi32, #tpu.memory_space<hbm>> -> memref<8000xi32, #tpu.memory_space<hbm>>
      tpu.wait_dma2 semaphore(%arg14 : memref<!tpu.dma_semaphore, #tpu.memory_space<semaphore_mem>>) src(%dma_wait3A_186 : memref<8000xi32, #tpu.memory_space<hbm>>) dst(%arg11 : memref<8000xi32, #tpu.memory_space<vmem>>)
      %parallel_loop3A = arith.constant 0 : i32
      %parallel_loop3A_187 = arith.constant 500 : i32
      %parallel_loop3A_188 = arith.constant 1 : i32
      scf.for %parallel_loop3A_189 = %parallel_loop3A to %parallel_loop3A_187 step %parallel_loop3A_188  : i32 {
        %parallel_loop3A_190 = arith.constant 16 : i32
        %parallel_loop3A_191 = arith.muli %parallel_loop3A_189, %parallel_loop3A_190 : i32
        %parallel_loop3A_192 = arith.index_cast %parallel_loop3A_191 : i32 to index
        %parallel_loop3A_193 = tpu.vector_load %arg9[%parallel_loop3A_192] {strides = array<i32>} : memref<8000xf32, #tpu.memory_space<vmem>>, vector<16xf32>,
        %parallel_loop3A_194 = arith.constant 16 : i32
        %parallel_loop3A_195 = arith.muli %parallel_loop3A_189, %parallel_loop3A_194 : i32
        %parallel_loop3A_196 = arith.index_cast %parallel_loop3A_195 : i32 to index
        %parallel_loop3A_197 = tpu.vector_load %arg10[%parallel_loop3A_196] {strides = array<i32>} : memref<8000xi32, #tpu.memory_space<vmem>>, vector<16xi32>,
        %parallel_loop3A_198 = arith.constant 16 : i32
        %parallel_loop3A_199 = arith.muli %parallel_loop3A_189, %parallel_loop3A_198 : i32
        %parallel_loop3A_200 = arith.index_cast %parallel_loop3A_199 : i32 to index
        %parallel_loop3A_201 = tpu.vector_load %arg11[%parallel_loop3A_200] {strides = array<i32>} : memref<8000xi32, #tpu.memory_space<vmem>>, vector<16xi32>,
        %parallel_loop3A_202 = arith.cmpi eq, %parallel_loop3A_197, %parallel_loop3A_201 : vector<16xi32>
        %parallel_loop3A_203 = arith.constant 4.097000e+03 : f32
        %parallel_loop3A_204 = arith.constant 1.000000e+00 : f32
        %parallel_loop3A_205 = vector.broadcast %parallel_loop3A_203 : f32 to vector<16xf32>
        %parallel_loop3A_206 = vector.broadcast %parallel_loop3A_204 : f32 to vector<16xf32>
        %parallel_loop3A_207 = arith.select %parallel_loop3A_202, %parallel_loop3A_205, %parallel_loop3A_206 : vector<16xi1>, vector<16xf32>
        %parallel_loop3A_208 = arith.constant 1.000000e+01 : f32
        %parallel_loop3A_209 = vector.broadcast %parallel_loop3A_208 : f32 to vector<16xf32>
        %parallel_loop3A_210 = arith.mulf %parallel_loop3A_193, %parallel_loop3A_209 : vector<16xf32>
        %parallel_loop3A_211 = arith.fptosi %parallel_loop3A_210 : vector<16xf32> to vector<16xi32>
        %parallel_loop3A_212 = arith.constant 9 : i32
        %parallel_loop3A_213 = vector.broadcast %parallel_loop3A_212 : i32 to vector<16xi32>
        %parallel_loop3A_214 = arith.minsi %parallel_loop3A_211, %parallel_loop3A_213 : vector<16xi32>
        %parallel_loop3A_215 = arith.sitofp %parallel_loop3A_214 : vector<16xi32> to vector<16xf32>
        %parallel_loop3A_216 = arith.constant 9 : i32
        %parallel_loop3A_217 = vector.broadcast %parallel_loop3A_216 : i32 to vector<16xi32>
        %parallel_loop3A_218 = arith.cmpi eq, %parallel_loop3A_214, %parallel_loop3A_217 : vector<16xi32>
        %parallel_loop3A_219 = arith.constant 1.000000e-01 : f32
        %parallel_loop3A_220 = vector.broadcast %parallel_loop3A_219 : f32 to vector<16xf32>
        %parallel_loop3A_221 = arith.mulf %parallel_loop3A_215, %parallel_loop3A_220 : vector<16xf32>
        %parallel_loop3A_222 = arith.select %parallel_loop3A_218, %broadcast_in_dim3A_66, %parallel_loop3A_221 : vector<16xi1>, vector<16xf32>
        %parallel_loop3A_223 = arith.constant 8 : i32
        %parallel_loop3A_224 = vector.broadcast %parallel_loop3A_223 : i32 to vector<16xi32>
        %parallel_loop3A_225 = arith.cmpi eq, %parallel_loop3A_214, %parallel_loop3A_224 : vector<16xi32>
        %parallel_loop3A_226 = arith.constant 1.000000e+00 : f32
        %parallel_loop3A_227 = vector.broadcast %parallel_loop3A_226 : f32 to vector<16xf32>
        %parallel_loop3A_228 = arith.addf %parallel_loop3A_215, %parallel_loop3A_227 : vector<16xf32>
        %parallel_loop3A_229 = arith.constant 1.000000e-01 : f32
        %parallel_loop3A_230 = vector.broadcast %parallel_loop3A_229 : f32 to vector<16xf32>
        %parallel_loop3A_231 = arith.mulf %parallel_loop3A_228, %parallel_loop3A_230 : vector<16xf32>
        %parallel_loop3A_232 = arith.select %parallel_loop3A_225, %broadcast_in_dim3A_66, %parallel_loop3A_231 : vector<16xi1>, vector<16xf32>
        %parallel_loop3A_233 = arith.cmpf ogt, %parallel_loop3A_193, %parallel_loop3A_232 : vector<16xf32>
        %parallel_loop3A_234 = arith.select %parallel_loop3A_233, %broadcast_in_dim3A_68, %broadcast_in_dim3A_70 : vector<16xi1>, vector<16xi32>
        %parallel_loop3A_235 = arith.addi %parallel_loop3A_214, %parallel_loop3A_234 : vector<16xi32>
        %parallel_loop3A_236 = arith.cmpf ole, %parallel_loop3A_193, %parallel_loop3A_222 : vector<16xf32>
        %parallel_loop3A_237 = arith.select %parallel_loop3A_236, %broadcast_in_dim3A_68, %broadcast_in_dim3A_70 : vector<16xi1>, vector<16xi32>
        %parallel_loop3A_238 = arith.subi %parallel_loop3A_235, %parallel_loop3A_237 : vector<16xi32>
        %parallel_loop3A_239 = arith.constant 15 : i32
        %parallel_loop3A_240 = vector.broadcast %parallel_loop3A_239 : i32 to vector<16xi32>
        %parallel_loop3A_241 = arith.andi %parallel_loop3A_238, %parallel_loop3A_240 : vector<16xi32>
        %parallel_loop3A_242 = arith.constant 16 : i32
        %parallel_loop3A_243 = vector.broadcast %parallel_loop3A_242 : i32 to vector<16xi32>
        %parallel_loop3A_244 = arith.muli %parallel_loop3A_241, %parallel_loop3A_243 : vector<16xi32>
        %parallel_loop3A_245 = arith.addi %parallel_loop3A_244, %iota3A : vector<16xi32>
        tpu.vector_store_idx %arg12[%parallel_loop3A_245], %parallel_loop3A_207 {add = true} : memref<512xf32, #tpu.memory_space<vmem>>[vector<16xi32>], vector<16xf32>,
        %parallel_loop3A_246 = arith.constant 256 : i32
        %parallel_loop3A_247 = vector.broadcast %parallel_loop3A_246 : i32 to vector<16xi32>
        %parallel_loop3A_248 = arith.addi %parallel_loop3A_245, %parallel_loop3A_247 : vector<16xi32>
        tpu.vector_store_idx %arg12[%parallel_loop3A_248], %parallel_loop3A_193 {add = true} : memref<512xf32, #tpu.memory_space<vmem>>[vector<16xi32>], vector<16xf32>,
      } {sc.loop_unroll_factor = 4 : i64, sc.parallel_access}
    } else {
    }
    "tpu.region"() ({
      %run_scoped3A = tpu.sem_alloc : memref<!tpu.dma_semaphore, #tpu.memory_space<semaphore_mem>>
      %dma_start3A = arith.constant 0 : i32
      %dma_start3A_180 = tpu.memref_slice %arg5[%add3A, %dma_start3A] : memref<32x512xf32, #tpu.memory_space<hbm>> -> memref<1x512xf32, #tpu.memory_space<hbm>>
      %dma_start3A_181 = tpu.memref_squeeze %dma_start3A_180 : memref<1x512xf32, #tpu.memory_space<hbm>> -> memref<512xf32, #tpu.memory_space<hbm>>
      %dma_start3A_182 = arith.constant 0 : i32
      %dma_start3A_183 = tpu.memref_slice %arg5[%add3A, %dma_start3A_182] : memref<32x512xf32, #tpu.memory_space<hbm>> -> memref<1x512xf32, #tpu.memory_space<hbm>>
      %dma_start3A_184 = tpu.memref_squeeze %dma_start3A_183 : memref<1x512xf32, #tpu.memory_space<hbm>> -> memref<512xf32, #tpu.memory_space<hbm>>
      tpu.enqueue_dma source(%arg12 : memref<512xf32, #tpu.memory_space<vmem>>) target(%dma_start3A_184 : memref<512xf32, #tpu.memory_space<hbm>>) target_semaphore(%run_scoped3A : memref<!tpu.dma_semaphore, #tpu.memory_space<semaphore_mem>>)
      %dma_wait3A = arith.constant 0 : i32
      %dma_wait3A_185 = tpu.memref_slice %arg5[%add3A, %dma_wait3A] : memref<32x512xf32, #tpu.memory_space<hbm>> -> memref<1x512xf32, #tpu.memory_space<hbm>>
      %dma_wait3A_186 = tpu.memref_squeeze %dma_wait3A_185 : memref<1x512xf32, #tpu.memory_space<hbm>> -> memref<512xf32, #tpu.memory_space<hbm>>
      %dma_wait3A_187 = arith.constant 0 : i32
      %dma_wait3A_188 = tpu.memref_slice %arg5[%add3A, %dma_wait3A_187] : memref<32x512xf32, #tpu.memory_space<hbm>> -> memref<1x512xf32, #tpu.memory_space<hbm>>
      %dma_wait3A_189 = tpu.memref_squeeze %dma_wait3A_188 : memref<1x512xf32, #tpu.memory_space<hbm>> -> memref<512xf32, #tpu.memory_space<hbm>>
      tpu.wait_dma2 semaphore(%run_scoped3A : memref<!tpu.dma_semaphore, #tpu.memory_space<semaphore_mem>>) src(%arg12 : memref<512xf32, #tpu.memory_space<vmem>>) dst(%dma_wait3A_189 : memref<512xf32, #tpu.memory_space<hbm>>)
      tpu.yield
    }) : () -> ()
    return
  }
}

</mosaic_0001>

<sc_bundles>
// kernel: kernel.3.cloned.1.call-start
scs
__scs_entry_jumppad:
0x0: {  	(pc) =	sbr.rel $0x88, $3  }
0x1: {  	(tag) =	ssettag $0x0;
	lr =	simm.s32 $0x1  }
0x2: {  	[smem:$0x3F9E] =	sst lr;
	_ =	strace $0xD0000000  }
0x3: {  	_ = 	snop  }
0x4: {  	_ = 	snop  }
0x5: {  	_ = 	snop  }
0x6: {  	_ = 	snop  }
0x7: {  	_ = 	snop  }
__scs_overlays_trampoline_lowered:
0x8: {  	[smem:$0x3FAD] =	sst s0  }
0x9: {  	[smem:$0x3FAE] =	sst s1  }
0xa: {  	[smem:$0x3FAF] =	sst s2  }
0xb: {  	[smem:$0x3FB0] =	sst s3  }
0xc: {  	[smem:$0x3FB1] =	sst s4  }
0xd: {  	[smem:$0x3FB2] =	sst s5  }
0xe: {  	[smem:$0x3FB3] =	sst s6  }
0xf: {  	[smem:$0x3FB4] =	sst s7  }
0x10: {  	[smem:$0x3FB5] =	sst s8  }
0x11: {  	[smem:$0x3FB6] =	sst s9;
	s0 =	simm.s32 @!p0 $0x0  }
0x12: {  	s1 =	sld [smem:$0x3F9C];
	s0 =	simm.s32 @p0 $0x1  }
0x13: {  	[smem:$0x3FB7] =	sst s0;
	s0 =	simm.s32 @!p1 $0x0  }
0x14: {  	s2 =	sld [smem:$0x3F9B];
	s0 =	simm.s32 @p1 $0x1  }
0x15: {  	[smem:$0x3FB8] =	sst s0;
	s0 =	simm.s32 @!p2 $0x0  }
0x16: {  	s3 =	sld [smem:$0x3FDB];
	s0 =	simm.s32 @p2 $0x1  }
0x17: {  	s4 =	simm.s32 $0x1BF5;
	[smem:$0x3FBA] =	sst s0  }
0x18: {  	s0 =	sld [smem:$0x3F9D];
	_ =	swait.ge [sflag:s4], $0x0  }
0x19: {  	s7 =	sld [smem:$0x3F9E]  }
0x1a: {  	s8 =	sadd.s32 $0xFFFFE003, lr  }
0x1b: {  	s9 =	sadd.s32 $0xFFFFFEF7, lr;
	s5 =	simm.s32 $0xFFFFFFFF;
	p2 =	slt.u32 s8, $0xFFFFF086  }
0x1c: {  	p1 =	slt.u32 s9, $0xF7A;
	s5 =	simm.s32 @!p2 $0x0  }
0x1d: {  	s5 =	simm.s32 @p1 $0x1;
	p0 =	seq.s32 s7, s2  }
0x1e: {  	s7 =	smul.u32 @!p0 $0xF7A, s2;
	p2 =	seq.s32 @!p0 s5, $0x0  }
0x1f: {  	s9 =	smul.u32 $0xF7A, s1;
	s8 =	simm.s32 @!p0 $0x1BF5;
	p2 =	por !p2, p0  }
0x20: {  	[sflag:s8] =	ssyncset.s32 @!p0 $0xFFFFF086;
	s6 =	sadd.s32 @!p0 s3, s7;
	s7 =	simm.s32 @!p0 $0x108  }
0x21: {  	s3 =	sadd.s32 s3, s9;
	s6 =	sadd.s32 @!p0 $0x88, s6;
	s7 =	simm.s32 @p2 $0x1082  }
0x22: {  	[simem:s7], [sflag:s8] =	dma.local @!p0 [hbm:s6], $0xF7A  }
0x23: {  	s9 =	sor.u32 $0xD0000000, s2;
	s6 =	simm.s32 $0x108;
	_ =	swait.ge @!p0 [sflag:s8], $0x0  }
0x24: {  	s3 =	sadd.s32 $0x88, s3;
	s6 =	simm.s32 @!p1 $0x1082;
	[sflag:s4] =	ssyncset.s32 $0xFFFFF086  }
0x25: {  	[simem:s6], [sflag:s4] =	dma.local [hbm:s3], $0xF7A  }
0x26: {  	[smem:$0x3F9E] =	sst s1;
	(tag) =	ssettag s2;
	_ =	strace s9  }
0x27: {  	s1 =	sld [smem:$0x3FAE]  }
0x28: {  	s2 =	sld [smem:$0x3FAF]  }
0x29: {  	s4 =	sld [smem:$0x3FB1]  }
0x2a: {  	p0 =	seq.s32 s5, $0x0;
	s5 =	sld [smem:$0x3FB2]  }
0x2b: {  	s6 =	sld [smem:$0x3FB3]  }
0x2c: {  	s7 =	sld [smem:$0x3FB4]  }
0x2d: {  	s3 =	simm.s32 $0x108;
	s8 =	sld [smem:$0x3FB5]  }
0x2e: {  	s3 =	simm.s32 @!p0 $0x1082;
	s9 =	sld [smem:$0x3FB6]  }
0x2f: {  	lr =	sadd.s32 s0, s3;
	s0 =	sld [smem:$0x3FAD]  }
0x30: {  	s3 =	sld [smem:$0x3FB0]  }
0x31: {  	[smem:$0x3FB9] =	sst s10  }
0x32: {  	s10 =	sld [smem:$0x3FB7];
	_ =	sdelay $0x3  }
0x33: {  	p0 =	seq.s32 s10, $0x1;
	s10 =	sld [smem:$0x3FB9];
	_ =	sdelay $0x3  }
0x34: {  	[smem:$0x3FB9] =	sst s10  }
0x35: {  	s10 =	sld [smem:$0x3FB8];
	_ =	sdelay $0x3  }
0x36: {  	p1 =	seq.s32 s10, $0x1;
	s10 =	sld [smem:$0x3FB9];
	_ =	sdelay $0x3  }
0x37: {  	[smem:$0x3FB9] =	sst s10  }
0x38: {  	s10 =	sld [smem:$0x3FBA]  }
0x39: {  	_ = 	snop;
	(pc) =	sbr.ind lr, $3  }
0x3a: {  	_ = 	snop  }
0x3b: {  	_ = 	snop  }
0x3c: {  	p2 =	seq.s32 s10, $0x1;
	s10 =	sld [smem:$0x3FB9]  }
0x3d: {  	_ =	shalt  }
0x3e: {  	_ =	shalt  }
0x3f: {  	_ =	shalt  }
0x40: {  	_ =	shalt  }
0x41: {  	_ =	shalt  }
0x42: {  	_ =	shalt  }
0x43: {  	_ =	shalt  }
0x44: {  	_ =	shalt  }
0x45: {  	_ =	shalt  }
0x46: {  	_ =	shalt  }
0x47: {  	_ =	shalt  }
0x48: {  	_ =	shalt  }
0x49: {  	_ =	shalt  }
0x4a: {  	_ =	shalt  }
0x4b: {  	_ =	shalt  }
0x4c: {  	_ =	shalt  }
0x4d: {  	_ =	shalt  }
0x4e: {  	_ =	shalt  }
0x4f: {  	_ =	shalt  }
0x50: {  	_ =	shalt  }
0x51: {  	_ =	shalt  }
0x52: {  	_ =	shalt  }
0x53: {  	_ =	shalt  }
0x54: {  	_ =	shalt  }
0x55: {  	_ =	shalt  }
0x56: {  	_ =	shalt  }
0x57: {  	_ =	shalt  }
0x58: {  	_ =	shalt  }
0x59: {  	_ =	shalt  }
0x5a: {  	_ =	shalt  }
0x5b: {  	_ =	shalt  }
0x5c: {  	_ =	shalt  }
0x5d: {  	_ =	shalt  }
0x5e: {  	_ =	shalt  }
0x5f: {  	_ =	shalt  }
0x60: {  	_ =	shalt  }
0x61: {  	_ =	shalt  }
0x62: {  	_ =	shalt  }
0x63: {  	_ =	shalt  }
0x64: {  	_ =	shalt  }
0x65: {  	_ =	shalt  }
0x66: {  	_ =	shalt  }
0x67: {  	_ =	shalt  }
0x68: {  	_ =	shalt  }
0x69: {  	_ =	shalt  }
0x6a: {  	_ =	shalt  }
0x6b: {  	_ =	shalt  }
0x6c: {  	_ =	shalt  }
0x6d: {  	_ =	shalt  }
0x6e: {  	_ =	shalt  }
0x6f: {  	_ =	shalt  }
0x70: {  	_ =	shalt  }
0x71: {  	_ =	shalt  }
0x72: {  	_ =	shalt  }
0x73: {  	_ =	shalt  }
0x74: {  	_ =	shalt  }
0x75: {  	_ =	shalt  }
0x76: {  	_ =	shalt  }
0x77: {  	_ =	shalt  }
0x78: {  	_ =	shalt  }
0x79: {  	_ =	shalt  }
0x7a: {  	_ =	shalt  }
0x7b: {  	_ =	shalt  }
0x7c: {  	_ =	shalt  }
0x7d: {  	_ =	shalt  }
0x7e: {  	_ =	shalt  }
0x7f: {  	_ =	shalt  }
0x80: {  	_ =	shalt  }
0x81: {  	_ =	shalt  }
0x82: {  	_ =	shalt  }
0x83: {  	_ =	shalt  }
0x84: {  	_ =	shalt  }
0x85: {  	_ =	shalt  }
0x86: {  	_ =	shalt  }
0x87: {  	_ =	shalt  }
.Lfunc_end0:
.L_simem_size_0:
called_computation_lowered:
.L_overlay_start_0:
0x88: {  	s2 =	sld [smem:$0x3FD9]  }
0x89: {  	s3 =	sld [smem:$0x3FFE];
	_ =	sdelay $0x1  }
0x8a: {  	s1 =	srdreg.scid  }
0x8b: {  	s0 =	sand.u32 $0x1, s1  }
0x8c: {  	s17 =	sshll.u32 s0, $0xA;
	s2 =	sadd.s32 s3, s2  }
0x8d: {  	s2 =	sadd.s32 s2, s17  }
0x8e: {  	[smem:$0x3FC5] =	sst s2  }
0x8f: {  	_ = 	snop  }
0x90: {  	s2 =	sld [smem:$0x3FC9]  }
0x91: {  	s18 =	sld [smem:$0x3FC8]  }
0x92: {  	s4 =	sld [smem:$0x3FC7];
	(tm) =	ssettm $0x1  }
0x93: {  	s5 =	sld [smem:$0x3FFB];
	_ =	sdelay $0x3  }
0x94: {  	_ =	strace s5  }
0x95: {  	s5 =	sld [smem:$0x3FFC];
	_ =	sdelay $0x3  }
0x96: {  	_ =	strace s5  }
0x97: {  	s5 =	sld [smem:$0x3FFD];
	_ =	sdelay $0x3  }
0x98: {  	_ =	strace s5  }
0x99: {  	_ =	strace $0x8FFFFFFF  }
0x9a: {  	s19 =	sld [smem:$0x3FDB];
	_ =	sdelay $0x1  }
0x9b: {  	s6 =	simm.s32 $_scs_section_size  }
0x9c: {  	s7 =	simm.s32 $_size__tile_overlayer_lowered;
	s8 =	simm.s32 $_tile_overlayer_lowered  }
0x9d: {  	s22 =	simm.s32 $0x1BFF;
	s21 =	sshll.u32 s8, $0x1;
	s5 =	sadd.s32 s6, s19  }
0x9e: {  	s9 =	simm.s32 $0x0;
	s20 =	sshll.u32 s7, $0x1;
	s7 =	sadd.s32 s21, s5  }
0x9f: {  	[timem:s9], [sflag:s22] =	dma.local [hbm:s7], s20  }
0xa0: {  	_ =	swait.ge [sflag:s22], s20  }
0xa1: {  	s6 =	ssub.s32 $0x0, s20;
	[sflag:s22] =	ssyncset.done $0x0  }
0xa2: {  	[sflag:s22] =	ssyncadd.s32 s6;
	_ =	sdelay $0x1  }
0xa3: {  	s23 =	simm.s32 $0x1B8B  }
0xa4: {  	_ =	swait.ge [sflag:s23], $0x1  }
0xa5: {  	[sflag:s23] =	ssyncset.done $0x0  }
0xa6: {  	s25 =	simm.s32 $0x1B8E;
	s24 =	sld [smem:$0x3FFE];
	[sflag:s23] =	ssyncadd.s32 $0xFFFFFFFF  }
0xa7: {  	s26 =	simm.s32 $execute0_lowered;
	[smem:$0x3FD2] =	sst s25  }
0xa8: {  	s7 =	sshll.u32 s26, $0x1;
	_ =	strace $0x80000046;
	[dreg:$0x1] =	wrdreg $0xFFFFFFFF  }
0xa9: {  	s28 =	simm.s32 $_size_execute0_lowered;
	s5 =	sadd.s32 s5, s7;
	[dreg:$0x0] =	wrdreg $0x0  }
0xaa: {  	s7 =	sshll.u32 s28, $0x1;
	[dreg:$0x2] =	wrdreg s5  }
0xab: {  	[dreg:$0x3] =	wrdreg s7  }
0xac: {  	[dreg:$0x4] =	wrdreg $0xC0  }
0xad: {  	_ =	task [dreg:s9], $0x5FFFF  }
0xae: {  	[dreg:$0x1] =	wrdreg $0xFFFFFFFF  }
0xaf: {  	[dreg:$0x0] =	wrdreg $0x60  }
0xb0: {  	[dreg:$0x2] =	wrdreg s2  }
0xb1: {  	[dreg:$0x3] =	wrdreg s18  }
0xb2: {  	[dreg:$0x4] =	wrdreg s4  }
0xb3: {  	[dreg:$0x5] =	wrdreg s24  }
0xb4: {  	[dreg:$0x6] =	wrdreg $0x9  }
0xb5: {  	_ =	task.clear_ibuf [dreg:s9], $0x7FFFF;
	_ =	strace $0x90000046  }
0xb6: {  	s29 =	simm.s32 $0x9;
	_ =	strace $0x80000048  }
0xb7: {  	_ =	swait.ge [sflag:s29], $0x1  }
0xb8: {  	[sflag:s29] =	ssyncadd.s32 $0xFFFFFFFF  }
0xb9: {  	_ =	strace $0x90000048  }
0xba: {  	_ =	sfence  }
0xbb: {  	s30 =	sld [smem:$0x0];
	_ =	sdelay $0x2  }
0xbc: {  	s31 =	sshll.u32 s1, $0xD;
	s1 =	sshrl.u32 s1, $0x2  }
0xbd: {  	s3 =	sand.u32 $0x4000, s31;
	s1 =	sadd.s32 s1, s30  }
0xbe: {  	s0 =	sor.u32 s3, s0;
	s1 =	sshll.u32 s1, $0x11  }
0xbf: {  	s0 =	sor.u32 s1, s0  }
0xc0: {  	s0 =	sadd.s32 $0x8F2B, s0  }
0xc1: {  	[sflag:s0] =	ssyncadd.remote.s32 $0x1  }
0xc2: {  	_ =	sfence.sel $0xFFFF  }
0xc3: {  	[dreg:$0x0] =	wrdreg $0xFFFFFFFF;
	(pc) =	sbr.abs _section_cstart, $3  }
0xc4: {  	[dreg:$0x1] =	wrdreg $0xFFFFFFFF  }
0xc5: {  	_ =	task.clear_ibuf [dreg:s9], $0x2FFFF;
	_ =	strace $0x9FFFFFFF  }
0xc6: {  	(tm) =	ssettm $0x7FFFFFFF  }
0xc7: {  	_ =	shalt  }
tec
execute0_lowered:
.L_overlay_start_1:
0x0: {  	(tag) =	ssettag $0x1  }
0x1: {  	s0 =	rddreg [dreg:$0x0]  }
0x2: {  	s2 =	rddreg [dreg:$0x1]  }
0x3: {  	s1 =	srdreg.scid;
	s4 =	rddreg [dreg:$0x2]  }
0x4: {  	s10 =	stileid.u32;
	s6 =	rddreg [dreg:$0x3]  }
0x5: {  	s30 =	simm.s32 $0x1F80;
	s31 =	simm.s32 $0x3F00;
	s3 =	sand.u32 $0x1, s1  }
0x6: {  	s24 =	sshll.u32 s10, $0x1;
	s1 =	simm.s32 $0x0;
	s20 =	sshll.u32 s10, $0x7  }
0x7: {  	p0 =	sgt.u32 s10, $0xC;
	s5 =	sor.u32 s3, s24;
	s3 =	ssub.s32 $0x2, s3  }
0x8: {  	[smem:$0x7FF] =	sst s1;
	s7 =	smul.u32 $0x1F40, s5;
	s9 =	sshrl.u32 s3, $0x1  }
0x9: {  	s8 =	smul.u32 $0x3E8, s5;
	s5 =	sshll.u32 s5, $0x4;
	s3 =	ssub.s32 s3, s9  }
0xa: {  	s9 =	sand.u32 $0x600, s20;
	s23 =	sand.u32 $0x70, s5;
	s5 =	simm.s32 $0x2  }
0xb: {  	s7 =	sshrl.u32 s7, $0x3;
	s25 =	sadd.s32 s0, s8;
	s11 =	sadd.s32 s2, s8  }
0xc: {  	s8 =	sadd.s32 s4, s8;
	s6 =	sadd.s32 s6, s9;
	[dreg:$0x5] =	wrdreg s25  }
0xd: {  	s29 =	smax.u32 s3, $0x1;
	s3 =	simm.s32 $0x1;
	[dreg:$0x6] =	wrdreg s11  }
0xe: {  	s26 =	sadd.s32 $0x7D00, s7;
	[dreg:$0x7] =	wrdreg s8;
	s14 =	sadd.s32 $0xFA00, s7  }
0xf: {  	s17 =	sadd.s32 $0x17700, s7;
	s19 =	sadd.s32 $0x1F400, s7;
	s21 =	sadd.s32 $0x27100, s7  }
0x10: {  	s22 =	sadd.s32 $0x2EE00, s7;
	s7 =	sadd.s32 $0x36B00, s7;
	s28 =	sadd.s32 s23, s6  }
0x11: {  	s23 =	simm.s32 $0x5E80;
	s6 =	simm.s32 $0x3;
	s11 =	sadd.s32 s0, s26  }
0x12: {  	s12 =	sadd.s32 s2, s26;
	s13 =	sadd.s32 s4, s26;
	[dreg:$0x8] =	wrdreg s11  }
0x13: {  	s15 =	sadd.s32 s0, s14;
	s16 =	sadd.s32 s2, s14;
	[dreg:$0x9] =	wrdreg s12  }
0x14: {  	s8 =	sadd.s32 s4, s14;
	s18 =	sadd.s32 s0, s17;
	[dreg:$0xa] =	wrdreg s13  }
0x15: {  	s14 =	sadd.s32 s0, s19;
	s20 =	sadd.s32 s0, s22;
	[dreg:$0xb] =	wrdreg s15  }
0x16: {  	s24 =	sadd.s32 s0, s7;
	s25 =	sadd.s32 s2, s7;
	[dreg:$0xc] =	wrdreg s16  }
0x17: {  	s26 =	sadd.s32 s4, s7;
	s7 =	simm.s32 $0x0;
	[dreg:$0xd] =	wrdreg s8  }
.Ltmp0:
0x18: {  	[dreg:$0xe] =	wrdreg s18;
	s12 =	sadd.s32 s2, s17;
	(pc) =	sbr.rel .LBB2_1-.Ltmp0, $4  }
0x19: {  	s13 =	sadd.s32 s4, s17;
	s15 =	sadd.s32 s2, s19;
	s16 =	sadd.s32 s4, s19  }
0x1a: {  	s17 =	sadd.s32 s0, s21;
	s18 =	sadd.s32 s2, s21;
	s19 =	sadd.s32 s4, s21  }
0x1b: {  	v0 =	vimm.f32 $0.0e+00;
	v1 =	vlaneseq.u32;
	s21 =	sadd.s32 s2, s22;
	s22 =	sadd.s32 s4, s22;
	s0 =	simm.s32 $0x7E00  }
0x1c: {  	v2 =	vimm.f32 $1.000000000e+00;
	v3 =	vimm.s32 $0x0;
	v4 =	vor.u32 $0x100, v1;
	s2 =	simm.s32 $0x9D80;
	s4 =	simm.s32 $0xBD00;
	_ =	strace $0x80000047  }
.LBB2_18:
0x1d: {  	v8 =	vshll.u32 v18, $0x4  }
0x1e: {  	v17 =	vshll.u32 v17, $0x4;
	v18 =	vor.u32 v1, v8  }
0x1f: {  	v15 =	vadd.s32 v15, v16;
	v59 =	vor.u32 v1, v17;
	v18 =	vand.u32 $0xFF, v18  }
0x20: {  	vm0 =	veq.s32 v9, v10;
	v8 =	vand.u32 $0xF0, v8;
	v16 =	vand.u32 $0xFF, v59  }
0x21: {  	v15 =	vshll.u32 v15, $0x4;
	v17 =	vand.u32 $0xF0, v17;
	v8 =	vor.u32 v4, v8  }
0x22: {  	vm14 =	veq.s32 v11, v13;
	v60 =	vor.u32 v1, v15;
	v61 =	vor.u32 v4, v17  }
0x23: {  	v62 =	vsel vm0, $0x45800800, v2;
	v15 =	vand.u32 $0xF0, v15;
	v9 =	vand.u32 $0xFF, v60  }
0x24: {  	v13 =	vsel vm14, $0x45800800, v2;
	v63 =	vor.u32 v4, v15;
	[tilespmem:v18+s4+$0x0] =	vst.idx.add.f32.msk $0xffff, v62  }
0x25: {  	[tilespmem:v16+s4+$0x0] =	vst.idx.add.f32.msk $0xffff, v13  }
0x26: {  	vm15 =	veq.s32 v12, v14;
	[tilespmem:v8+s4+$0x0] =	vst.idx.add.f32.msk $0xffff, v7  }
0x27: {  	v7 =	vsel vm15, $0x45800800, v2;
	[tilespmem:v61+s4+$0x0] =	vst.idx.add.f32.msk $0xffff, v5  }
0x28: {  	[tilespmem:v9+s4+$0x0] =	vst.idx.add.f32.msk $0xffff, v7  }
0x29: {  	[tilespmem:v63+s4+$0x0] =	vst.idx.add.f32.msk $0xffff, v6  }
.LBB2_19:
0x2a: {  	s7 =	sadd.s32 $0x1, s7  }
0x2b: {  	p1 =	sne.s32 s7, s29  }
.Ltmp1:
0x2c: {  	s8 =	simm.s32 $0x80;
	s9 =	simm.s32 $0x400;
	(pc) =	sbr.rel @!p1 .LBB2_20-.Ltmp1, $4  }
0x2d: {  	[hbm4b:s28+s8] =	stream.strided.scatter [tilespmem:s4], [sflag:$0x3], $0x200, s9, s8, $0x38;
	[tilespmem:$0xBF00] =	vst v63  }
0x2e: {  	_ =	swait.ge [sflag:s6], $0x200  }
0x2f: {  	[sflag:s6] =	ssyncset.done $0x0  }
0x30: {  	[sflag:s6] =	ssyncadd.s32 $0xFFFFFE00  }
.LBB2_1:
0x31: {  	[tilespmem:$0xBD00] =	vst v0  }
0x32: {  	[tilespmem:$0xBD10] =	vst v0  }
0x33: {  	[tilespmem:$0xBD20] =	vst v0  }
0x34: {  	[tilespmem:$0xBD30] =	vst v0  }
0x35: {  	[tilespmem:$0xBD40] =	vst v0  }
0x36: {  	[tilespmem:$0xBD50] =	vst v0  }
0x37: {  	[tilespmem:$0xBD60] =	vst v0  }
0x38: {  	[tilespmem:$0xBD70] =	vst v0  }
0x39: {  	[tilespmem:$0xBD80] =	vst v0  }
0x3a: {  	[tilespmem:$0xBD90] =	vst v0  }
0x3b: {  	[tilespmem:$0xBDA0] =	vst v0  }
0x3c: {  	[tilespmem:$0xBDB0] =	vst v0  }
0x3d: {  	[tilespmem:$0xBDC0] =	vst v0  }
0x3e: {  	[tilespmem:$0xBDD0] =	vst v0  }
0x3f: {  	[tilespmem:$0xBDE0] =	vst v0  }
0x40: {  	[tilespmem:$0xBDF0] =	vst v0  }
0x41: {  	[tilespmem:$0xBE00] =	vst v0  }
0x42: {  	[tilespmem:$0xBE10] =	vst v0  }
0x43: {  	[tilespmem:$0xBE20] =	vst v0  }
0x44: {  	[tilespmem:$0xBE30] =	vst v0  }
0x45: {  	[tilespmem:$0xBE40] =	vst v0  }
0x46: {  	[tilespmem:$0xBE50] =	vst v0  }
0x47: {  	[tilespmem:$0xBE60] =	vst v0  }
0x48: {  	[tilespmem:$0xBE70] =	vst v0  }
0x49: {  	[tilespmem:$0xBE80] =	vst v0  }
0x4a: {  	[tilespmem:$0xBE90] =	vst v0  }
0x4b: {  	[tilespmem:$0xBEA0] =	vst v0  }
0x4c: {  	[tilespmem:$0xBEB0] =	vst v0  }
0x4d: {  	[tilespmem:$0xBEC0] =	vst v0  }
0x4e: {  	[tilespmem:$0xBED0] =	vst v0  }
0x4f: {  	[tilespmem:$0xBEE0] =	vst v0  }
0x50: {  	[tilespmem:$0xBEF0] =	vst v0;
	s8 =	rddreg [dreg:$0x5]  }
0x51: {  	[tilespmem:s1], [sflag:$0x1] =	stream.linear.gather [hbm4b:s8+s1], $0x1F40, $0x38;
	[tilespmem:$0xBF00] =	vst v63  }
0x52: {  	s9 =	rddreg [dreg:$0x6]  }
0x53: {  	[tilespmem:s30], [sflag:$0x1] =	stream.linear.gather [hbm4b:s9+s1], $0x1F40, $0x38;
	[tilespmem:$0xBF00] =	vst v63  }
0x54: {  	s10 =	rddreg [dreg:$0x7]  }
0x55: {  	[tilespmem:s31], [sflag:$0x1] =	stream.linear.gather [hbm4b:s10+s1], $0x1F40, $0x38;
	[tilespmem:$0xBF00] =	vst v63  }
0x56: {  	s11 =	rddreg [dreg:$0x8]  }
0x57: {  	[tilespmem:s23], [sflag:$0x2] =	stream.linear.gather [hbm4b:s11+s1], $0x1F40, $0x38;
	[tilespmem:$0xBF00] =	vst v63  }
0x58: {  	s9 =	rddreg [dreg:$0x9]  }
0x59: {  	[tilespmem:s0], [sflag:$0x2] =	stream.linear.gather [hbm4b:s9+s1], $0x1F40, $0x38;
	[tilespmem:$0xBF00] =	vst v63  }
0x5a: {  	s10 =	rddreg [dreg:$0xa]  }
0x5b: {  	[tilespmem:s2], [sflag:$0x2] =	stream.linear.gather [hbm4b:s10+s1], $0x1F40, $0x38;
	[tilespmem:$0xBF00] =	vst v63  }
0x5c: {  	_ =	swait.ge [sflag:s3], $0x1F40  }
0x5d: {  	[sflag:s3] =	ssyncset.done $0x0  }
0x5e: {  	[sflag:s3] =	ssyncadd.s32 $0xFFFFE0C0  }
0x5f: {  	_ =	swait.ge [sflag:s3], $0x1F40  }
0x60: {  	[sflag:s3] =	ssyncset.done $0x0  }
0x61: {  	[sflag:s3] =	ssyncadd.s32 $0xFFFFE0C0  }
0x62: {  	_ =	swait.ge [sflag:s3], $0x1F40  }
0x63: {  	[sflag:s3] =	ssyncset.done $0x0  }
0x64: {  	s11 =	simm.s32 $0x20;
	[sflag:s3] =	ssyncadd.s32 $0xFFFFE0C0  }
0x65: {  	v8 =	vld [tilespmem:s11+$0x10]  }
0x66: {  	v5 =	vld [tilespmem:s11+$0xFFFFFFF0]  }
0x67: {  	v7 =	vld [tilespmem:s11+$0xFFFFFFE0]  }
0x68: {  	v6 =	vld [tilespmem:s11+$0x0];
	_ =	sdelay $0x2  }
0x69: {  	v9 =	vmul.f32 $1.000000000e+01, v8  }
0x6a: {  	v10 =	vmul.f32 $1.000000000e+01, v5;
	v11 =	vmul.f32 $1.000000000e+01, v7  }
0x6b: {  	v12 =	vmul.f32 $1.000000000e+01, v6;
	v9 =	vtrunc.f32 v9  }
0x6c: {  	v10 =	vtrunc.f32 v10;
	v11 =	vtrunc.f32 v11  }
0x6d: {  	v12 =	vtrunc.f32 v12;
	v9 =	vcvt.f32.s32 v9  }
0x6e: {  	v10 =	vcvt.f32.s32 v10;
	v11 =	vcvt.f32.s32 v11  }
0x6f: {  	v12 =	vcvt.f32.s32 v12;
	vm0 =	vlt.s32 v9, $0x9  }
0x70: {  	vm1 =	vlt.s32 v10, $0x9;
	vm12 =	vgt.s32 v10, $0x8;
	vm2 =	vlt.s32 v11, $0x9  }
0x71: {  	vm13 =	vlt.s32 v12, $0x9;
	vm14 =	vgt.s32 v11, $0x8;
	vm15 =	vgt.s32 v9, $0x8  }
0x72: {  	vm3 =	veq.s32 v9, $0x8;
	vm5 =	vgt.s32 v12, $0x8;
	v13 =	vnsel vm0, $0x9, v9  }
0x73: {  	vm6 =	veq.s32 v11, $0x8;
	v19 =	vnsel vm13, $0x9, v12;
	v14 =	vcvt.s32.f32 v13  }
0x74: {  	vm7 =	veq.s32 v10, $0x8;
	v16 =	vnsel vm2, $0x9, v11;
	v21 =	vcvt.s32.f32 v19  }
0x75: {  	v15 =	vnsel vm1, $0x9, v10;
	v18 =	vcvt.s32.f32 v16;
	v17 =	vadd.f32 $1.000000000e+00, v14  }
0x76: {  	v20 =	vcvt.s32.f32 v15;
	v14 =	vmul.f32 $1.000000010e-01, v14;
	v22 =	vadd.f32 $1.000000000e+00, v21  }
0x77: {  	vm8 =	veq.s32 v12, $0x8;
	v21 =	vmul.f32 $1.000000010e-01, v21;
	v17 =	vmul.f32 $1.000000010e-01, v17  }
0x78: {  	v9 =	vsel vm15, $0x3F666666, v14;
	v14 =	vadd.f32 $1.000000000e+00, v18;
	v22 =	vmul.f32 $1.000000010e-01, v22  }
0x79: {  	v21 =	vsel vm5, $0x3F666666, v21;
	vm2 =	vle.f32 v8, v9;
	v17 =	vsel vm3, $0x3F666666, v17  }
0x7a: {  	v9 =	vadd.f32 $1.000000000e+00, v20;
	vm3 =	vgt.f32 v8, v17;
	v17 =	vsel vm2, $0xFFFFFFFF, v3  }
0x7b: {  	s9 =	simm.s32 $0x3F20;
	vm13 =	vle.f32 v6, v21;
	v23 =	vsel vm3, $0x1, v3;
	v13 =	vadd.s32 v17, v13  }
0x7c: {  	s8 =	simm.s32 $0x1FA0;
	v63 =	vld [tilespmem:s9+$0x10];
	v14 =	vmul.f32 $1.000000010e-01, v14;
	v22 =	vsel vm8, $0x3F666666, v22;
	v13 =	vadd.s32 v23, v13  }
0x7d: {  	v17 =	vmul.f32 $1.000000010e-01, v18;
	v18 =	vmul.f32 $1.000000010e-01, v20;
	v20 =	vld [tilespmem:s8+$0x10];
	v13 =	vshll.u32 v13, $0x4  }
0x7e: {  	v21 =	vsel vm13, $0xFFFFFFFF, v3;
	v24 =	vmul.f32 $1.000000010e-01, v9;
	v9 =	vor.u32 v1, v13  }
0x7f: {  	v10 =	vld [tilespmem:s9+$0xFFFFFFE0];
	vm15 =	vgt.f32 v6, v22;
	v13 =	vand.u32 $0xF0, v13;
	v25 =	vand.u32 $0xFF, v9  }
0x80: {  	v11 =	vld [tilespmem:s8+$0xFFFFFFF0];
	v14 =	vsel vm6, $0x3F666666, v14;
	v17 =	vsel vm14, $0x3F666666, v17;
	v26 =	vor.u32 v4, v13  }
0x81: {  	v12 =	vld [tilespmem:s8+$0x0];
	v18 =	vsel vm12, $0x3F666666, v18;
	vm12 =	vgt.f32 v7, v14;
	vm10 =	vle.f32 v7, v17  }
0x82: {  	vm11 =	vle.f32 v5, v18;
	v9 =	vld [tilespmem:s8+$0xFFFFFFE0];
	vm9 =	veq.s32 v20, v63;
	v20 =	vsel vm7, $0x3F666666, v24  }
0x83: {  	v18 =	vsel vm12, $0x1, v3;
	v13 =	vld [tilespmem:s9+$0xFFFFFFF0];
	v23 =	vsel vm9, $0x45800800, v2;
	vm14 =	vgt.f32 v5, v20  }
0x84: {  	v14 =	vsel vm10, $0xFFFFFFFF, v3;
	v17 =	vsel vm11, $0xFFFFFFFF, v3;
	v20 =	vsel vm14, $0x1, v3;
	[tilespmem:v25+s4+$0x0] =	vst.idx.add.f32.msk $0xffff, v23  }
0x85: {  	[tilespmem:v26+s4+$0x0] =	vst.idx.add.f32.msk $0xffff, v8;
	v8 =	vadd.s32 v14, v16;
	v16 =	vadd.s32 v17, v15;
	v15 =	vsel vm15, $0x1, v3  }
0x86: {  	s10 =	simm.s32 $0x0;
	s11 =	simm.s32 $0x60;
	v14 =	vld [tilespmem:s9+$0x0];
	v18 =	vadd.s32 v18, v8;
	v17 =	vadd.s32 v20, v16;
	v16 =	vadd.s32 v21, v19  }
.LBB2_2:
0x87: {  	v8 =	vld [tilespmem:s11+$0x10];
	v18 =	vshll.u32 v18, $0x4;
	v17 =	vshll.u32 v17, $0x4;
	v15 =	vadd.s32 v15, v16  }
0x88: {  	s10 =	sadd.s32 $0x4, s10;
	v16 =	vld [tilespmem:s11+$0xFFFFFFF0];
	v19 =	vand.u32 $0xF0, v18;
	v18 =	vor.u32 v1, v18;
	v15 =	vshll.u32 v15, $0x4  }
0x89: {  	p1 =	slt.u32 s10, $0x1F0;
	v21 =	vand.u32 $0xF0, v17;
	v17 =	vor.u32 v1, v17;
	v20 =	vld [tilespmem:s11+$0x0];
	v22 =	vand.u32 $0xF0, v15  }
0x8a: {  	vm0 =	veq.s32 v9, v10;
	vm1 =	veq.s32 v11, v13;
	v9 =	vor.u32 v1, v15;
	v23 =	vld [tilespmem:s11+$0xFFFFFFE0]  }
0x8b: {  	vm2 =	veq.s32 v12, v14;
	v10 =	vand.u32 $0xFF, v18;
	v11 =	vor.u32 v4, v19  }
0x8c: {  	v13 =	vand.u32 $0xFF, v17;
	v14 =	vor.u32 v4, v21;
	v12 =	vmul.f32 $1.000000000e+01, v8  }
0x8d: {  	v9 =	vand.u32 $0xFF, v9;
	v17 =	vor.u32 v4, v22;
	v15 =	vmul.f32 $1.000000000e+01, v16  }
0x8e: {  	v19 =	vsel vm0, $0x45800800, v2;
	v18 =	vmul.f32 $1.000000000e+01, v20;
	v12 =	vtrunc.f32 v12  }
0x8f: {  	v22 =	vsel vm1, $0x45800800, v2;
	v21 =	vmul.f32 $1.000000000e+01, v23;
	v12 =	vcvt.f32.s32 v12  }
0x90: {  	v15 =	vtrunc.f32 v15;
	v18 =	vtrunc.f32 v18;
	[tilespmem:v10+s4+$0x0] =	vst.idx.add.f32.msk $0xffff, v19;
	v10 =	vsel vm2, $0x45800800, v2  }
0x91: {  	v15 =	vcvt.f32.s32 v15;
	v19 =	vtrunc.f32 v21;
	vm0 =	vlt.s32 v12, $0x9;
	[tilespmem:v11+s4+$0x0] =	vst.idx.add.f32.msk $0xffff, v7;
	v7 =	vmovc v23  }
0x92: {  	v18 =	vcvt.f32.s32 v18;
	v19 =	vcvt.f32.s32 v19;
	v11 =	vnsel vm0, $0x9, v12;
	[tilespmem:v13+s4+$0x0] =	vst.idx.add.f32.msk $0xffff, v22  }
0x93: {  	vm1 =	vlt.s32 v15, $0x9;
	vm0 =	vgt.s32 v15, $0x8;
	v13 =	vcvt.s32.f32 v11;
	[tilespmem:v14+s4+$0x0] =	vst.idx.add.f32.msk $0xffff, v5;
	v5 =	vmovc v16  }
0x94: {  	v16 =	vnsel vm1, $0x9, v15;
	vm1 =	vlt.s32 v18, $0x9;
	vm2 =	vlt.s32 v19, $0x9;
	[tilespmem:v9+s4+$0x0] =	vst.idx.add.f32.msk $0xffff, v10  }
0x95: {  	v22 =	vnsel vm1, $0x9, v18;
	v21 =	vnsel vm2, $0x9, v19;
	v9 =	vadd.f32 $1.000000000e+00, v13;
	[tilespmem:v17+s4+$0x0] =	vst.idx.add.f32.msk $0xffff, v6;
	v6 =	vmovc v20  }
0x96: {  	vm1 =	vgt.s32 v19, $0x8;
	v13 =	vmul.f32 $1.000000010e-01, v13;
	v10 =	vcvt.s32.f32 v21  }
0x97: {  	v14 =	vcvt.s32.f32 v16;
	vm2 =	vgt.s32 v12, $0x8;
	v9 =	vmul.f32 $1.000000010e-01, v9  }
0x98: {  	v17 =	vcvt.s32.f32 v22;
	v13 =	vsel vm2, $0x3F666666, v13;
	vm2 =	veq.s32 v12, $0x8  }
0x99: {  	v12 =	vadd.f32 $1.000000000e+00, v10;
	v9 =	vsel vm2, $0x3F666666, v9;
	vm2 =	vle.f32 v8, v13  }
0x9a: {  	v13 =	vadd.f32 $1.000000000e+00, v14;
	vm3 =	vgt.f32 v8, v9;
	v9 =	vsel vm2, $0xFFFFFFFF, v3  }
0x9b: {  	s8 =	sadd.s32 $0x40, s8;
	v20 =	vadd.f32 $1.000000000e+00, v17;
	v23 =	vsel vm3, $0x1, v3;
	v9 =	vadd.s32 v9, v11  }
0x9c: {  	s9 =	sadd.s32 $0x40, s9;
	v14 =	vmul.f32 $1.000000010e-01, v14;
	v11 =	vmul.f32 $1.000000010e-01, v10;
	v24 =	vld [tilespmem:s8+$0x10];
	v9 =	vadd.s32 v23, v9  }
0x9d: {  	v17 =	vmul.f32 $1.000000010e-01, v17;
	v12 =	vmul.f32 $1.000000010e-01, v12;
	v23 =	vld [tilespmem:s9+$0x10];
	v25 =	vshll.u32 v9, $0x4  }
0x9e: {  	v20 =	vmul.f32 $1.000000010e-01, v20;
	v26 =	vmul.f32 $1.000000010e-01, v13;
	v9 =	vld [tilespmem:s8+$0xFFFFFFE0];
	v13 =	vor.u32 v1, v25  }
0x9f: {  	vm2 =	vgt.s32 v18, $0x8;
	v25 =	vand.u32 $0xF0, v25;
	v10 =	vld [tilespmem:s9+$0xFFFFFFE0];
	v27 =	vand.u32 $0xFF, v13  }
0xa0: {  	v29 =	vsel vm0, $0x3F666666, v14;
	v28 =	vsel vm1, $0x3F666666, v11;
	v25 =	vor.u32 v4, v25;
	v11 =	vld [tilespmem:s8+$0xFFFFFFF0]  }
0xa1: {  	vm0 =	veq.s32 v19, $0x8;
	vm1 =	veq.s32 v15, $0x8;
	v15 =	vsel vm2, $0x3F666666, v17;
	v13 =	vld [tilespmem:s9+$0xFFFFFFF0]  }
0xa2: {  	v17 =	vsel vm0, $0x3F666666, v12;
	vm0 =	veq.s32 v18, $0x8;
	v12 =	vld [tilespmem:s8+$0x0];
	vm2 =	veq.s32 v24, v23  }
0xa3: {  	v18 =	vsel vm1, $0x3F666666, v26;
	v19 =	vsel vm0, $0x3F666666, v20;
	v14 =	vld [tilespmem:s9+$0x0];
	v20 =	vsel vm2, $0x45800800, v2  }
0xa4: {  	vm0 =	vle.f32 v7, v28;
	vm1 =	vle.f32 v5, v29;
	[tilespmem:v27+s4+$0x0] =	vst.idx.add.f32.msk $0xffff, v20  }
.Ltmp2:
0xa5: {  	vm2 =	vgt.f32 v7, v17;
	v17 =	vsel vm0, $0xFFFFFFFF, v3;
	vm0 =	vle.f32 v6, v15;
	[tilespmem:v25+s4+$0x0] =	vst.idx.add.f32.msk $0xffff, v8;
	(pc) =	sbr.rel @p1 .LBB2_2-.Ltmp2, $4  }
0xa6: {  	vm3 =	vgt.f32 v5, v18;
	v8 =	vsel vm1, $0xFFFFFFFF, v3;
	vm1 =	vgt.f32 v6, v19  }
0xa7: {  	v18 =	vsel vm2, $0x1, v3;
	v20 =	vsel vm0, $0xFFFFFFFF, v3;
	v19 =	vsel vm3, $0x1, v3  }
0xa8: {  	v17 =	vadd.s32 v17, v21;
	v8 =	vadd.s32 v8, v16;
	v15 =	vsel vm1, $0x1, v3  }
0xa9: {  	s11 =	sadd.s32 $0x40, s11;
	v18 =	vadd.s32 v18, v17;
	v16 =	vadd.s32 v20, v22;
	v17 =	vadd.s32 v19, v8  }
0xaa: {  	v8 =	vshll.u32 v18, $0x4  }
0xab: {  	v17 =	vshll.u32 v17, $0x4;
	v18 =	vor.u32 v1, v8  }
0xac: {  	v15 =	vadd.s32 v15, v16;
	v16 =	vor.u32 v1, v17;
	v18 =	vand.u32 $0xFF, v18  }
0xad: {  	vm0 =	veq.s32 v9, v10;
	v8 =	vand.u32 $0xF0, v8;
	v16 =	vand.u32 $0xFF, v16  }
0xae: {  	v15 =	vshll.u32 v15, $0x4;
	v17 =	vand.u32 $0xF0, v17;
	v8 =	vor.u32 v4, v8  }
0xaf: {  	vm9 =	veq.s32 v11, v13;
	v9 =	vor.u32 v1, v15;
	v10 =	vor.u32 v4, v17  }
0xb0: {  	v15 =	vand.u32 $0xF0, v15;
	v17 =	vsel vm0, $0x45800800, v2;
	v9 =	vand.u32 $0xFF, v9  }
0xb1: {  	v13 =	vsel vm9, $0x45800800, v2;
	v11 =	vor.u32 v4, v15;
	[tilespmem:v18+s4+$0x0] =	vst.idx.add.f32.msk $0xffff, v17  }
0xb2: {  	[tilespmem:v16+s4+$0x0] =	vst.idx.add.f32.msk $0xffff, v13  }
0xb3: {  	vm10 =	veq.s32 v12, v14;
	[tilespmem:v8+s4+$0x0] =	vst.idx.add.f32.msk $0xffff, v7  }
0xb4: {  	v7 =	vsel vm10, $0x45800800, v2;
	[tilespmem:v10+s4+$0x0] =	vst.idx.add.f32.msk $0xffff, v5  }
0xb5: {  	[tilespmem:v9+s4+$0x0] =	vst.idx.add.f32.msk $0xffff, v7  }
0xb6: {  	[tilespmem:v11+s4+$0x0] =	vst.idx.add.f32.msk $0xffff, v6  }
0xb7: {  	s8 =	rddreg [dreg:$0xb]  }
0xb8: {  	[tilespmem:s1], [sflag:$0x1] =	stream.linear.gather [hbm4b:s8+s1], $0x1F40, $0x38;
	[tilespmem:$0xBF00] =	vst v63  }
0xb9: {  	s9 =	rddreg [dreg:$0xc]  }
0xba: {  	[tilespmem:s30], [sflag:$0x1] =	stream.linear.gather [hbm4b:s9+s1], $0x1F40, $0x38;
	[tilespmem:$0xBF00] =	vst v63  }
0xbb: {  	s10 =	rddreg [dreg:$0xd]  }
0xbc: {  	[tilespmem:s31], [sflag:$0x1] =	stream.linear.gather [hbm4b:s10+s1], $0x1F40, $0x38;
	[tilespmem:$0xBF00] =	vst v63  }
0xbd: {  	_ =	swait.ge [sflag:s5], $0x1F40  }
0xbe: {  	[sflag:s5] =	ssyncset.done $0x0  }
0xbf: {  	[sflag:s5] =	ssyncadd.s32 $0xFFFFE0C0  }
0xc0: {  	_ =	swait.ge [sflag:s5], $0x1F40  }
0xc1: {  	[sflag:s5] =	ssyncset.done $0x0  }
0xc2: {  	[sflag:s5] =	ssyncadd.s32 $0xFFFFE0C0  }
0xc3: {  	_ =	swait.ge [sflag:s5], $0x1F40  }
0xc4: {  	[sflag:s5] =	ssyncset.done $0x0  }
0xc5: {  	s11 =	simm.s32 $0x5EA0;
	[sflag:s5] =	ssyncadd.s32 $0xFFFFE0C0  }
0xc6: {  	v8 =	vld [tilespmem:s11+$0x10]  }
0xc7: {  	v5 =	vld [tilespmem:s11+$0xFFFFFFF0]  }
0xc8: {  	v7 =	vld [tilespmem:s11+$0xFFFFFFE0]  }
0xc9: {  	v6 =	vld [tilespmem:s11+$0x0];
	_ =	sdelay $0x2  }
0xca: {  	v9 =	vmul.f32 $1.000000000e+01, v8  }
0xcb: {  	v10 =	vmul.f32 $1.000000000e+01, v5;
	v11 =	vmul.f32 $1.000000000e+01, v7  }
0xcc: {  	v12 =	vmul.f32 $1.000000000e+01, v6;
	v9 =	vtrunc.f32 v9  }
0xcd: {  	v10 =	vtrunc.f32 v10;
	v11 =	vtrunc.f32 v11  }
0xce: {  	v12 =	vtrunc.f32 v12;
	v9 =	vcvt.f32.s32 v9  }
0xcf: {  	v10 =	vcvt.f32.s32 v10;
	v11 =	vcvt.f32.s32 v11  }
0xd0: {  	v12 =	vcvt.f32.s32 v12;
	vm11 =	vlt.s32 v9, $0x9  }
0xd1: {  	vm1 =	vlt.s32 v10, $0x9;
	vm12 =	vgt.s32 v10, $0x8;
	vm2 =	vlt.s32 v11, $0x9  }
0xd2: {  	vm13 =	vlt.s32 v12, $0x9;
	vm14 =	vgt.s32 v11, $0x8;
	vm15 =	vgt.s32 v9, $0x8  }
0xd3: {  	vm3 =	veq.s32 v9, $0x8;
	vm5 =	vgt.s32 v12, $0x8;
	v13 =	vnsel vm11, $0x9, v9  }
0xd4: {  	vm6 =	veq.s32 v11, $0x8;
	v19 =	vnsel vm13, $0x9, v12;
	v14 =	vcvt.s32.f32 v13  }
0xd5: {  	vm7 =	veq.s32 v10, $0x8;
	v16 =	vnsel vm2, $0x9, v11;
	v21 =	vcvt.s32.f32 v19  }
0xd6: {  	v15 =	vnsel vm1, $0x9, v10;
	v18 =	vcvt.s32.f32 v16;
	v17 =	vadd.f32 $1.000000000e+00, v14  }
0xd7: {  	v20 =	vcvt.s32.f32 v15;
	v14 =	vmul.f32 $1.000000010e-01, v14;
	v22 =	vadd.f32 $1.000000000e+00, v21  }
0xd8: {  	vm8 =	veq.s32 v12, $0x8;
	v21 =	vmul.f32 $1.000000010e-01, v21;
	v17 =	vmul.f32 $1.000000010e-01, v17  }
0xd9: {  	v9 =	vsel vm15, $0x3F666666, v14;
	v14 =	vadd.f32 $1.000000000e+00, v18;
	v22 =	vmul.f32 $1.000000010e-01, v22  }
0xda: {  	v21 =	vsel vm5, $0x3F666666, v21;
	vm2 =	vle.f32 v8, v9;
	v17 =	vsel vm3, $0x3F666666, v17  }
0xdb: {  	v9 =	vadd.f32 $1.000000000e+00, v20;
	vm3 =	vgt.f32 v8, v17;
	v17 =	vsel vm2, $0xFFFFFFFF, v3  }
0xdc: {  	s9 =	simm.s32 $0x9DA0;
	vm13 =	vle.f32 v6, v21;
	v23 =	vsel vm3, $0x1, v3;
	v13 =	vadd.s32 v17, v13  }
0xdd: {  	s8 =	simm.s32 $0x7E20;
	v63 =	vld [tilespmem:s9+$0x10];
	v14 =	vmul.f32 $1.000000010e-01, v14;
	v22 =	vsel vm8, $0x3F666666, v22;
	v13 =	vadd.s32 v23, v13  }
0xde: {  	v17 =	vmul.f32 $1.000000010e-01, v18;
	v18 =	vmul.f32 $1.000000010e-01, v20;
	v20 =	vld [tilespmem:s8+$0x10];
	v13 =	vshll.u32 v13, $0x4  }
0xdf: {  	v21 =	vsel vm13, $0xFFFFFFFF, v3;
	v24 =	vmul.f32 $1.000000010e-01, v9;
	v9 =	vor.u32 v1, v13  }
0xe0: {  	v10 =	vld [tilespmem:s9+$0xFFFFFFE0];
	vm15 =	vgt.f32 v6, v22;
	v13 =	vand.u32 $0xF0, v13;
	v25 =	vand.u32 $0xFF, v9  }
0xe1: {  	v11 =	vld [tilespmem:s8+$0xFFFFFFF0];
	v14 =	vsel vm6, $0x3F666666, v14;
	v17 =	vsel vm14, $0x3F666666, v17;
	v26 =	vor.u32 v4, v13  }
0xe2: {  	v12 =	vld [tilespmem:s8+$0x0];
	v18 =	vsel vm12, $0x3F666666, v18;
	vm12 =	vgt.f32 v7, v14;
	vm10 =	vle.f32 v7, v17  }
0xe3: {  	vm11 =	vle.f32 v5, v18;
	v9 =	vld [tilespmem:s8+$0xFFFFFFE0];
	vm9 =	veq.s32 v20, v63;
	v20 =	vsel vm7, $0x3F666666, v24  }
0xe4: {  	v18 =	vsel vm12, $0x1, v3;
	v13 =	vld [tilespmem:s9+$0xFFFFFFF0];
	v23 =	vsel vm9, $0x45800800, v2;
	vm14 =	vgt.f32 v5, v20  }
0xe5: {  	v14 =	vsel vm10, $0xFFFFFFFF, v3;
	v17 =	vsel vm11, $0xFFFFFFFF, v3;
	v20 =	vsel vm14, $0x1, v3;
	[tilespmem:v25+s4+$0x0] =	vst.idx.add.f32.msk $0xffff, v23  }
0xe6: {  	[tilespmem:v26+s4+$0x0] =	vst.idx.add.f32.msk $0xffff, v8;
	v8 =	vadd.s32 v14, v16;
	v16 =	vadd.s32 v17, v15;
	v15 =	vsel vm15, $0x1, v3  }
0xe7: {  	s10 =	simm.s32 $0x0;
	s11 =	simm.s32 $0x5EE0;
	v14 =	vld [tilespmem:s9+$0x0];
	v18 =	vadd.s32 v18, v8;
	v17 =	vadd.s32 v20, v16;
	v16 =	vadd.s32 v21, v19  }
.LBB2_4:
0xe8: {  	v8 =	vld [tilespmem:s11+$0x10];
	v18 =	vshll.u32 v18, $0x4;
	v17 =	vshll.u32 v17, $0x4;
	v15 =	vadd.s32 v15, v16  }
0xe9: {  	s10 =	sadd.s32 $0x4, s10;
	v16 =	vld [tilespmem:s11+$0xFFFFFFF0];
	v19 =	vand.u32 $0xF0, v18;
	v18 =	vor.u32 v1, v18;
	v15 =	vshll.u32 v15, $0x4  }
0xea: {  	p1 =	slt.u32 s10, $0x1F0;
	v21 =	vand.u32 $0xF0, v17;
	v17 =	vor.u32 v1, v17;
	v20 =	vld [tilespmem:s11+$0x0];
	v22 =	vand.u32 $0xF0, v15  }
0xeb: {  	vm0 =	veq.s32 v9, v10;
	vm1 =	veq.s32 v11, v13;
	v9 =	vor.u32 v1, v15;
	v23 =	vld [tilespmem:s11+$0xFFFFFFE0]  }
0xec: {  	vm2 =	veq.s32 v12, v14;
	v10 =	vand.u32 $0xFF, v18;
	v11 =	vor.u32 v4, v19  }
0xed: {  	v13 =	vand.u32 $0xFF, v17;
	v14 =	vor.u32 v4, v21;
	v12 =	vmul.f32 $1.000000000e+01, v8  }
0xee: {  	v9 =	vand.u32 $0xFF, v9;
	v17 =	vor.u32 v4, v22;
	v15 =	vmul.f32 $1.000000000e+01, v16  }
0xef: {  	v19 =	vsel vm0, $0x45800800, v2;
	v18 =	vmul.f32 $1.000000000e+01, v20;
	v12 =	vtrunc.f32 v12  }
0xf0: {  	v22 =	vsel vm1, $0x45800800, v2;
	v21 =	vmul.f32 $1.000000000e+01, v23;
	v12 =	vcvt.f32.s32 v12  }
0xf1: {  	v15 =	vtrunc.f32 v15;
	v18 =	vtrunc.f32 v18;
	[tilespmem:v10+s4+$0x0] =	vst.idx.add.f32.msk $0xffff, v19;
	v10 =	vsel vm2, $0x45800800, v2  }
0xf2: {  	v15 =	vcvt.f32.s32 v15;
	v19 =	vtrunc.f32 v21;
	vm0 =	vlt.s32 v12, $0x9;
	[tilespmem:v11+s4+$0x0] =	vst.idx.add.f32.msk $0xffff, v7;
	v7 =	vmovc v23  }
0xf3: {  	v18 =	vcvt.f32.s32 v18;
	v19 =	vcvt.f32.s32 v19;
	v11 =	vnsel vm0, $0x9, v12;
	[tilespmem:v13+s4+$0x0] =	vst.idx.add.f32.msk $0xffff, v22  }
0xf4: {  	vm1 =	vlt.s32 v15, $0x9;
	vm0 =	vgt.s32 v15, $0x8;
	v13 =	vcvt.s32.f32 v11;
	[tilespmem:v14+s4+$0x0] =	vst.idx.add.f32.msk $0xffff, v5;
	v5 =	vmovc v16  }
0xf5: {  	v16 =	vnsel vm1, $0x9, v15;
	vm1 =	vlt.s32 v18, $0x9;
	vm2 =	vlt.s32 v19, $0x9;
	[tilespmem:v9+s4+$0x0] =	vst.idx.add.f32.msk $0xffff, v10  }
0xf6: {  	v22 =	vnsel vm1, $0x9, v18;
	v21 =	vnsel vm2, $0x9, v19;
	v9 =	vadd.f32 $1.000000000e+00, v13;
	[tilespmem:v17+s4+$0x0] =	vst.idx.add.f32.msk $0xffff, v6;
	v6 =	vmovc v20  }
0xf7: {  	vm1 =	vgt.s32 v19, $0x8;
	v13 =	vmul.f32 $1.000000010e-01, v13;
	v10 =	vcvt.s32.f32 v21  }
0xf8: {  	v14 =	vcvt.s32.f32 v16;
	vm2 =	vgt.s32 v12, $0x8;
	v9 =	vmul.f32 $1.000000010e-01, v9  }
0xf9: {  	v17 =	vcvt.s32.f32 v22;
	v13 =	vsel vm2, $0x3F666666, v13;
	vm2 =	veq.s32 v12, $0x8  }
0xfa: {  	v12 =	vadd.f32 $1.000000000e+00, v10;
	v9 =	vsel vm2, $0x3F666666, v9;
	vm2 =	vle.f32 v8, v13  }
0xfb: {  	v13 =	vadd.f32 $1.000000000e+00, v14;
	vm3 =	vgt.f32 v8, v9;
	v9 =	vsel vm2, $0xFFFFFFFF, v3  }
0xfc: {  	s8 =	sadd.s32 $0x40, s8;
	v20 =	vadd.f32 $1.000000000e+00, v17;
	v23 =	vsel vm3, $0x1, v3;
	v9 =	vadd.s32 v9, v11  }
0xfd: {  	s9 =	sadd.s32 $0x40, s9;
	v14 =	vmul.f32 $1.000000010e-01, v14;
	v11 =	vmul.f32 $1.000000010e-01, v10;
	v24 =	vld [tilespmem:s8+$0x10];
	v9 =	vadd.s32 v23, v9  }
0xfe: {  	v17 =	vmul.f32 $1.000000010e-01, v17;
	v12 =	vmul.f32 $1.000000010e-01, v12;
	v23 =	vld [tilespmem:s9+$0x10];
	v25 =	vshll.u32 v9, $0x4  }
0xff: {  	v20 =	vmul.f32 $1.000000010e-01, v20;
	v26 =	vmul.f32 $1.000000010e-01, v13;
	v9 =	vld [tilespmem:s8+$0xFFFFFFE0];
	v13 =	vor.u32 v1, v25  }
0x100: {  	vm2 =	vgt.s32 v18, $0x8;
	v25 =	vand.u32 $0xF0, v25;
	v10 =	vld [tilespmem:s9+$0xFFFFFFE0];
	v27 =	vand.u32 $0xFF, v13  }
0x101: {  	v29 =	vsel vm0, $0x3F666666, v14;
	v28 =	vsel vm1, $0x3F666666, v11;
	v25 =	vor.u32 v4, v25;
	v11 =	vld [tilespmem:s8+$0xFFFFFFF0]  }
0x102: {  	vm0 =	veq.s32 v19, $0x8;
	vm1 =	veq.s32 v15, $0x8;
	v15 =	vsel vm2, $0x3F666666, v17;
	v13 =	vld [tilespmem:s9+$0xFFFFFFF0]  }
0x103: {  	v17 =	vsel vm0, $0x3F666666, v12;
	vm0 =	veq.s32 v18, $0x8;
	v12 =	vld [tilespmem:s8+$0x0];
	vm2 =	veq.s32 v24, v23  }
0x104: {  	v18 =	vsel vm1, $0x3F666666, v26;
	v19 =	vsel vm0, $0x3F666666, v20;
	v14 =	vld [tilespmem:s9+$0x0];
	v20 =	vsel vm2, $0x45800800, v2  }
0x105: {  	vm0 =	vle.f32 v7, v28;
	vm1 =	vle.f32 v5, v29;
	[tilespmem:v27+s4+$0x0] =	vst.idx.add.f32.msk $0xffff, v20  }
.Ltmp3:
0x106: {  	vm2 =	vgt.f32 v7, v17;
	v17 =	vsel vm0, $0xFFFFFFFF, v3;
	vm0 =	vle.f32 v6, v15;
	[tilespmem:v25+s4+$0x0] =	vst.idx.add.f32.msk $0xffff, v8;
	(pc) =	sbr.rel @p1 .LBB2_4-.Ltmp3, $4  }
0x107: {  	vm3 =	vgt.f32 v5, v18;
	v8 =	vsel vm1, $0xFFFFFFFF, v3;
	vm1 =	vgt.f32 v6, v19  }
0x108: {  	v18 =	vsel vm2, $0x1, v3;
	v20 =	vsel vm0, $0xFFFFFFFF, v3;
	v19 =	vsel vm3, $0x1, v3  }
0x109: {  	v17 =	vadd.s32 v17, v21;
	v8 =	vadd.s32 v8, v16;
	v15 =	vsel vm1, $0x1, v3  }
0x10a: {  	s11 =	sadd.s32 $0x40, s11;
	v18 =	vadd.s32 v18, v17;
	v16 =	vadd.s32 v20, v22;
	v17 =	vadd.s32 v19, v8  }
0x10b: {  	v8 =	vshll.u32 v18, $0x4  }
0x10c: {  	v17 =	vshll.u32 v17, $0x4;
	v18 =	vor.u32 v1, v8  }
0x10d: {  	v15 =	vadd.s32 v15, v16;
	v16 =	vor.u32 v1, v17;
	v18 =	vand.u32 $0xFF, v18  }
0x10e: {  	vm0 =	veq.s32 v9, v10;
	v8 =	vand.u32 $0xF0, v8;
	v16 =	vand.u32 $0xFF, v16  }
0x10f: {  	v15 =	vshll.u32 v15, $0x4;
	v17 =	vand.u32 $0xF0, v17;
	v8 =	vor.u32 v4, v8  }
0x110: {  	vm9 =	veq.s32 v11, v13;
	v9 =	vor.u32 v1, v15;
	v10 =	vor.u32 v4, v17  }
0x111: {  	v15 =	vand.u32 $0xF0, v15;
	v17 =	vsel vm0, $0x45800800, v2;
	v9 =	vand.u32 $0xFF, v9  }
0x112: {  	v13 =	vsel vm9, $0x45800800, v2;
	v11 =	vor.u32 v4, v15;
	[tilespmem:v18+s4+$0x0] =	vst.idx.add.f32.msk $0xffff, v17  }
0x113: {  	[tilespmem:v16+s4+$0x0] =	vst.idx.add.f32.msk $0xffff, v13  }
0x114: {  	vm10 =	veq.s32 v12, v14;
	[tilespmem:v8+s4+$0x0] =	vst.idx.add.f32.msk $0xffff, v7  }
0x115: {  	v7 =	vsel vm10, $0x45800800, v2;
	[tilespmem:v10+s4+$0x0] =	vst.idx.add.f32.msk $0xffff, v5  }
0x116: {  	[tilespmem:v9+s4+$0x0] =	vst.idx.add.f32.msk $0xffff, v7  }
0x117: {  	[tilespmem:v11+s4+$0x0] =	vst.idx.add.f32.msk $0xffff, v6  }
0x118: {  	s8 =	rddreg [dreg:$0xe]  }
0x119: {  	[tilespmem:s23], [sflag:$0x2] =	stream.linear.gather [hbm4b:s8+s1], $0x1F40, $0x38;
	[tilespmem:$0xBF00] =	vst v63  }
0x11a: {  	_ = 	snop  }
0x11b: {  	[tilespmem:s0], [sflag:$0x2] =	stream.linear.gather [hbm4b:s12+s1], $0x1F40, $0x38;
	[tilespmem:$0xBF00] =	vst v63  }
0x11c: {  	_ = 	snop  }
0x11d: {  	[tilespmem:s2], [sflag:$0x2] =	stream.linear.gather [hbm4b:s13+s1], $0x1F40, $0x38;
	[tilespmem:$0xBF00] =	vst v63  }
0x11e: {  	_ =	swait.ge [sflag:s3], $0x1F40  }
0x11f: {  	[sflag:s3] =	ssyncset.done $0x0  }
0x120: {  	[sflag:s3] =	ssyncadd.s32 $0xFFFFE0C0  }
0x121: {  	_ =	swait.ge [sflag:s3], $0x1F40  }
0x122: {  	[sflag:s3] =	ssyncset.done $0x0  }
0x123: {  	[sflag:s3] =	ssyncadd.s32 $0xFFFFE0C0  }
0x124: {  	_ =	swait.ge [sflag:s3], $0x1F40  }
0x125: {  	[sflag:s3] =	ssyncset.done $0x0  }
0x126: {  	s11 =	simm.s32 $0x20;
	[sflag:s3] =	ssyncadd.s32 $0xFFFFE0C0  }
0x127: {  	v8 =	vld [tilespmem:s11+$0x10]  }
0x128: {  	v5 =	vld [tilespmem:s11+$0xFFFFFFF0]  }
0x129: {  	v7 =	vld [tilespmem:s11+$0xFFFFFFE0]  }
0x12a: {  	v6 =	vld [tilespmem:s11+$0x0];
	_ =	sdelay $0x2  }
0x12b: {  	v9 =	vmul.f32 $1.000000000e+01, v8  }
0x12c: {  	v10 =	vmul.f32 $1.000000000e+01, v5;
	v11 =	vmul.f32 $1.000000000e+01, v7  }
0x12d: {  	v12 =	vmul.f32 $1.000000000e+01, v6;
	v9 =	vtrunc.f32 v9  }
0x12e: {  	v10 =	vtrunc.f32 v10;
	v11 =	vtrunc.f32 v11  }
0x12f: {  	v12 =	vtrunc.f32 v12;
	v9 =	vcvt.f32.s32 v9  }
0x130: {  	v10 =	vcvt.f32.s32 v10;
	v11 =	vcvt.f32.s32 v11  }
0x131: {  	v12 =	vcvt.f32.s32 v12;
	vm11 =	vlt.s32 v9, $0x9  }
0x132: {  	vm1 =	vlt.s32 v10, $0x9;
	vm12 =	vgt.s32 v10, $0x8;
	vm2 =	vlt.s32 v11, $0x9  }
0x133: {  	vm13 =	vlt.s32 v12, $0x9;
	vm14 =	vgt.s32 v11, $0x8;
	vm15 =	vgt.s32 v9, $0x8  }
0x134: {  	vm3 =	veq.s32 v9, $0x8;
	vm5 =	vgt.s32 v12, $0x8;
	v13 =	vnsel vm11, $0x9, v9  }
0x135: {  	vm6 =	veq.s32 v11, $0x8;
	v19 =	vnsel vm13, $0x9, v12;
	v14 =	vcvt.s32.f32 v13  }
0x136: {  	vm7 =	veq.s32 v10, $0x8;
	v16 =	vnsel vm2, $0x9, v11;
	v21 =	vcvt.s32.f32 v19  }
0x137: {  	v15 =	vnsel vm1, $0x9, v10;
	v18 =	vcvt.s32.f32 v16;
	v17 =	vadd.f32 $1.000000000e+00, v14  }
0x138: {  	v20 =	vcvt.s32.f32 v15;
	v14 =	vmul.f32 $1.000000010e-01, v14;
	v22 =	vadd.f32 $1.000000000e+00, v21  }
0x139: {  	vm8 =	veq.s32 v12, $0x8;
	v21 =	vmul.f32 $1.000000010e-01, v21;
	v17 =	vmul.f32 $1.000000010e-01, v17  }
0x13a: {  	v9 =	vsel vm15, $0x3F666666, v14;
	v14 =	vadd.f32 $1.000000000e+00, v18;
	v22 =	vmul.f32 $1.000000010e-01, v22  }
0x13b: {  	v21 =	vsel vm5, $0x3F666666, v21;
	vm2 =	vle.f32 v8, v9;
	v17 =	vsel vm3, $0x3F666666, v17  }
0x13c: {  	v9 =	vadd.f32 $1.000000000e+00, v20;
	vm3 =	vgt.f32 v8, v17;
	v17 =	vsel vm2, $0xFFFFFFFF, v3  }
0x13d: {  	s9 =	simm.s32 $0x3F20;
	vm13 =	vle.f32 v6, v21;
	v23 =	vsel vm3, $0x1, v3;
	v13 =	vadd.s32 v17, v13  }
0x13e: {  	s8 =	simm.s32 $0x1FA0;
	v63 =	vld [tilespmem:s9+$0x10];
	v14 =	vmul.f32 $1.000000010e-01, v14;
	v22 =	vsel vm8, $0x3F666666, v22;
	v13 =	vadd.s32 v23, v13  }
0x13f: {  	v17 =	vmul.f32 $1.000000010e-01, v18;
	v18 =	vmul.f32 $1.000000010e-01, v20;
	v20 =	vld [tilespmem:s8+$0x10];
	v13 =	vshll.u32 v13, $0x4  }
0x140: {  	v21 =	vsel vm13, $0xFFFFFFFF, v3;
	v24 =	vmul.f32 $1.000000010e-01, v9;
	v9 =	vor.u32 v1, v13  }
0x141: {  	v10 =	vld [tilespmem:s9+$0xFFFFFFE0];
	vm15 =	vgt.f32 v6, v22;
	v13 =	vand.u32 $0xF0, v13;
	v25 =	vand.u32 $0xFF, v9  }
0x142: {  	v11 =	vld [tilespmem:s8+$0xFFFFFFF0];
	v14 =	vsel vm6, $0x3F666666, v14;
	v17 =	vsel vm14, $0x3F666666, v17;
	v26 =	vor.u32 v4, v13  }
0x143: {  	v12 =	vld [tilespmem:s8+$0x0];
	v18 =	vsel vm12, $0x3F666666, v18;
	vm12 =	vgt.f32 v7, v14;
	vm10 =	vle.f32 v7, v17  }
0x144: {  	vm11 =	vle.f32 v5, v18;
	v9 =	vld [tilespmem:s8+$0xFFFFFFE0];
	vm9 =	veq.s32 v20, v63;
	v20 =	vsel vm7, $0x3F666666, v24  }
0x145: {  	v18 =	vsel vm12, $0x1, v3;
	v13 =	vld [tilespmem:s9+$0xFFFFFFF0];
	v23 =	vsel vm9, $0x45800800, v2;
	vm14 =	vgt.f32 v5, v20  }
0x146: {  	v14 =	vsel vm10, $0xFFFFFFFF, v3;
	v17 =	vsel vm11, $0xFFFFFFFF, v3;
	v20 =	vsel vm14, $0x1, v3;
	[tilespmem:v25+s4+$0x0] =	vst.idx.add.f32.msk $0xffff, v23  }
0x147: {  	[tilespmem:v26+s4+$0x0] =	vst.idx.add.f32.msk $0xffff, v8;
	v8 =	vadd.s32 v14, v16;
	v16 =	vadd.s32 v17, v15;
	v15 =	vsel vm15, $0x1, v3  }
0x148: {  	s10 =	simm.s32 $0x0;
	s11 =	simm.s32 $0x60;
	v14 =	vld [tilespmem:s9+$0x0];
	v18 =	vadd.s32 v18, v8;
	v17 =	vadd.s32 v20, v16;
	v16 =	vadd.s32 v21, v19  }
.LBB2_6:
0x149: {  	v8 =	vld [tilespmem:s11+$0x10];
	v18 =	vshll.u32 v18, $0x4;
	v17 =	vshll.u32 v17, $0x4;
	v15 =	vadd.s32 v15, v16  }
0x14a: {  	s10 =	sadd.s32 $0x4, s10;
	v16 =	vld [tilespmem:s11+$0xFFFFFFF0];
	v19 =	vand.u32 $0xF0, v18;
	v18 =	vor.u32 v1, v18;
	v15 =	vshll.u32 v15, $0x4  }
0x14b: {  	p1 =	slt.u32 s10, $0x1F0;
	v21 =	vand.u32 $0xF0, v17;
	v17 =	vor.u32 v1, v17;
	v20 =	vld [tilespmem:s11+$0x0];
	v22 =	vand.u32 $0xF0, v15  }
0x14c: {  	vm0 =	veq.s32 v9, v10;
	vm1 =	veq.s32 v11, v13;
	v9 =	vor.u32 v1, v15;
	v23 =	vld [tilespmem:s11+$0xFFFFFFE0]  }
0x14d: {  	vm2 =	veq.s32 v12, v14;
	v10 =	vand.u32 $0xFF, v18;
	v11 =	vor.u32 v4, v19  }
0x14e: {  	v13 =	vand.u32 $0xFF, v17;
	v14 =	vor.u32 v4, v21;
	v12 =	vmul.f32 $1.000000000e+01, v8  }
0x14f: {  	v9 =	vand.u32 $0xFF, v9;
	v17 =	vor.u32 v4, v22;
	v15 =	vmul.f32 $1.000000000e+01, v16  }
0x150: {  	v19 =	vsel vm0, $0x45800800, v2;
	v18 =	vmul.f32 $1.000000000e+01, v20;
	v12 =	vtrunc.f32 v12  }
0x151: {  	v22 =	vsel vm1, $0x45800800, v2;
	v21 =	vmul.f32 $1.000000000e+01, v23;
	v12 =	vcvt.f32.s32 v12  }
0x152: {  	v15 =	vtrunc.f32 v15;
	v18 =	vtrunc.f32 v18;
	[tilespmem:v10+s4+$0x0] =	vst.idx.add.f32.msk $0xffff, v19;
	v10 =	vsel vm2, $0x45800800, v2  }
0x153: {  	v15 =	vcvt.f32.s32 v15;
	v19 =	vtrunc.f32 v21;
	vm0 =	vlt.s32 v12, $0x9;
	[tilespmem:v11+s4+$0x0] =	vst.idx.add.f32.msk $0xffff, v7;
	v7 =	vmovc v23  }
0x154: {  	v18 =	vcvt.f32.s32 v18;
	v19 =	vcvt.f32.s32 v19;
	v11 =	vnsel vm0, $0x9, v12;
	[tilespmem:v13+s4+$0x0] =	vst.idx.add.f32.msk $0xffff, v22  }
0x155: {  	vm1 =	vlt.s32 v15, $0x9;
	vm0 =	vgt.s32 v15, $0x8;
	v13 =	vcvt.s32.f32 v11;
	[tilespmem:v14+s4+$0x0] =	vst.idx.add.f32.msk $0xffff, v5;
	v5 =	vmovc v16  }
0x156: {  	v16 =	vnsel vm1, $0x9, v15;
	vm1 =	vlt.s32 v18, $0x9;
	vm2 =	vlt.s32 v19, $0x9;
	[tilespmem:v9+s4+$0x0] =	vst.idx.add.f32.msk $0xffff, v10  }
0x157: {  	v22 =	vnsel vm1, $0x9, v18;
	v21 =	vnsel vm2, $0x9, v19;
	v9 =	vadd.f32 $1.000000000e+00, v13;
	[tilespmem:v17+s4+$0x0] =	vst.idx.add.f32.msk $0xffff, v6;
	v6 =	vmovc v20  }
0x158: {  	vm1 =	vgt.s32 v19, $0x8;
	v13 =	vmul.f32 $1.000000010e-01, v13;
	v10 =	vcvt.s32.f32 v21  }
0x159: {  	v14 =	vcvt.s32.f32 v16;
	vm2 =	vgt.s32 v12, $0x8;
	v9 =	vmul.f32 $1.000000010e-01, v9  }
0x15a: {  	v17 =	vcvt.s32.f32 v22;
	v13 =	vsel vm2, $0x3F666666, v13;
	vm2 =	veq.s32 v12, $0x8  }
0x15b: {  	v12 =	vadd.f32 $1.000000000e+00, v10;
	v9 =	vsel vm2, $0x3F666666, v9;
	vm2 =	vle.f32 v8, v13  }
0x15c: {  	v13 =	vadd.f32 $1.000000000e+00, v14;
	vm3 =	vgt.f32 v8, v9;
	v9 =	vsel vm2, $0xFFFFFFFF, v3  }
0x15d: {  	s8 =	sadd.s32 $0x40, s8;
	v20 =	vadd.f32 $1.000000000e+00, v17;
	v23 =	vsel vm3, $0x1, v3;
	v9 =	vadd.s32 v9, v11  }
0x15e: {  	s9 =	sadd.s32 $0x40, s9;
	v14 =	vmul.f32 $1.000000010e-01, v14;
	v11 =	vmul.f32 $1.000000010e-01, v10;
	v24 =	vld [tilespmem:s8+$0x10];
	v9 =	vadd.s32 v23, v9  }
0x15f: {  	v17 =	vmul.f32 $1.000000010e-01, v17;
	v12 =	vmul.f32 $1.000000010e-01, v12;
	v23 =	vld [tilespmem:s9+$0x10];
	v25 =	vshll.u32 v9, $0x4  }
0x160: {  	v20 =	vmul.f32 $1.000000010e-01, v20;
	v26 =	vmul.f32 $1.000000010e-01, v13;
	v9 =	vld [tilespmem:s8+$0xFFFFFFE0];
	v13 =	vor.u32 v1, v25  }
0x161: {  	vm2 =	vgt.s32 v18, $0x8;
	v25 =	vand.u32 $0xF0, v25;
	v10 =	vld [tilespmem:s9+$0xFFFFFFE0];
	v27 =	vand.u32 $0xFF, v13  }
0x162: {  	v29 =	vsel vm0, $0x3F666666, v14;
	v28 =	vsel vm1, $0x3F666666, v11;
	v25 =	vor.u32 v4, v25;
	v11 =	vld [tilespmem:s8+$0xFFFFFFF0]  }
0x163: {  	vm0 =	veq.s32 v19, $0x8;
	vm1 =	veq.s32 v15, $0x8;
	v15 =	vsel vm2, $0x3F666666, v17;
	v13 =	vld [tilespmem:s9+$0xFFFFFFF0]  }
0x164: {  	v17 =	vsel vm0, $0x3F666666, v12;
	vm0 =	veq.s32 v18, $0x8;
	v12 =	vld [tilespmem:s8+$0x0];
	vm2 =	veq.s32 v24, v23  }
0x165: {  	v18 =	vsel vm1, $0x3F666666, v26;
	v19 =	vsel vm0, $0x3F666666, v20;
	v14 =	vld [tilespmem:s9+$0x0];
	v20 =	vsel vm2, $0x45800800, v2  }
0x166: {  	vm0 =	vle.f32 v7, v28;
	vm1 =	vle.f32 v5, v29;
	[tilespmem:v27+s4+$0x0] =	vst.idx.add.f32.msk $0xffff, v20  }
.Ltmp4:
0x167: {  	vm2 =	vgt.f32 v7, v17;
	v17 =	vsel vm0, $0xFFFFFFFF, v3;
	vm0 =	vle.f32 v6, v15;
	[tilespmem:v25+s4+$0x0] =	vst.idx.add.f32.msk $0xffff, v8;
	(pc) =	sbr.rel @p1 .LBB2_6-.Ltmp4, $4  }
0x168: {  	vm3 =	vgt.f32 v5, v18;
	v8 =	vsel vm1, $0xFFFFFFFF, v3;
	vm1 =	vgt.f32 v6, v19  }
0x169: {  	v18 =	vsel vm2, $0x1, v3;
	v20 =	vsel vm0, $0xFFFFFFFF, v3;
	v19 =	vsel vm3, $0x1, v3  }
0x16a: {  	v17 =	vadd.s32 v17, v21;
	v8 =	vadd.s32 v8, v16;
	v15 =	vsel vm1, $0x1, v3  }
0x16b: {  	s11 =	sadd.s32 $0x40, s11;
	v18 =	vadd.s32 v18, v17;
	v16 =	vadd.s32 v20, v22;
	v17 =	vadd.s32 v19, v8  }
0x16c: {  	v8 =	vshll.u32 v18, $0x4  }
0x16d: {  	v17 =	vshll.u32 v17, $0x4;
	v18 =	vor.u32 v1, v8  }
0x16e: {  	v15 =	vadd.s32 v15, v16;
	v16 =	vor.u32 v1, v17;
	v18 =	vand.u32 $0xFF, v18  }
0x16f: {  	vm0 =	veq.s32 v9, v10;
	v8 =	vand.u32 $0xF0, v8;
	v16 =	vand.u32 $0xFF, v16  }
0x170: {  	v15 =	vshll.u32 v15, $0x4;
	v17 =	vand.u32 $0xF0, v17;
	v8 =	vor.u32 v4, v8  }
0x171: {  	vm9 =	veq.s32 v11, v13;
	v9 =	vor.u32 v1, v15;
	v10 =	vor.u32 v4, v17  }
0x172: {  	v15 =	vand.u32 $0xF0, v15;
	v17 =	vsel vm0, $0x45800800, v2;
	v9 =	vand.u32 $0xFF, v9  }
0x173: {  	v13 =	vsel vm9, $0x45800800, v2;
	v11 =	vor.u32 v4, v15;
	[tilespmem:v18+s4+$0x0] =	vst.idx.add.f32.msk $0xffff, v17  }
0x174: {  	[tilespmem:v16+s4+$0x0] =	vst.idx.add.f32.msk $0xffff, v13  }
0x175: {  	vm10 =	veq.s32 v12, v14;
	[tilespmem:v8+s4+$0x0] =	vst.idx.add.f32.msk $0xffff, v7  }
0x176: {  	v7 =	vsel vm10, $0x45800800, v2;
	[tilespmem:v10+s4+$0x0] =	vst.idx.add.f32.msk $0xffff, v5  }
0x177: {  	[tilespmem:v9+s4+$0x0] =	vst.idx.add.f32.msk $0xffff, v7  }
0x178: {  	[tilespmem:v11+s4+$0x0] =	vst.idx.add.f32.msk $0xffff, v6  }
0x179: {  	[tilespmem:s1], [sflag:$0x1] =	stream.linear.gather [hbm4b:s14+s1], $0x1F40, $0x38;
	[tilespmem:$0xBF00] =	vst v63  }
0x17a: {  	_ = 	snop  }
0x17b: {  	[tilespmem:s30], [sflag:$0x1] =	stream.linear.gather [hbm4b:s15+s1], $0x1F40, $0x38;
	[tilespmem:$0xBF00] =	vst v63  }
0x17c: {  	_ = 	snop  }
0x17d: {  	[tilespmem:s31], [sflag:$0x1] =	stream.linear.gather [hbm4b:s16+s1], $0x1F40, $0x38;
	[tilespmem:$0xBF00] =	vst v63  }
0x17e: {  	_ =	swait.ge [sflag:s5], $0x1F40  }
0x17f: {  	[sflag:s5] =	ssyncset.done $0x0  }
0x180: {  	[sflag:s5] =	ssyncadd.s32 $0xFFFFE0C0  }
0x181: {  	_ =	swait.ge [sflag:s5], $0x1F40  }
0x182: {  	[sflag:s5] =	ssyncset.done $0x0  }
0x183: {  	[sflag:s5] =	ssyncadd.s32 $0xFFFFE0C0  }
0x184: {  	_ =	swait.ge [sflag:s5], $0x1F40  }
0x185: {  	[sflag:s5] =	ssyncset.done $0x0  }
0x186: {  	s8 =	simm.s32 $0x5EA0;
	[sflag:s5] =	ssyncadd.s32 $0xFFFFE0C0  }
0x187: {  	v8 =	vld [tilespmem:s8+$0x10]  }
0x188: {  	v5 =	vld [tilespmem:s8+$0xFFFFFFF0]  }
0x189: {  	v7 =	vld [tilespmem:s8+$0xFFFFFFE0]  }
0x18a: {  	v6 =	vld [tilespmem:s8+$0x0];
	_ =	sdelay $0x2  }
0x18b: {  	v9 =	vmul.f32 $1.000000000e+01, v8  }
0x18c: {  	v10 =	vmul.f32 $1.000000000e+01, v5;
	v11 =	vmul.f32 $1.000000000e+01, v7  }
0x18d: {  	v12 =	vmul.f32 $1.000000000e+01, v6;
	v9 =	vtrunc.f32 v9  }
0x18e: {  	v10 =	vtrunc.f32 v10;
	v11 =	vtrunc.f32 v11  }
0x18f: {  	v12 =	vtrunc.f32 v12;
	v9 =	vcvt.f32.s32 v9  }
0x190: {  	v10 =	vcvt.f32.s32 v10;
	v11 =	vcvt.f32.s32 v11  }
0x191: {  	v12 =	vcvt.f32.s32 v12;
	vm11 =	vlt.s32 v9, $0x9  }
0x192: {  	vm1 =	vlt.s32 v10, $0x9;
	vm12 =	vgt.s32 v10, $0x8;
	vm2 =	vlt.s32 v11, $0x9  }
0x193: {  	vm13 =	vlt.s32 v12, $0x9;
	vm14 =	vgt.s32 v11, $0x8;
	vm15 =	vgt.s32 v9, $0x8  }
0x194: {  	vm3 =	veq.s32 v9, $0x8;
	vm5 =	vgt.s32 v12, $0x8;
	v13 =	vnsel vm11, $0x9, v9  }
0x195: {  	vm6 =	veq.s32 v11, $0x8;
	v19 =	vnsel vm13, $0x9, v12;
	v14 =	vcvt.s32.f32 v13  }
0x196: {  	vm7 =	veq.s32 v10, $0x8;
	v16 =	vnsel vm2, $0x9, v11;
	v21 =	vcvt.s32.f32 v19  }
0x197: {  	v15 =	vnsel vm1, $0x9, v10;
	v18 =	vcvt.s32.f32 v16;
	v17 =	vadd.f32 $1.000000000e+00, v14  }
0x198: {  	v20 =	vcvt.s32.f32 v15;
	v14 =	vmul.f32 $1.000000010e-01, v14;
	v22 =	vadd.f32 $1.000000000e+00, v21  }
0x199: {  	vm8 =	veq.s32 v12, $0x8;
	v21 =	vmul.f32 $1.000000010e-01, v21;
	v17 =	vmul.f32 $1.000000010e-01, v17  }
0x19a: {  	v9 =	vsel vm15, $0x3F666666, v14;
	v14 =	vadd.f32 $1.000000000e+00, v18;
	v22 =	vmul.f32 $1.000000010e-01, v22  }
0x19b: {  	v21 =	vsel vm5, $0x3F666666, v21;
	vm2 =	vle.f32 v8, v9;
	v17 =	vsel vm3, $0x3F666666, v17  }
0x19c: {  	v9 =	vadd.f32 $1.000000000e+00, v20;
	vm3 =	vgt.f32 v8, v17;
	v17 =	vsel vm2, $0xFFFFFFFF, v3  }
0x19d: {  	s9 =	simm.s32 $0x9DA0;
	vm13 =	vle.f32 v6, v21;
	v23 =	vsel vm3, $0x1, v3;
	v13 =	vadd.s32 v17, v13  }
0x19e: {  	s8 =	simm.s32 $0x7E20;
	v63 =	vld [tilespmem:s9+$0x10];
	v14 =	vmul.f32 $1.000000010e-01, v14;
	v22 =	vsel vm8, $0x3F666666, v22;
	v13 =	vadd.s32 v23, v13  }
0x19f: {  	v17 =	vmul.f32 $1.000000010e-01, v18;
	v18 =	vmul.f32 $1.000000010e-01, v20;
	v20 =	vld [tilespmem:s8+$0x10];
	v13 =	vshll.u32 v13, $0x4  }
0x1a0: {  	v21 =	vsel vm13, $0xFFFFFFFF, v3;
	v24 =	vmul.f32 $1.000000010e-01, v9;
	v9 =	vor.u32 v1, v13  }
0x1a1: {  	v10 =	vld [tilespmem:s9+$0xFFFFFFE0];
	vm15 =	vgt.f32 v6, v22;
	v13 =	vand.u32 $0xF0, v13;
	v25 =	vand.u32 $0xFF, v9  }
0x1a2: {  	v11 =	vld [tilespmem:s8+$0xFFFFFFF0];
	v14 =	vsel vm6, $0x3F666666, v14;
	v17 =	vsel vm14, $0x3F666666, v17;
	v26 =	vor.u32 v4, v13  }
0x1a3: {  	v12 =	vld [tilespmem:s8+$0x0];
	v18 =	vsel vm12, $0x3F666666, v18;
	vm12 =	vgt.f32 v7, v14;
	vm10 =	vle.f32 v7, v17  }
0x1a4: {  	vm11 =	vle.f32 v5, v18;
	v9 =	vld [tilespmem:s8+$0xFFFFFFE0];
	vm9 =	veq.s32 v20, v63;
	v20 =	vsel vm7, $0x3F666666, v24  }
0x1a5: {  	v18 =	vsel vm12, $0x1, v3;
	v13 =	vld [tilespmem:s9+$0xFFFFFFF0];
	v23 =	vsel vm9, $0x45800800, v2;
	vm14 =	vgt.f32 v5, v20  }
0x1a6: {  	v14 =	vsel vm10, $0xFFFFFFFF, v3;
	v17 =	vsel vm11, $0xFFFFFFFF, v3;
	v20 =	vsel vm14, $0x1, v3;
	[tilespmem:v25+s4+$0x0] =	vst.idx.add.f32.msk $0xffff, v23  }
0x1a7: {  	[tilespmem:v26+s4+$0x0] =	vst.idx.add.f32.msk $0xffff, v8;
	v8 =	vadd.s32 v14, v16;
	v16 =	vadd.s32 v17, v15;
	v15 =	vsel vm15, $0x1, v3  }
0x1a8: {  	s10 =	simm.s32 $0x0;
	s11 =	simm.s32 $0x5EE0;
	v14 =	vld [tilespmem:s9+$0x0];
	v18 =	vadd.s32 v18, v8;
	v17 =	vadd.s32 v20, v16;
	v16 =	vadd.s32 v21, v19  }
.LBB2_8:
0x1a9: {  	v8 =	vld [tilespmem:s11+$0x10];
	v18 =	vshll.u32 v18, $0x4;
	v17 =	vshll.u32 v17, $0x4;
	v15 =	vadd.s32 v15, v16  }
0x1aa: {  	s10 =	sadd.s32 $0x4, s10;
	v16 =	vld [tilespmem:s11+$0xFFFFFFF0];
	v19 =	vand.u32 $0xF0, v18;
	v18 =	vor.u32 v1, v18;
	v15 =	vshll.u32 v15, $0x4  }
0x1ab: {  	p1 =	slt.u32 s10, $0x1F0;
	v21 =	vand.u32 $0xF0, v17;
	v17 =	vor.u32 v1, v17;
	v20 =	vld [tilespmem:s11+$0x0];
	v22 =	vand.u32 $0xF0, v15  }
0x1ac: {  	vm0 =	veq.s32 v9, v10;
	vm1 =	veq.s32 v11, v13;
	v9 =	vor.u32 v1, v15;
	v23 =	vld [tilespmem:s11+$0xFFFFFFE0]  }
0x1ad: {  	vm2 =	veq.s32 v12, v14;
	v10 =	vand.u32 $0xFF, v18;
	v11 =	vor.u32 v4, v19  }
0x1ae: {  	v13 =	vand.u32 $0xFF, v17;
	v14 =	vor.u32 v4, v21;
	v12 =	vmul.f32 $1.000000000e+01, v8  }
0x1af: {  	v9 =	vand.u32 $0xFF, v9;
	v17 =	vor.u32 v4, v22;
	v15 =	vmul.f32 $1.000000000e+01, v16  }
0x1b0: {  	v19 =	vsel vm0, $0x45800800, v2;
	v18 =	vmul.f32 $1.000000000e+01, v20;
	v12 =	vtrunc.f32 v12  }
0x1b1: {  	v22 =	vsel vm1, $0x45800800, v2;
	v21 =	vmul.f32 $1.000000000e+01, v23;
	v12 =	vcvt.f32.s32 v12  }
0x1b2: {  	v15 =	vtrunc.f32 v15;
	v18 =	vtrunc.f32 v18;
	[tilespmem:v10+s4+$0x0] =	vst.idx.add.f32.msk $0xffff, v19;
	v10 =	vsel vm2, $0x45800800, v2  }
0x1b3: {  	v15 =	vcvt.f32.s32 v15;
	v19 =	vtrunc.f32 v21;
	vm0 =	vlt.s32 v12, $0x9;
	[tilespmem:v11+s4+$0x0] =	vst.idx.add.f32.msk $0xffff, v7;
	v7 =	vmovc v23  }
0x1b4: {  	v18 =	vcvt.f32.s32 v18;
	v19 =	vcvt.f32.s32 v19;
	v11 =	vnsel vm0, $0x9, v12;
	[tilespmem:v13+s4+$0x0] =	vst.idx.add.f32.msk $0xffff, v22  }
0x1b5: {  	vm1 =	vlt.s32 v15, $0x9;
	vm0 =	vgt.s32 v15, $0x8;
	v13 =	vcvt.s32.f32 v11;
	[tilespmem:v14+s4+$0x0] =	vst.idx.add.f32.msk $0xffff, v5;
	v5 =	vmovc v16  }
0x1b6: {  	v16 =	vnsel vm1, $0x9, v15;
	vm1 =	vlt.s32 v18, $0x9;
	vm2 =	vlt.s32 v19, $0x9;
	[tilespmem:v9+s4+$0x0] =	vst.idx.add.f32.msk $0xffff, v10  }
0x1b7: {  	v22 =	vnsel vm1, $0x9, v18;
	v21 =	vnsel vm2, $0x9, v19;
	v9 =	vadd.f32 $1.000000000e+00, v13;
	[tilespmem:v17+s4+$0x0] =	vst.idx.add.f32.msk $0xffff, v6;
	v6 =	vmovc v20  }
0x1b8: {  	vm1 =	vgt.s32 v19, $0x8;
	v13 =	vmul.f32 $1.000000010e-01, v13;
	v10 =	vcvt.s32.f32 v21  }
0x1b9: {  	v14 =	vcvt.s32.f32 v16;
	vm2 =	vgt.s32 v12, $0x8;
	v9 =	vmul.f32 $1.000000010e-01, v9  }
0x1ba: {  	v17 =	vcvt.s32.f32 v22;
	v13 =	vsel vm2, $0x3F666666, v13;
	vm2 =	veq.s32 v12, $0x8  }
0x1bb: {  	v12 =	vadd.f32 $1.000000000e+00, v10;
	v9 =	vsel vm2, $0x3F666666, v9;
	vm2 =	vle.f32 v8, v13  }
0x1bc: {  	v13 =	vadd.f32 $1.000000000e+00, v14;
	vm3 =	vgt.f32 v8, v9;
	v9 =	vsel vm2, $0xFFFFFFFF, v3  }
0x1bd: {  	s8 =	sadd.s32 $0x40, s8;
	v20 =	vadd.f32 $1.000000000e+00, v17;
	v23 =	vsel vm3, $0x1, v3;
	v9 =	vadd.s32 v9, v11  }
0x1be: {  	s9 =	sadd.s32 $0x40, s9;
	v14 =	vmul.f32 $1.000000010e-01, v14;
	v11 =	vmul.f32 $1.000000010e-01, v10;
	v24 =	vld [tilespmem:s8+$0x10];
	v9 =	vadd.s32 v23, v9  }
0x1bf: {  	v17 =	vmul.f32 $1.000000010e-01, v17;
	v12 =	vmul.f32 $1.000000010e-01, v12;
	v23 =	vld [tilespmem:s9+$0x10];
	v25 =	vshll.u32 v9, $0x4  }
0x1c0: {  	v20 =	vmul.f32 $1.000000010e-01, v20;
	v26 =	vmul.f32 $1.000000010e-01, v13;
	v9 =	vld [tilespmem:s8+$0xFFFFFFE0];
	v13 =	vor.u32 v1, v25  }
0x1c1: {  	vm2 =	vgt.s32 v18, $0x8;
	v25 =	vand.u32 $0xF0, v25;
	v10 =	vld [tilespmem:s9+$0xFFFFFFE0];
	v27 =	vand.u32 $0xFF, v13  }
0x1c2: {  	v29 =	vsel vm0, $0x3F666666, v14;
	v28 =	vsel vm1, $0x3F666666, v11;
	v25 =	vor.u32 v4, v25;
	v11 =	vld [tilespmem:s8+$0xFFFFFFF0]  }
0x1c3: {  	vm0 =	veq.s32 v19, $0x8;
	vm1 =	veq.s32 v15, $0x8;
	v15 =	vsel vm2, $0x3F666666, v17;
	v13 =	vld [tilespmem:s9+$0xFFFFFFF0]  }
0x1c4: {  	v17 =	vsel vm0, $0x3F666666, v12;
	vm0 =	veq.s32 v18, $0x8;
	v12 =	vld [tilespmem:s8+$0x0];
	vm2 =	veq.s32 v24, v23  }
0x1c5: {  	v18 =	vsel vm1, $0x3F666666, v26;
	v19 =	vsel vm0, $0x3F666666, v20;
	v14 =	vld [tilespmem:s9+$0x0];
	v20 =	vsel vm2, $0x45800800, v2  }
0x1c6: {  	vm0 =	vle.f32 v7, v28;
	vm1 =	vle.f32 v5, v29;
	[tilespmem:v27+s4+$0x0] =	vst.idx.add.f32.msk $0xffff, v20  }
.Ltmp5:
0x1c7: {  	vm2 =	vgt.f32 v7, v17;
	v17 =	vsel vm0, $0xFFFFFFFF, v3;
	vm0 =	vle.f32 v6, v15;
	[tilespmem:v25+s4+$0x0] =	vst.idx.add.f32.msk $0xffff, v8;
	(pc) =	sbr.rel @p1 .LBB2_8-.Ltmp5, $4  }
0x1c8: {  	vm3 =	vgt.f32 v5, v18;
	v8 =	vsel vm1, $0xFFFFFFFF, v3;
	vm1 =	vgt.f32 v6, v19  }
0x1c9: {  	v18 =	vsel vm2, $0x1, v3;
	v20 =	vsel vm0, $0xFFFFFFFF, v3;
	v19 =	vsel vm3, $0x1, v3  }
0x1ca: {  	v17 =	vadd.s32 v17, v21;
	v8 =	vadd.s32 v8, v16;
	v15 =	vsel vm1, $0x1, v3  }
0x1cb: {  	s11 =	sadd.s32 $0x40, s11;
	v18 =	vadd.s32 v18, v17;
	v16 =	vadd.s32 v20, v22;
	v17 =	vadd.s32 v19, v8  }
0x1cc: {  	v8 =	vshll.u32 v18, $0x4  }
0x1cd: {  	v17 =	vshll.u32 v17, $0x4;
	v18 =	vor.u32 v1, v8  }
0x1ce: {  	v15 =	vadd.s32 v15, v16;
	v16 =	vor.u32 v1, v17;
	v18 =	vand.u32 $0xFF, v18  }
0x1cf: {  	vm0 =	veq.s32 v9, v10;
	v8 =	vand.u32 $0xF0, v8;
	v16 =	vand.u32 $0xFF, v16  }
0x1d0: {  	v15 =	vshll.u32 v15, $0x4;
	v17 =	vand.u32 $0xF0, v17;
	v8 =	vor.u32 v4, v8  }
0x1d1: {  	vm9 =	veq.s32 v11, v13;
	v9 =	vor.u32 v1, v15;
	v10 =	vor.u32 v4, v17  }
0x1d2: {  	v15 =	vand.u32 $0xF0, v15;
	v17 =	vsel vm0, $0x45800800, v2;
	v9 =	vand.u32 $0xFF, v9  }
0x1d3: {  	v13 =	vsel vm9, $0x45800800, v2;
	v11 =	vor.u32 v4, v15;
	[tilespmem:v18+s4+$0x0] =	vst.idx.add.f32.msk $0xffff, v17  }
0x1d4: {  	[tilespmem:v16+s4+$0x0] =	vst.idx.add.f32.msk $0xffff, v13  }
0x1d5: {  	vm10 =	veq.s32 v12, v14;
	[tilespmem:v8+s4+$0x0] =	vst.idx.add.f32.msk $0xffff, v7  }
0x1d6: {  	v7 =	vsel vm10, $0x45800800, v2;
	[tilespmem:v10+s4+$0x0] =	vst.idx.add.f32.msk $0xffff, v5  }
0x1d7: {  	[tilespmem:v9+s4+$0x0] =	vst.idx.add.f32.msk $0xffff, v7  }
0x1d8: {  	[tilespmem:v11+s4+$0x0] =	vst.idx.add.f32.msk $0xffff, v6  }
0x1d9: {  	[tilespmem:s23], [sflag:$0x2] =	stream.linear.gather [hbm4b:s17+s1], $0x1F40, $0x38;
	[tilespmem:$0xBF00] =	vst v63  }
0x1da: {  	_ = 	snop  }
0x1db: {  	[tilespmem:s0], [sflag:$0x2] =	stream.linear.gather [hbm4b:s18+s1], $0x1F40, $0x38;
	[tilespmem:$0xBF00] =	vst v63  }
0x1dc: {  	_ = 	snop  }
0x1dd: {  	[tilespmem:s2], [sflag:$0x2] =	stream.linear.gather [hbm4b:s19+s1], $0x1F40, $0x38;
	[tilespmem:$0xBF00] =	vst v63  }
0x1de: {  	_ =	swait.ge [sflag:s3], $0x1F40  }
0x1df: {  	[sflag:s3] =	ssyncset.done $0x0  }
0x1e0: {  	[sflag:s3] =	ssyncadd.s32 $0xFFFFE0C0  }
0x1e1: {  	_ =	swait.ge [sflag:s3], $0x1F40  }
0x1e2: {  	[sflag:s3] =	ssyncset.done $0x0  }
0x1e3: {  	[sflag:s3] =	ssyncadd.s32 $0xFFFFE0C0  }
0x1e4: {  	_ =	swait.ge [sflag:s3], $0x1F40  }
0x1e5: {  	[sflag:s3] =	ssyncset.done $0x0  }
0x1e6: {  	s8 =	simm.s32 $0x20;
	[sflag:s3] =	ssyncadd.s32 $0xFFFFE0C0  }
0x1e7: {  	v8 =	vld [tilespmem:s8+$0x10]  }
0x1e8: {  	v5 =	vld [tilespmem:s8+$0xFFFFFFF0]  }
0x1e9: {  	v7 =	vld [tilespmem:s8+$0xFFFFFFE0]  }
0x1ea: {  	v6 =	vld [tilespmem:s8+$0x0];
	_ =	sdelay $0x2  }
0x1eb: {  	v9 =	vmul.f32 $1.000000000e+01, v8  }
0x1ec: {  	v10 =	vmul.f32 $1.000000000e+01, v5;
	v11 =	vmul.f32 $1.000000000e+01, v7  }
0x1ed: {  	v12 =	vmul.f32 $1.000000000e+01, v6;
	v9 =	vtrunc.f32 v9  }
0x1ee: {  	v10 =	vtrunc.f32 v10;
	v11 =	vtrunc.f32 v11  }
0x1ef: {  	v12 =	vtrunc.f32 v12;
	v9 =	vcvt.f32.s32 v9  }
0x1f0: {  	v10 =	vcvt.f32.s32 v10;
	v11 =	vcvt.f32.s32 v11  }
0x1f1: {  	v12 =	vcvt.f32.s32 v12;
	vm11 =	vlt.s32 v9, $0x9  }
0x1f2: {  	vm1 =	vlt.s32 v10, $0x9;
	vm12 =	vgt.s32 v10, $0x8;
	vm2 =	vlt.s32 v11, $0x9  }
0x1f3: {  	vm13 =	vlt.s32 v12, $0x9;
	vm14 =	vgt.s32 v11, $0x8;
	vm15 =	vgt.s32 v9, $0x8  }
0x1f4: {  	vm3 =	veq.s32 v9, $0x8;
	vm5 =	vgt.s32 v12, $0x8;
	v13 =	vnsel vm11, $0x9, v9  }
0x1f5: {  	vm6 =	veq.s32 v11, $0x8;
	v19 =	vnsel vm13, $0x9, v12;
	v14 =	vcvt.s32.f32 v13  }
0x1f6: {  	vm7 =	veq.s32 v10, $0x8;
	v16 =	vnsel vm2, $0x9, v11;
	v21 =	vcvt.s32.f32 v19  }
0x1f7: {  	v15 =	vnsel vm1, $0x9, v10;
	v18 =	vcvt.s32.f32 v16;
	v17 =	vadd.f32 $1.000000000e+00, v14  }
0x1f8: {  	v20 =	vcvt.s32.f32 v15;
	v14 =	vmul.f32 $1.000000010e-01, v14;
	v22 =	vadd.f32 $1.000000000e+00, v21  }
0x1f9: {  	vm8 =	veq.s32 v12, $0x8;
	v21 =	vmul.f32 $1.000000010e-01, v21;
	v17 =	vmul.f32 $1.000000010e-01, v17  }
0x1fa: {  	v9 =	vsel vm15, $0x3F666666, v14;
	v14 =	vadd.f32 $1.000000000e+00, v18;
	v22 =	vmul.f32 $1.000000010e-01, v22  }
0x1fb: {  	v21 =	vsel vm5, $0x3F666666, v21;
	vm2 =	vle.f32 v8, v9;
	v17 =	vsel vm3, $0x3F666666, v17  }
0x1fc: {  	v9 =	vadd.f32 $1.000000000e+00, v20;
	vm3 =	vgt.f32 v8, v17;
	v17 =	vsel vm2, $0xFFFFFFFF, v3  }
0x1fd: {  	s9 =	simm.s32 $0x3F20;
	vm13 =	vle.f32 v6, v21;
	v23 =	vsel vm3, $0x1, v3;
	v13 =	vadd.s32 v17, v13  }
0x1fe: {  	s8 =	simm.s32 $0x1FA0;
	v63 =	vld [tilespmem:s9+$0x10];
	v14 =	vmul.f32 $1.000000010e-01, v14;
	v22 =	vsel vm8, $0x3F666666, v22;
	v13 =	vadd.s32 v23, v13  }
0x1ff: {  	v17 =	vmul.f32 $1.000000010e-01, v18;
	v18 =	vmul.f32 $1.000000010e-01, v20;
	v20 =	vld [tilespmem:s8+$0x10];
	v13 =	vshll.u32 v13, $0x4  }
0x200: {  	v21 =	vsel vm13, $0xFFFFFFFF, v3;
	v24 =	vmul.f32 $1.000000010e-01, v9;
	v9 =	vor.u32 v1, v13  }
0x201: {  	v10 =	vld [tilespmem:s9+$0xFFFFFFE0];
	vm15 =	vgt.f32 v6, v22;
	v13 =	vand.u32 $0xF0, v13;
	v25 =	vand.u32 $0xFF, v9  }
0x202: {  	v11 =	vld [tilespmem:s8+$0xFFFFFFF0];
	v14 =	vsel vm6, $0x3F666666, v14;
	v17 =	vsel vm14, $0x3F666666, v17;
	v26 =	vor.u32 v4, v13  }
0x203: {  	v12 =	vld [tilespmem:s8+$0x0];
	v18 =	vsel vm12, $0x3F666666, v18;
	vm12 =	vgt.f32 v7, v14;
	vm10 =	vle.f32 v7, v17  }
0x204: {  	vm11 =	vle.f32 v5, v18;
	v9 =	vld [tilespmem:s8+$0xFFFFFFE0];
	vm9 =	veq.s32 v20, v63;
	v20 =	vsel vm7, $0x3F666666, v24  }
0x205: {  	v18 =	vsel vm12, $0x1, v3;
	v13 =	vld [tilespmem:s9+$0xFFFFFFF0];
	v23 =	vsel vm9, $0x45800800, v2;
	vm14 =	vgt.f32 v5, v20  }
0x206: {  	v14 =	vsel vm10, $0xFFFFFFFF, v3;
	v17 =	vsel vm11, $0xFFFFFFFF, v3;
	v20 =	vsel vm14, $0x1, v3;
	[tilespmem:v25+s4+$0x0] =	vst.idx.add.f32.msk $0xffff, v23  }
0x207: {  	[tilespmem:v26+s4+$0x0] =	vst.idx.add.f32.msk $0xffff, v8;
	v8 =	vadd.s32 v14, v16;
	v16 =	vadd.s32 v17, v15;
	v15 =	vsel vm15, $0x1, v3  }
0x208: {  	s10 =	simm.s32 $0x0;
	s11 =	simm.s32 $0x60;
	v14 =	vld [tilespmem:s9+$0x0];
	v18 =	vadd.s32 v18, v8;
	v17 =	vadd.s32 v20, v16;
	v16 =	vadd.s32 v21, v19  }
.LBB2_10:
0x209: {  	v8 =	vld [tilespmem:s11+$0x10];
	v18 =	vshll.u32 v18, $0x4;
	v17 =	vshll.u32 v17, $0x4;
	v15 =	vadd.s32 v15, v16  }
0x20a: {  	s10 =	sadd.s32 $0x4, s10;
	v16 =	vld [tilespmem:s11+$0xFFFFFFF0];
	v19 =	vand.u32 $0xF0, v18;
	v18 =	vor.u32 v1, v18;
	v15 =	vshll.u32 v15, $0x4  }
0x20b: {  	p1 =	slt.u32 s10, $0x1F0;
	v21 =	vand.u32 $0xF0, v17;
	v17 =	vor.u32 v1, v17;
	v20 =	vld [tilespmem:s11+$0x0];
	v22 =	vand.u32 $0xF0, v15  }
0x20c: {  	vm0 =	veq.s32 v9, v10;
	vm1 =	veq.s32 v11, v13;
	v9 =	vor.u32 v1, v15;
	v23 =	vld [tilespmem:s11+$0xFFFFFFE0]  }
0x20d: {  	vm2 =	veq.s32 v12, v14;
	v10 =	vand.u32 $0xFF, v18;
	v11 =	vor.u32 v4, v19  }
0x20e: {  	v13 =	vand.u32 $0xFF, v17;
	v14 =	vor.u32 v4, v21;
	v12 =	vmul.f32 $1.000000000e+01, v8  }
0x20f: {  	v9 =	vand.u32 $0xFF, v9;
	v17 =	vor.u32 v4, v22;
	v15 =	vmul.f32 $1.000000000e+01, v16  }
0x210: {  	v19 =	vsel vm0, $0x45800800, v2;
	v18 =	vmul.f32 $1.000000000e+01, v20;
	v12 =	vtrunc.f32 v12  }
0x211: {  	v22 =	vsel vm1, $0x45800800, v2;
	v21 =	vmul.f32 $1.000000000e+01, v23;
	v12 =	vcvt.f32.s32 v12  }
0x212: {  	v15 =	vtrunc.f32 v15;
	v18 =	vtrunc.f32 v18;
	[tilespmem:v10+s4+$0x0] =	vst.idx.add.f32.msk $0xffff, v19;
	v10 =	vsel vm2, $0x45800800, v2  }
0x213: {  	v15 =	vcvt.f32.s32 v15;
	v19 =	vtrunc.f32 v21;
	vm0 =	vlt.s32 v12, $0x9;
	[tilespmem:v11+s4+$0x0] =	vst.idx.add.f32.msk $0xffff, v7;
	v7 =	vmovc v23  }
0x214: {  	v18 =	vcvt.f32.s32 v18;
	v19 =	vcvt.f32.s32 v19;
	v11 =	vnsel vm0, $0x9, v12;
	[tilespmem:v13+s4+$0x0] =	vst.idx.add.f32.msk $0xffff, v22  }
0x215: {  	vm1 =	vlt.s32 v15, $0x9;
	vm0 =	vgt.s32 v15, $0x8;
	v13 =	vcvt.s32.f32 v11;
	[tilespmem:v14+s4+$0x0] =	vst.idx.add.f32.msk $0xffff, v5;
	v5 =	vmovc v16  }
0x216: {  	v16 =	vnsel vm1, $0x9, v15;
	vm1 =	vlt.s32 v18, $0x9;
	vm2 =	vlt.s32 v19, $0x9;
	[tilespmem:v9+s4+$0x0] =	vst.idx.add.f32.msk $0xffff, v10  }
0x217: {  	v22 =	vnsel vm1, $0x9, v18;
	v21 =	vnsel vm2, $0x9, v19;
	v9 =	vadd.f32 $1.000000000e+00, v13;
	[tilespmem:v17+s4+$0x0] =	vst.idx.add.f32.msk $0xffff, v6;
	v6 =	vmovc v20  }
0x218: {  	vm1 =	vgt.s32 v19, $0x8;
	v13 =	vmul.f32 $1.000000010e-01, v13;
	v10 =	vcvt.s32.f32 v21  }
0x219: {  	v14 =	vcvt.s32.f32 v16;
	vm2 =	vgt.s32 v12, $0x8;
	v9 =	vmul.f32 $1.000000010e-01, v9  }
0x21a: {  	v17 =	vcvt.s32.f32 v22;
	v13 =	vsel vm2, $0x3F666666, v13;
	vm2 =	veq.s32 v12, $0x8  }
0x21b: {  	v12 =	vadd.f32 $1.000000000e+00, v10;
	v9 =	vsel vm2, $0x3F666666, v9;
	vm2 =	vle.f32 v8, v13  }
0x21c: {  	v13 =	vadd.f32 $1.000000000e+00, v14;
	vm3 =	vgt.f32 v8, v9;
	v9 =	vsel vm2, $0xFFFFFFFF, v3  }
0x21d: {  	s8 =	sadd.s32 $0x40, s8;
	v20 =	vadd.f32 $1.000000000e+00, v17;
	v23 =	vsel vm3, $0x1, v3;
	v9 =	vadd.s32 v9, v11  }
0x21e: {  	s9 =	sadd.s32 $0x40, s9;
	v14 =	vmul.f32 $1.000000010e-01, v14;
	v11 =	vmul.f32 $1.000000010e-01, v10;
	v24 =	vld [tilespmem:s8+$0x10];
	v9 =	vadd.s32 v23, v9  }
0x21f: {  	v17 =	vmul.f32 $1.000000010e-01, v17;
	v12 =	vmul.f32 $1.000000010e-01, v12;
	v23 =	vld [tilespmem:s9+$0x10];
	v25 =	vshll.u32 v9, $0x4  }
0x220: {  	v20 =	vmul.f32 $1.000000010e-01, v20;
	v26 =	vmul.f32 $1.000000010e-01, v13;
	v9 =	vld [tilespmem:s8+$0xFFFFFFE0];
	v13 =	vor.u32 v1, v25  }
0x221: {  	vm2 =	vgt.s32 v18, $0x8;
	v25 =	vand.u32 $0xF0, v25;
	v10 =	vld [tilespmem:s9+$0xFFFFFFE0];
	v27 =	vand.u32 $0xFF, v13  }
0x222: {  	v29 =	vsel vm0, $0x3F666666, v14;
	v28 =	vsel vm1, $0x3F666666, v11;
	v25 =	vor.u32 v4, v25;
	v11 =	vld [tilespmem:s8+$0xFFFFFFF0]  }
0x223: {  	vm0 =	veq.s32 v19, $0x8;
	vm1 =	veq.s32 v15, $0x8;
	v15 =	vsel vm2, $0x3F666666, v17;
	v13 =	vld [tilespmem:s9+$0xFFFFFFF0]  }
0x224: {  	v17 =	vsel vm0, $0x3F666666, v12;
	vm0 =	veq.s32 v18, $0x8;
	v12 =	vld [tilespmem:s8+$0x0];
	vm2 =	veq.s32 v24, v23  }
0x225: {  	v18 =	vsel vm1, $0x3F666666, v26;
	v19 =	vsel vm0, $0x3F666666, v20;
	v14 =	vld [tilespmem:s9+$0x0];
	v20 =	vsel vm2, $0x45800800, v2  }
0x226: {  	vm0 =	vle.f32 v7, v28;
	vm1 =	vle.f32 v5, v29;
	[tilespmem:v27+s4+$0x0] =	vst.idx.add.f32.msk $0xffff, v20  }
.Ltmp6:
0x227: {  	vm2 =	vgt.f32 v7, v17;
	v17 =	vsel vm0, $0xFFFFFFFF, v3;
	vm0 =	vle.f32 v6, v15;
	[tilespmem:v25+s4+$0x0] =	vst.idx.add.f32.msk $0xffff, v8;
	(pc) =	sbr.rel @p1 .LBB2_10-.Ltmp6, $4  }
0x228: {  	vm3 =	vgt.f32 v5, v18;
	v8 =	vsel vm1, $0xFFFFFFFF, v3;
	vm1 =	vgt.f32 v6, v19  }
0x229: {  	v18 =	vsel vm2, $0x1, v3;
	v20 =	vsel vm0, $0xFFFFFFFF, v3;
	v19 =	vsel vm3, $0x1, v3  }
0x22a: {  	v17 =	vadd.s32 v17, v21;
	v8 =	vadd.s32 v8, v16;
	v15 =	vsel vm1, $0x1, v3  }
0x22b: {  	s11 =	sadd.s32 $0x40, s11;
	v18 =	vadd.s32 v18, v17;
	v16 =	vadd.s32 v20, v22;
	v17 =	vadd.s32 v19, v8  }
0x22c: {  	v8 =	vshll.u32 v18, $0x4  }
0x22d: {  	v17 =	vshll.u32 v17, $0x4;
	v18 =	vor.u32 v1, v8  }
0x22e: {  	v15 =	vadd.s32 v15, v16;
	v16 =	vor.u32 v1, v17;
	v18 =	vand.u32 $0xFF, v18  }
0x22f: {  	vm0 =	veq.s32 v9, v10;
	v8 =	vand.u32 $0xF0, v8;
	v16 =	vand.u32 $0xFF, v16  }
0x230: {  	v15 =	vshll.u32 v15, $0x4;
	v17 =	vand.u32 $0xF0, v17;
	v8 =	vor.u32 v4, v8  }
0x231: {  	vm9 =	veq.s32 v11, v13;
	v9 =	vor.u32 v1, v15;
	v10 =	vor.u32 v4, v17  }
0x232: {  	v15 =	vand.u32 $0xF0, v15;
	v17 =	vsel vm0, $0x45800800, v2;
	v9 =	vand.u32 $0xFF, v9  }
0x233: {  	v13 =	vsel vm9, $0x45800800, v2;
	v11 =	vor.u32 v4, v15;
	[tilespmem:v18+s4+$0x0] =	vst.idx.add.f32.msk $0xffff, v17  }
0x234: {  	[tilespmem:v16+s4+$0x0] =	vst.idx.add.f32.msk $0xffff, v13  }
0x235: {  	vm10 =	veq.s32 v12, v14;
	[tilespmem:v8+s4+$0x0] =	vst.idx.add.f32.msk $0xffff, v7  }
0x236: {  	v7 =	vsel vm10, $0x45800800, v2;
	[tilespmem:v10+s4+$0x0] =	vst.idx.add.f32.msk $0xffff, v5  }
0x237: {  	[tilespmem:v9+s4+$0x0] =	vst.idx.add.f32.msk $0xffff, v7  }
0x238: {  	[tilespmem:v11+s4+$0x0] =	vst.idx.add.f32.msk $0xffff, v6  }
0x239: {  	[tilespmem:s1], [sflag:$0x1] =	stream.linear.gather [hbm4b:s20+s1], $0x1F40, $0x38;
	[tilespmem:$0xBF00] =	vst v63  }
0x23a: {  	_ = 	snop  }
0x23b: {  	[tilespmem:s30], [sflag:$0x1] =	stream.linear.gather [hbm4b:s21+s1], $0x1F40, $0x38;
	[tilespmem:$0xBF00] =	vst v63  }
0x23c: {  	_ = 	snop  }
0x23d: {  	[tilespmem:s31], [sflag:$0x1] =	stream.linear.gather [hbm4b:s22+s1], $0x1F40, $0x38;
	[tilespmem:$0xBF00] =	vst v63  }
0x23e: {  	_ =	swait.ge [sflag:s5], $0x1F40  }
0x23f: {  	[sflag:s5] =	ssyncset.done $0x0  }
0x240: {  	[sflag:s5] =	ssyncadd.s32 $0xFFFFE0C0  }
0x241: {  	_ =	swait.ge [sflag:s5], $0x1F40  }
0x242: {  	[sflag:s5] =	ssyncset.done $0x0  }
0x243: {  	[sflag:s5] =	ssyncadd.s32 $0xFFFFE0C0  }
0x244: {  	_ =	swait.ge [sflag:s5], $0x1F40  }
0x245: {  	[sflag:s5] =	ssyncset.done $0x0  }
0x246: {  	s8 =	simm.s32 $0x5EA0;
	[sflag:s5] =	ssyncadd.s32 $0xFFFFE0C0  }
0x247: {  	v8 =	vld [tilespmem:s8+$0x10]  }
0x248: {  	v5 =	vld [tilespmem:s8+$0xFFFFFFF0]  }
0x249: {  	v7 =	vld [tilespmem:s8+$0xFFFFFFE0]  }
0x24a: {  	v6 =	vld [tilespmem:s8+$0x0];
	_ =	sdelay $0x2  }
0x24b: {  	v9 =	vmul.f32 $1.000000000e+01, v8  }
0x24c: {  	v10 =	vmul.f32 $1.000000000e+01, v5;
	v11 =	vmul.f32 $1.000000000e+01, v7  }
0x24d: {  	v12 =	vmul.f32 $1.000000000e+01, v6;
	v9 =	vtrunc.f32 v9  }
0x24e: {  	v10 =	vtrunc.f32 v10;
	v11 =	vtrunc.f32 v11  }
0x24f: {  	v12 =	vtrunc.f32 v12;
	v9 =	vcvt.f32.s32 v9  }
0x250: {  	v10 =	vcvt.f32.s32 v10;
	v11 =	vcvt.f32.s32 v11  }
0x251: {  	v12 =	vcvt.f32.s32 v12;
	vm11 =	vlt.s32 v9, $0x9  }
0x252: {  	vm1 =	vlt.s32 v10, $0x9;
	vm12 =	vgt.s32 v10, $0x8;
	vm2 =	vlt.s32 v11, $0x9  }
0x253: {  	vm13 =	vlt.s32 v12, $0x9;
	vm14 =	vgt.s32 v11, $0x8;
	vm15 =	vgt.s32 v9, $0x8  }
0x254: {  	vm3 =	veq.s32 v9, $0x8;
	vm5 =	vgt.s32 v12, $0x8;
	v13 =	vnsel vm11, $0x9, v9  }
0x255: {  	vm6 =	veq.s32 v11, $0x8;
	v19 =	vnsel vm13, $0x9, v12;
	v14 =	vcvt.s32.f32 v13  }
0x256: {  	vm7 =	veq.s32 v10, $0x8;
	v16 =	vnsel vm2, $0x9, v11;
	v21 =	vcvt.s32.f32 v19  }
0x257: {  	v15 =	vnsel vm1, $0x9, v10;
	v18 =	vcvt.s32.f32 v16;
	v17 =	vadd.f32 $1.000000000e+00, v14  }
0x258: {  	v20 =	vcvt.s32.f32 v15;
	v14 =	vmul.f32 $1.000000010e-01, v14;
	v22 =	vadd.f32 $1.000000000e+00, v21  }
0x259: {  	vm8 =	veq.s32 v12, $0x8;
	v21 =	vmul.f32 $1.000000010e-01, v21;
	v17 =	vmul.f32 $1.000000010e-01, v17  }
0x25a: {  	v9 =	vsel vm15, $0x3F666666, v14;
	v14 =	vadd.f32 $1.000000000e+00, v18;
	v22 =	vmul.f32 $1.000000010e-01, v22  }
0x25b: {  	v21 =	vsel vm5, $0x3F666666, v21;
	vm2 =	vle.f32 v8, v9;
	v17 =	vsel vm3, $0x3F666666, v17  }
0x25c: {  	v9 =	vadd.f32 $1.000000000e+00, v20;
	vm3 =	vgt.f32 v8, v17;
	v17 =	vsel vm2, $0xFFFFFFFF, v3  }
0x25d: {  	s9 =	simm.s32 $0x9DA0;
	vm13 =	vle.f32 v6, v21;
	v23 =	vsel vm3, $0x1, v3;
	v13 =	vadd.s32 v17, v13  }
0x25e: {  	s8 =	simm.s32 $0x7E20;
	v63 =	vld [tilespmem:s9+$0x10];
	v14 =	vmul.f32 $1.000000010e-01, v14;
	v22 =	vsel vm8, $0x3F666666, v22;
	v13 =	vadd.s32 v23, v13  }
0x25f: {  	v17 =	vmul.f32 $1.000000010e-01, v18;
	v18 =	vmul.f32 $1.000000010e-01, v20;
	v20 =	vld [tilespmem:s8+$0x10];
	v13 =	vshll.u32 v13, $0x4  }
0x260: {  	v21 =	vsel vm13, $0xFFFFFFFF, v3;
	v24 =	vmul.f32 $1.000000010e-01, v9;
	v9 =	vor.u32 v1, v13  }
0x261: {  	v10 =	vld [tilespmem:s9+$0xFFFFFFE0];
	vm15 =	vgt.f32 v6, v22;
	v13 =	vand.u32 $0xF0, v13;
	v25 =	vand.u32 $0xFF, v9  }
0x262: {  	v11 =	vld [tilespmem:s8+$0xFFFFFFF0];
	v14 =	vsel vm6, $0x3F666666, v14;
	v17 =	vsel vm14, $0x3F666666, v17;
	v26 =	vor.u32 v4, v13  }
0x263: {  	v12 =	vld [tilespmem:s8+$0x0];
	v18 =	vsel vm12, $0x3F666666, v18;
	vm12 =	vgt.f32 v7, v14;
	vm10 =	vle.f32 v7, v17  }
0x264: {  	vm11 =	vle.f32 v5, v18;
	v9 =	vld [tilespmem:s8+$0xFFFFFFE0];
	vm9 =	veq.s32 v20, v63;
	v20 =	vsel vm7, $0x3F666666, v24  }
0x265: {  	v18 =	vsel vm12, $0x1, v3;
	v13 =	vld [tilespmem:s9+$0xFFFFFFF0];
	v23 =	vsel vm9, $0x45800800, v2;
	vm14 =	vgt.f32 v5, v20  }
0x266: {  	v14 =	vsel vm10, $0xFFFFFFFF, v3;
	v17 =	vsel vm11, $0xFFFFFFFF, v3;
	v20 =	vsel vm14, $0x1, v3;
	[tilespmem:v25+s4+$0x0] =	vst.idx.add.f32.msk $0xffff, v23  }
0x267: {  	[tilespmem:v26+s4+$0x0] =	vst.idx.add.f32.msk $0xffff, v8;
	v8 =	vadd.s32 v14, v16;
	v16 =	vadd.s32 v17, v15;
	v15 =	vsel vm15, $0x1, v3  }
0x268: {  	s10 =	simm.s32 $0x0;
	s11 =	simm.s32 $0x5EE0;
	v14 =	vld [tilespmem:s9+$0x0];
	v18 =	vadd.s32 v18, v8;
	v17 =	vadd.s32 v20, v16;
	v16 =	vadd.s32 v21, v19  }
.LBB2_12:
0x269: {  	v8 =	vld [tilespmem:s11+$0x10];
	v18 =	vshll.u32 v18, $0x4;
	v17 =	vshll.u32 v17, $0x4;
	v15 =	vadd.s32 v15, v16  }
0x26a: {  	s10 =	sadd.s32 $0x4, s10;
	v16 =	vld [tilespmem:s11+$0xFFFFFFF0];
	v19 =	vand.u32 $0xF0, v18;
	v18 =	vor.u32 v1, v18;
	v15 =	vshll.u32 v15, $0x4  }
0x26b: {  	p1 =	slt.u32 s10, $0x1F0;
	v21 =	vand.u32 $0xF0, v17;
	v17 =	vor.u32 v1, v17;
	v20 =	vld [tilespmem:s11+$0x0];
	v22 =	vand.u32 $0xF0, v15  }
0x26c: {  	vm0 =	veq.s32 v9, v10;
	vm1 =	veq.s32 v11, v13;
	v9 =	vor.u32 v1, v15;
	v23 =	vld [tilespmem:s11+$0xFFFFFFE0]  }
0x26d: {  	vm2 =	veq.s32 v12, v14;
	v10 =	vand.u32 $0xFF, v18;
	v11 =	vor.u32 v4, v19  }
0x26e: {  	v13 =	vand.u32 $0xFF, v17;
	v14 =	vor.u32 v4, v21;
	v12 =	vmul.f32 $1.000000000e+01, v8  }
0x26f: {  	v9 =	vand.u32 $0xFF, v9;
	v17 =	vor.u32 v4, v22;
	v15 =	vmul.f32 $1.000000000e+01, v16  }
0x270: {  	v19 =	vsel vm0, $0x45800800, v2;
	v18 =	vmul.f32 $1.000000000e+01, v20;
	v12 =	vtrunc.f32 v12  }
0x271: {  	v22 =	vsel vm1, $0x45800800, v2;
	v21 =	vmul.f32 $1.000000000e+01, v23;
	v12 =	vcvt.f32.s32 v12  }
0x272: {  	v15 =	vtrunc.f32 v15;
	v18 =	vtrunc.f32 v18;
	[tilespmem:v10+s4+$0x0] =	vst.idx.add.f32.msk $0xffff, v19;
	v10 =	vsel vm2, $0x45800800, v2  }
0x273: {  	v15 =	vcvt.f32.s32 v15;
	v19 =	vtrunc.f32 v21;
	vm0 =	vlt.s32 v12, $0x9;
	[tilespmem:v11+s4+$0x0] =	vst.idx.add.f32.msk $0xffff, v7;
	v7 =	vmovc v23  }
0x274: {  	v18 =	vcvt.f32.s32 v18;
	v19 =	vcvt.f32.s32 v19;
	v11 =	vnsel vm0, $0x9, v12;
	[tilespmem:v13+s4+$0x0] =	vst.idx.add.f32.msk $0xffff, v22  }
0x275: {  	vm1 =	vlt.s32 v15, $0x9;
	vm0 =	vgt.s32 v15, $0x8;
	v13 =	vcvt.s32.f32 v11;
	[tilespmem:v14+s4+$0x0] =	vst.idx.add.f32.msk $0xffff, v5;
	v5 =	vmovc v16  }
0x276: {  	v16 =	vnsel vm1, $0x9, v15;
	vm1 =	vlt.s32 v18, $0x9;
	vm2 =	vlt.s32 v19, $0x9;
	[tilespmem:v9+s4+$0x0] =	vst.idx.add.f32.msk $0xffff, v10  }
0x277: {  	v22 =	vnsel vm1, $0x9, v18;
	v21 =	vnsel vm2, $0x9, v19;
	v9 =	vadd.f32 $1.000000000e+00, v13;
	[tilespmem:v17+s4+$0x0] =	vst.idx.add.f32.msk $0xffff, v6;
	v6 =	vmovc v20  }
0x278: {  	vm1 =	vgt.s32 v19, $0x8;
	v13 =	vmul.f32 $1.000000010e-01, v13;
	v10 =	vcvt.s32.f32 v21  }
0x279: {  	v14 =	vcvt.s32.f32 v16;
	vm2 =	vgt.s32 v12, $0x8;
	v9 =	vmul.f32 $1.000000010e-01, v9  }
0x27a: {  	v17 =	vcvt.s32.f32 v22;
	v13 =	vsel vm2, $0x3F666666, v13;
	vm2 =	veq.s32 v12, $0x8  }
0x27b: {  	v12 =	vadd.f32 $1.000000000e+00, v10;
	v9 =	vsel vm2, $0x3F666666, v9;
	vm2 =	vle.f32 v8, v13  }
0x27c: {  	v13 =	vadd.f32 $1.000000000e+00, v14;
	vm3 =	vgt.f32 v8, v9;
	v9 =	vsel vm2, $0xFFFFFFFF, v3  }
0x27d: {  	s8 =	sadd.s32 $0x40, s8;
	v20 =	vadd.f32 $1.000000000e+00, v17;
	v23 =	vsel vm3, $0x1, v3;
	v9 =	vadd.s32 v9, v11  }
0x27e: {  	s9 =	sadd.s32 $0x40, s9;
	v14 =	vmul.f32 $1.000000010e-01, v14;
	v11 =	vmul.f32 $1.000000010e-01, v10;
	v24 =	vld [tilespmem:s8+$0x10];
	v9 =	vadd.s32 v23, v9  }
0x27f: {  	v17 =	vmul.f32 $1.000000010e-01, v17;
	v12 =	vmul.f32 $1.000000010e-01, v12;
	v23 =	vld [tilespmem:s9+$0x10];
	v25 =	vshll.u32 v9, $0x4  }
0x280: {  	v20 =	vmul.f32 $1.000000010e-01, v20;
	v26 =	vmul.f32 $1.000000010e-01, v13;
	v9 =	vld [tilespmem:s8+$0xFFFFFFE0];
	v13 =	vor.u32 v1, v25  }
0x281: {  	vm2 =	vgt.s32 v18, $0x8;
	v25 =	vand.u32 $0xF0, v25;
	v10 =	vld [tilespmem:s9+$0xFFFFFFE0];
	v27 =	vand.u32 $0xFF, v13  }
0x282: {  	v29 =	vsel vm0, $0x3F666666, v14;
	v28 =	vsel vm1, $0x3F666666, v11;
	v25 =	vor.u32 v4, v25;
	v11 =	vld [tilespmem:s8+$0xFFFFFFF0]  }
0x283: {  	vm0 =	veq.s32 v19, $0x8;
	vm1 =	veq.s32 v15, $0x8;
	v15 =	vsel vm2, $0x3F666666, v17;
	v13 =	vld [tilespmem:s9+$0xFFFFFFF0]  }
0x284: {  	v17 =	vsel vm0, $0x3F666666, v12;
	vm0 =	veq.s32 v18, $0x8;
	v12 =	vld [tilespmem:s8+$0x0];
	vm2 =	veq.s32 v24, v23  }
0x285: {  	v18 =	vsel vm1, $0x3F666666, v26;
	v19 =	vsel vm0, $0x3F666666, v20;
	v14 =	vld [tilespmem:s9+$0x0];
	v20 =	vsel vm2, $0x45800800, v2  }
0x286: {  	vm0 =	vle.f32 v7, v28;
	vm1 =	vle.f32 v5, v29;
	[tilespmem:v27+s4+$0x0] =	vst.idx.add.f32.msk $0xffff, v20  }
.Ltmp7:
0x287: {  	vm2 =	vgt.f32 v7, v17;
	v17 =	vsel vm0, $0xFFFFFFFF, v3;
	vm0 =	vle.f32 v6, v15;
	[tilespmem:v25+s4+$0x0] =	vst.idx.add.f32.msk $0xffff, v8;
	(pc) =	sbr.rel @p1 .LBB2_12-.Ltmp7, $4  }
0x288: {  	vm3 =	vgt.f32 v5, v18;
	v8 =	vsel vm1, $0xFFFFFFFF, v3;
	vm1 =	vgt.f32 v6, v19  }
0x289: {  	v18 =	vsel vm2, $0x1, v3;
	v20 =	vsel vm0, $0xFFFFFFFF, v3;
	v19 =	vsel vm3, $0x1, v3  }
0x28a: {  	v17 =	vadd.s32 v17, v21;
	v8 =	vadd.s32 v8, v16;
	v15 =	vsel vm1, $0x1, v3  }
0x28b: {  	s11 =	sadd.s32 $0x40, s11;
	v18 =	vadd.s32 v18, v17;
	v16 =	vadd.s32 v20, v22;
	v17 =	vadd.s32 v19, v8  }
0x28c: {  	v8 =	vshll.u32 v18, $0x4  }
0x28d: {  	v17 =	vshll.u32 v17, $0x4;
	v18 =	vor.u32 v1, v8  }
0x28e: {  	v15 =	vadd.s32 v15, v16;
	v16 =	vor.u32 v1, v17;
	v18 =	vand.u32 $0xFF, v18  }
0x28f: {  	vm0 =	veq.s32 v9, v10;
	v8 =	vand.u32 $0xF0, v8;
	v16 =	vand.u32 $0xFF, v16  }
0x290: {  	v15 =	vshll.u32 v15, $0x4;
	v17 =	vand.u32 $0xF0, v17;
	v8 =	vor.u32 v4, v8  }
0x291: {  	vm9 =	veq.s32 v11, v13;
	v9 =	vor.u32 v1, v15;
	v10 =	vor.u32 v4, v17  }
0x292: {  	v15 =	vand.u32 $0xF0, v15;
	v17 =	vsel vm0, $0x45800800, v2;
	v9 =	vand.u32 $0xFF, v9  }
0x293: {  	v13 =	vsel vm9, $0x45800800, v2;
	v11 =	vor.u32 v4, v15;
	[tilespmem:v18+s4+$0x0] =	vst.idx.add.f32.msk $0xffff, v17  }
0x294: {  	[tilespmem:v16+s4+$0x0] =	vst.idx.add.f32.msk $0xffff, v13  }
0x295: {  	vm10 =	veq.s32 v12, v14;
	[tilespmem:v8+s4+$0x0] =	vst.idx.add.f32.msk $0xffff, v7  }
0x296: {  	v7 =	vsel vm10, $0x45800800, v2;
	[tilespmem:v10+s4+$0x0] =	vst.idx.add.f32.msk $0xffff, v5  }
0x297: {  	[tilespmem:v9+s4+$0x0] =	vst.idx.add.f32.msk $0xffff, v7  }
0x298: {  	s8 =	simm.s32 @!p0 $0x0;
	s9 =	simm.s32 @!p0 $0x5E80;
	[tilespmem:v11+s4+$0x0] =	vst.idx.add.f32.msk $0xffff, v6  }
0x299: {  	[tilespmem:s9], [sflag:$0x2] =	stream.linear.gather @!p0 [hbm4b:s24+s8], $0x1F40, $0x38;
	[tilespmem:$0xBF00] =	vst v63  }
0x29a: {  	s9 =	simm.s32 @!p0 $0x7E00  }
0x29b: {  	[tilespmem:s9], [sflag:$0x2] =	stream.linear.gather @!p0 [hbm4b:s25+s8], $0x1F40, $0x38;
	[tilespmem:$0xBF00] =	vst v63  }
0x29c: {  	s9 =	simm.s32 @!p0 $0x9D80  }
0x29d: {  	[tilespmem:s9], [sflag:$0x2] =	stream.linear.gather @!p0 [hbm4b:s26+s8], $0x1F40, $0x38;
	[tilespmem:$0xBF00] =	vst v63  }
0x29e: {  	_ =	swait.ge [sflag:s3], $0x1F40  }
0x29f: {  	[sflag:s3] =	ssyncset.done $0x0  }
0x2a0: {  	[sflag:s3] =	ssyncadd.s32 $0xFFFFE0C0  }
0x2a1: {  	_ =	swait.ge [sflag:s3], $0x1F40  }
0x2a2: {  	[sflag:s3] =	ssyncset.done $0x0  }
0x2a3: {  	[sflag:s3] =	ssyncadd.s32 $0xFFFFE0C0  }
0x2a4: {  	_ =	swait.ge [sflag:s3], $0x1F40  }
0x2a5: {  	[sflag:s3] =	ssyncset.done $0x0  }
0x2a6: {  	s11 =	simm.s32 $0x20;
	[sflag:s3] =	ssyncadd.s32 $0xFFFFE0C0  }
0x2a7: {  	v8 =	vld [tilespmem:s11+$0x10]  }
0x2a8: {  	v5 =	vld [tilespmem:s11+$0xFFFFFFF0]  }
0x2a9: {  	v7 =	vld [tilespmem:s11+$0xFFFFFFE0]  }
0x2aa: {  	v6 =	vld [tilespmem:s11+$0x0];
	_ =	sdelay $0x2  }
0x2ab: {  	v9 =	vmul.f32 $1.000000000e+01, v8  }
0x2ac: {  	v10 =	vmul.f32 $1.000000000e+01, v5;
	v11 =	vmul.f32 $1.000000000e+01, v7  }
0x2ad: {  	v12 =	vmul.f32 $1.000000000e+01, v6;
	v9 =	vtrunc.f32 v9  }
0x2ae: {  	v10 =	vtrunc.f32 v10;
	v11 =	vtrunc.f32 v11  }
0x2af: {  	v12 =	vtrunc.f32 v12;
	v9 =	vcvt.f32.s32 v9  }
0x2b0: {  	v10 =	vcvt.f32.s32 v10;
	v11 =	vcvt.f32.s32 v11  }
0x2b1: {  	v12 =	vcvt.f32.s32 v12;
	vm11 =	vlt.s32 v9, $0x9  }
0x2b2: {  	vm1 =	vlt.s32 v10, $0x9;
	vm12 =	vgt.s32 v10, $0x8;
	vm2 =	vlt.s32 v11, $0x9  }
0x2b3: {  	vm13 =	vlt.s32 v12, $0x9;
	vm14 =	vgt.s32 v11, $0x8;
	vm15 =	vgt.s32 v9, $0x8  }
0x2b4: {  	vm3 =	veq.s32 v9, $0x8;
	vm5 =	vgt.s32 v12, $0x8;
	v13 =	vnsel vm11, $0x9, v9  }
0x2b5: {  	vm6 =	veq.s32 v11, $0x8;
	v19 =	vnsel vm13, $0x9, v12;
	v14 =	vcvt.s32.f32 v13  }
0x2b6: {  	vm7 =	veq.s32 v10, $0x8;
	v16 =	vnsel vm2, $0x9, v11;
	v21 =	vcvt.s32.f32 v19  }
0x2b7: {  	v15 =	vnsel vm1, $0x9, v10;
	v18 =	vcvt.s32.f32 v16;
	v17 =	vadd.f32 $1.000000000e+00, v14  }
0x2b8: {  	v20 =	vcvt.s32.f32 v15;
	v14 =	vmul.f32 $1.000000010e-01, v14;
	v22 =	vadd.f32 $1.000000000e+00, v21  }
0x2b9: {  	vm8 =	veq.s32 v12, $0x8;
	v21 =	vmul.f32 $1.000000010e-01, v21;
	v17 =	vmul.f32 $1.000000010e-01, v17  }
0x2ba: {  	v9 =	vsel vm15, $0x3F666666, v14;
	v14 =	vadd.f32 $1.000000000e+00, v18;
	v22 =	vmul.f32 $1.000000010e-01, v22  }
0x2bb: {  	v21 =	vsel vm5, $0x3F666666, v21;
	vm2 =	vle.f32 v8, v9;
	v17 =	vsel vm3, $0x3F666666, v17  }
0x2bc: {  	v9 =	vadd.f32 $1.000000000e+00, v20;
	vm3 =	vgt.f32 v8, v17;
	v17 =	vsel vm2, $0xFFFFFFFF, v3  }
0x2bd: {  	s9 =	simm.s32 $0x3F20;
	vm13 =	vle.f32 v6, v21;
	v23 =	vsel vm3, $0x1, v3;
	v13 =	vadd.s32 v17, v13  }
0x2be: {  	s8 =	simm.s32 $0x1FA0;
	v63 =	vld [tilespmem:s9+$0x10];
	v14 =	vmul.f32 $1.000000010e-01, v14;
	v22 =	vsel vm8, $0x3F666666, v22;
	v13 =	vadd.s32 v23, v13  }
0x2bf: {  	v17 =	vmul.f32 $1.000000010e-01, v18;
	v18 =	vmul.f32 $1.000000010e-01, v20;
	v20 =	vld [tilespmem:s8+$0x10];
	v13 =	vshll.u32 v13, $0x4  }
0x2c0: {  	v21 =	vsel vm13, $0xFFFFFFFF, v3;
	v24 =	vmul.f32 $1.000000010e-01, v9;
	v9 =	vor.u32 v1, v13  }
0x2c1: {  	v10 =	vld [tilespmem:s9+$0xFFFFFFE0];
	vm15 =	vgt.f32 v6, v22;
	v13 =	vand.u32 $0xF0, v13;
	v25 =	vand.u32 $0xFF, v9  }
0x2c2: {  	v11 =	vld [tilespmem:s8+$0xFFFFFFF0];
	v14 =	vsel vm6, $0x3F666666, v14;
	v17 =	vsel vm14, $0x3F666666, v17;
	v26 =	vor.u32 v4, v13  }
0x2c3: {  	v12 =	vld [tilespmem:s8+$0x0];
	v18 =	vsel vm12, $0x3F666666, v18;
	vm12 =	vgt.f32 v7, v14;
	vm10 =	vle.f32 v7, v17  }
0x2c4: {  	vm11 =	vle.f32 v5, v18;
	v9 =	vld [tilespmem:s8+$0xFFFFFFE0];
	vm9 =	veq.s32 v20, v63;
	v20 =	vsel vm7, $0x3F666666, v24  }
0x2c5: {  	v18 =	vsel vm12, $0x1, v3;
	v13 =	vld [tilespmem:s9+$0xFFFFFFF0];
	v23 =	vsel vm9, $0x45800800, v2;
	vm14 =	vgt.f32 v5, v20  }
0x2c6: {  	v14 =	vsel vm10, $0xFFFFFFFF, v3;
	v17 =	vsel vm11, $0xFFFFFFFF, v3;
	v20 =	vsel vm14, $0x1, v3;
	[tilespmem:v25+s4+$0x0] =	vst.idx.add.f32.msk $0xffff, v23  }
0x2c7: {  	[tilespmem:v26+s4+$0x0] =	vst.idx.add.f32.msk $0xffff, v8;
	v8 =	vadd.s32 v14, v16;
	v16 =	vadd.s32 v17, v15;
	v15 =	vsel vm15, $0x1, v3  }
0x2c8: {  	s10 =	simm.s32 $0x0;
	s11 =	simm.s32 $0x60;
	v14 =	vld [tilespmem:s9+$0x0];
	v18 =	vadd.s32 v18, v8;
	v17 =	vadd.s32 v20, v16;
	v16 =	vadd.s32 v21, v19  }
.LBB2_14:
0x2c9: {  	v8 =	vld [tilespmem:s11+$0x10];
	v18 =	vshll.u32 v18, $0x4;
	v17 =	vshll.u32 v17, $0x4;
	v15 =	vadd.s32 v15, v16  }
0x2ca: {  	s10 =	sadd.s32 $0x4, s10;
	v16 =	vld [tilespmem:s11+$0xFFFFFFF0];
	v19 =	vand.u32 $0xF0, v18;
	v18 =	vor.u32 v1, v18;
	v15 =	vshll.u32 v15, $0x4  }
0x2cb: {  	p1 =	slt.u32 s10, $0x1F0;
	v21 =	vand.u32 $0xF0, v17;
	v17 =	vor.u32 v1, v17;
	v20 =	vld [tilespmem:s11+$0x0];
	v22 =	vand.u32 $0xF0, v15  }
0x2cc: {  	vm0 =	veq.s32 v9, v10;
	vm1 =	veq.s32 v11, v13;
	v9 =	vor.u32 v1, v15;
	v23 =	vld [tilespmem:s11+$0xFFFFFFE0]  }
0x2cd: {  	vm2 =	veq.s32 v12, v14;
	v10 =	vand.u32 $0xFF, v18;
	v11 =	vor.u32 v4, v19  }
0x2ce: {  	v13 =	vand.u32 $0xFF, v17;
	v14 =	vor.u32 v4, v21;
	v12 =	vmul.f32 $1.000000000e+01, v8  }
0x2cf: {  	v9 =	vand.u32 $0xFF, v9;
	v17 =	vor.u32 v4, v22;
	v15 =	vmul.f32 $1.000000000e+01, v16  }
0x2d0: {  	v19 =	vsel vm0, $0x45800800, v2;
	v18 =	vmul.f32 $1.000000000e+01, v20;
	v12 =	vtrunc.f32 v12  }
0x2d1: {  	v22 =	vsel vm1, $0x45800800, v2;
	v21 =	vmul.f32 $1.000000000e+01, v23;
	v12 =	vcvt.f32.s32 v12  }
0x2d2: {  	v15 =	vtrunc.f32 v15;
	v18 =	vtrunc.f32 v18;
	[tilespmem:v10+s4+$0x0] =	vst.idx.add.f32.msk $0xffff, v19;
	v10 =	vsel vm2, $0x45800800, v2  }
0x2d3: {  	v15 =	vcvt.f32.s32 v15;
	v19 =	vtrunc.f32 v21;
	vm0 =	vlt.s32 v12, $0x9;
	[tilespmem:v11+s4+$0x0] =	vst.idx.add.f32.msk $0xffff, v7;
	v7 =	vmovc v23  }
0x2d4: {  	v18 =	vcvt.f32.s32 v18;
	v19 =	vcvt.f32.s32 v19;
	v11 =	vnsel vm0, $0x9, v12;
	[tilespmem:v13+s4+$0x0] =	vst.idx.add.f32.msk $0xffff, v22  }
0x2d5: {  	vm1 =	vlt.s32 v15, $0x9;
	vm0 =	vgt.s32 v15, $0x8;
	v13 =	vcvt.s32.f32 v11;
	[tilespmem:v14+s4+$0x0] =	vst.idx.add.f32.msk $0xffff, v5;
	v5 =	vmovc v16  }
0x2d6: {  	v16 =	vnsel vm1, $0x9, v15;
	vm1 =	vlt.s32 v18, $0x9;
	vm2 =	vlt.s32 v19, $0x9;
	[tilespmem:v9+s4+$0x0] =	vst.idx.add.f32.msk $0xffff, v10  }
0x2d7: {  	v22 =	vnsel vm1, $0x9, v18;
	v21 =	vnsel vm2, $0x9, v19;
	v9 =	vadd.f32 $1.000000000e+00, v13;
	[tilespmem:v17+s4+$0x0] =	vst.idx.add.f32.msk $0xffff, v6;
	v6 =	vmovc v20  }
0x2d8: {  	vm1 =	vgt.s32 v19, $0x8;
	v13 =	vmul.f32 $1.000000010e-01, v13;
	v10 =	vcvt.s32.f32 v21  }
0x2d9: {  	v14 =	vcvt.s32.f32 v16;
	vm2 =	vgt.s32 v12, $0x8;
	v9 =	vmul.f32 $1.000000010e-01, v9  }
0x2da: {  	v17 =	vcvt.s32.f32 v22;
	v13 =	vsel vm2, $0x3F666666, v13;
	vm2 =	veq.s32 v12, $0x8  }
0x2db: {  	v12 =	vadd.f32 $1.000000000e+00, v10;
	v9 =	vsel vm2, $0x3F666666, v9;
	vm2 =	vle.f32 v8, v13  }
0x2dc: {  	v13 =	vadd.f32 $1.000000000e+00, v14;
	vm3 =	vgt.f32 v8, v9;
	v9 =	vsel vm2, $0xFFFFFFFF, v3  }
0x2dd: {  	s8 =	sadd.s32 $0x40, s8;
	v20 =	vadd.f32 $1.000000000e+00, v17;
	v23 =	vsel vm3, $0x1, v3;
	v9 =	vadd.s32 v9, v11  }
0x2de: {  	s9 =	sadd.s32 $0x40, s9;
	v14 =	vmul.f32 $1.000000010e-01, v14;
	v11 =	vmul.f32 $1.000000010e-01, v10;
	v24 =	vld [tilespmem:s8+$0x10];
	v9 =	vadd.s32 v23, v9  }
0x2df: {  	v17 =	vmul.f32 $1.000000010e-01, v17;
	v12 =	vmul.f32 $1.000000010e-01, v12;
	v23 =	vld [tilespmem:s9+$0x10];
	v25 =	vshll.u32 v9, $0x4  }
0x2e0: {  	v20 =	vmul.f32 $1.000000010e-01, v20;
	v26 =	vmul.f32 $1.000000010e-01, v13;
	v9 =	vld [tilespmem:s8+$0xFFFFFFE0];
	v13 =	vor.u32 v1, v25  }
0x2e1: {  	vm2 =	vgt.s32 v18, $0x8;
	v25 =	vand.u32 $0xF0, v25;
	v10 =	vld [tilespmem:s9+$0xFFFFFFE0];
	v27 =	vand.u32 $0xFF, v13  }
0x2e2: {  	v29 =	vsel vm0, $0x3F666666, v14;
	v28 =	vsel vm1, $0x3F666666, v11;
	v25 =	vor.u32 v4, v25;
	v11 =	vld [tilespmem:s8+$0xFFFFFFF0]  }
0x2e3: {  	vm0 =	veq.s32 v19, $0x8;
	vm1 =	veq.s32 v15, $0x8;
	v15 =	vsel vm2, $0x3F666666, v17;
	v13 =	vld [tilespmem:s9+$0xFFFFFFF0]  }
0x2e4: {  	v17 =	vsel vm0, $0x3F666666, v12;
	vm0 =	veq.s32 v18, $0x8;
	v12 =	vld [tilespmem:s8+$0x0];
	vm2 =	veq.s32 v24, v23  }
0x2e5: {  	v18 =	vsel vm1, $0x3F666666, v26;
	v19 =	vsel vm0, $0x3F666666, v20;
	v14 =	vld [tilespmem:s9+$0x0];
	v20 =	vsel vm2, $0x45800800, v2  }
0x2e6: {  	vm0 =	vle.f32 v7, v28;
	vm1 =	vle.f32 v5, v29;
	[tilespmem:v27+s4+$0x0] =	vst.idx.add.f32.msk $0xffff, v20  }
.Ltmp8:
0x2e7: {  	vm2 =	vgt.f32 v7, v17;
	v17 =	vsel vm0, $0xFFFFFFFF, v3;
	vm0 =	vle.f32 v6, v15;
	[tilespmem:v25+s4+$0x0] =	vst.idx.add.f32.msk $0xffff, v8;
	(pc) =	sbr.rel @p1 .LBB2_14-.Ltmp8, $4  }
0x2e8: {  	vm3 =	vgt.f32 v5, v18;
	v8 =	vsel vm1, $0xFFFFFFFF, v3;
	vm1 =	vgt.f32 v6, v19  }
0x2e9: {  	v18 =	vsel vm2, $0x1, v3;
	v20 =	vsel vm0, $0xFFFFFFFF, v3;
	v19 =	vsel vm3, $0x1, v3  }
0x2ea: {  	v17 =	vadd.s32 v17, v21;
	v8 =	vadd.s32 v8, v16;
	v15 =	vsel vm1, $0x1, v3  }
0x2eb: {  	s11 =	sadd.s32 $0x40, s11;
	v18 =	vadd.s32 v18, v17;
	v16 =	vadd.s32 v20, v22;
	v17 =	vadd.s32 v19, v8  }
0x2ec: {  	v8 =	vshll.u32 v18, $0x4  }
0x2ed: {  	v17 =	vshll.u32 v17, $0x4;
	v18 =	vor.u32 v1, v8  }
0x2ee: {  	v15 =	vadd.s32 v15, v16;
	v59 =	vor.u32 v1, v17;
	v18 =	vand.u32 $0xFF, v18  }
0x2ef: {  	vm0 =	veq.s32 v9, v10;
	v8 =	vand.u32 $0xF0, v8;
	v16 =	vand.u32 $0xFF, v59  }
0x2f0: {  	v15 =	vshll.u32 v15, $0x4;
	v17 =	vand.u32 $0xF0, v17;
	v8 =	vor.u32 v4, v8  }
0x2f1: {  	vm14 =	veq.s32 v11, v13;
	v60 =	vor.u32 v1, v15;
	v61 =	vor.u32 v4, v17  }
0x2f2: {  	v62 =	vsel vm0, $0x45800800, v2;
	v15 =	vand.u32 $0xF0, v15;
	v9 =	vand.u32 $0xFF, v60  }
0x2f3: {  	v13 =	vsel vm14, $0x45800800, v2;
	v63 =	vor.u32 v4, v15;
	[tilespmem:v18+s4+$0x0] =	vst.idx.add.f32.msk $0xffff, v62  }
.Ltmp9:
0x2f4: {  	[tilespmem:v16+s4+$0x0] =	vst.idx.add.f32.msk $0xffff, v13;
	(pc) =	sbr.rel @p0 .LBB2_19-.Ltmp9, $4  }
0x2f5: {  	vm15 =	veq.s32 v12, v14;
	[tilespmem:v8+s4+$0x0] =	vst.idx.add.f32.msk $0xffff, v7  }
0x2f6: {  	v7 =	vsel vm15, $0x45800800, v2;
	[tilespmem:v61+s4+$0x0] =	vst.idx.add.f32.msk $0xffff, v5  }
0x2f7: {  	[tilespmem:v9+s4+$0x0] =	vst.idx.add.f32.msk $0xffff, v7  }
0x2f8: {  	[tilespmem:v63+s4+$0x0] =	vst.idx.add.f32.msk $0xffff, v6  }
0x2f9: {  	_ =	swait.ge [sflag:s5], $0x1F40  }
0x2fa: {  	[sflag:s5] =	ssyncset.done $0x0  }
0x2fb: {  	[sflag:s5] =	ssyncadd.s32 $0xFFFFE0C0  }
0x2fc: {  	_ =	swait.ge [sflag:s5], $0x1F40  }
0x2fd: {  	[sflag:s5] =	ssyncset.done $0x0  }
0x2fe: {  	[sflag:s5] =	ssyncadd.s32 $0xFFFFE0C0  }
0x2ff: {  	_ =	swait.ge [sflag:s5], $0x1F40  }
0x300: {  	[sflag:s5] =	ssyncset.done $0x0  }
0x301: {  	s8 =	simm.s32 $0x5EA0;
	[sflag:s5] =	ssyncadd.s32 $0xFFFFE0C0  }
0x302: {  	v8 =	vld [tilespmem:s8+$0x10]  }
0x303: {  	v5 =	vld [tilespmem:s8+$0xFFFFFFF0]  }
0x304: {  	v7 =	vld [tilespmem:s8+$0xFFFFFFE0]  }
0x305: {  	v6 =	vld [tilespmem:s8+$0x0];
	_ =	sdelay $0x2  }
0x306: {  	v9 =	vmul.f32 $1.000000000e+01, v8  }
0x307: {  	v10 =	vmul.f32 $1.000000000e+01, v5;
	v11 =	vmul.f32 $1.000000000e+01, v7  }
0x308: {  	v12 =	vmul.f32 $1.000000000e+01, v6;
	v9 =	vtrunc.f32 v9  }
0x309: {  	v10 =	vtrunc.f32 v10;
	v11 =	vtrunc.f32 v11  }
0x30a: {  	v12 =	vtrunc.f32 v12;
	v9 =	vcvt.f32.s32 v9  }
0x30b: {  	v10 =	vcvt.f32.s32 v10;
	v11 =	vcvt.f32.s32 v11  }
0x30c: {  	v12 =	vcvt.f32.s32 v12;
	vm0 =	vlt.s32 v9, $0x9  }
0x30d: {  	vm1 =	vlt.s32 v10, $0x9;
	vm12 =	vgt.s32 v10, $0x8;
	vm2 =	vlt.s32 v11, $0x9  }
0x30e: {  	vm13 =	vlt.s32 v12, $0x9;
	vm14 =	vgt.s32 v11, $0x8;
	vm15 =	vgt.s32 v9, $0x8  }
0x30f: {  	vm3 =	veq.s32 v9, $0x8;
	vm5 =	vgt.s32 v12, $0x8;
	v13 =	vnsel vm0, $0x9, v9  }
0x310: {  	vm6 =	veq.s32 v11, $0x8;
	v19 =	vnsel vm13, $0x9, v12;
	v14 =	vcvt.s32.f32 v13  }
0x311: {  	vm7 =	veq.s32 v10, $0x8;
	v16 =	vnsel vm2, $0x9, v11;
	v21 =	vcvt.s32.f32 v19  }
0x312: {  	v15 =	vnsel vm1, $0x9, v10;
	v18 =	vcvt.s32.f32 v16;
	v17 =	vadd.f32 $1.000000000e+00, v14  }
0x313: {  	v20 =	vcvt.s32.f32 v15;
	v14 =	vmul.f32 $1.000000010e-01, v14;
	v22 =	vadd.f32 $1.000000000e+00, v21  }
0x314: {  	vm8 =	veq.s32 v12, $0x8;
	v21 =	vmul.f32 $1.000000010e-01, v21;
	v17 =	vmul.f32 $1.000000010e-01, v17  }
0x315: {  	v9 =	vsel vm15, $0x3F666666, v14;
	v14 =	vadd.f32 $1.000000000e+00, v18;
	v22 =	vmul.f32 $1.000000010e-01, v22  }
0x316: {  	v21 =	vsel vm5, $0x3F666666, v21;
	vm2 =	vle.f32 v8, v9;
	v17 =	vsel vm3, $0x3F666666, v17  }
0x317: {  	v9 =	vadd.f32 $1.000000000e+00, v20;
	vm3 =	vgt.f32 v8, v17;
	v17 =	vsel vm2, $0xFFFFFFFF, v3  }
0x318: {  	s9 =	simm.s32 $0x9DA0;
	vm13 =	vle.f32 v6, v21;
	v23 =	vsel vm3, $0x1, v3;
	v13 =	vadd.s32 v17, v13  }
0x319: {  	s8 =	simm.s32 $0x7E20;
	v63 =	vld [tilespmem:s9+$0x10];
	v14 =	vmul.f32 $1.000000010e-01, v14;
	v22 =	vsel vm8, $0x3F666666, v22;
	v13 =	vadd.s32 v23, v13  }
0x31a: {  	v17 =	vmul.f32 $1.000000010e-01, v18;
	v18 =	vmul.f32 $1.000000010e-01, v20;
	v20 =	vld [tilespmem:s8+$0x10];
	v13 =	vshll.u32 v13, $0x4  }
0x31b: {  	v21 =	vsel vm13, $0xFFFFFFFF, v3;
	v24 =	vmul.f32 $1.000000010e-01, v9;
	v9 =	vor.u32 v1, v13  }
0x31c: {  	v10 =	vld [tilespmem:s9+$0xFFFFFFE0];
	vm15 =	vgt.f32 v6, v22;
	v13 =	vand.u32 $0xF0, v13;
	v25 =	vand.u32 $0xFF, v9  }
0x31d: {  	v11 =	vld [tilespmem:s8+$0xFFFFFFF0];
	v14 =	vsel vm6, $0x3F666666, v14;
	v17 =	vsel vm14, $0x3F666666, v17;
	v26 =	vor.u32 v4, v13  }
0x31e: {  	v12 =	vld [tilespmem:s8+$0x0];
	v18 =	vsel vm12, $0x3F666666, v18;
	vm12 =	vgt.f32 v7, v14;
	vm10 =	vle.f32 v7, v17  }
0x31f: {  	vm11 =	vle.f32 v5, v18;
	v9 =	vld [tilespmem:s8+$0xFFFFFFE0];
	vm9 =	veq.s32 v20, v63;
	v20 =	vsel vm7, $0x3F666666, v24  }
0x320: {  	v18 =	vsel vm12, $0x1, v3;
	v13 =	vld [tilespmem:s9+$0xFFFFFFF0];
	v23 =	vsel vm9, $0x45800800, v2;
	vm14 =	vgt.f32 v5, v20  }
0x321: {  	v14 =	vsel vm10, $0xFFFFFFFF, v3;
	v17 =	vsel vm11, $0xFFFFFFFF, v3;
	v20 =	vsel vm14, $0x1, v3;
	[tilespmem:v25+s4+$0x0] =	vst.idx.add.f32.msk $0xffff, v23  }
0x322: {  	[tilespmem:v26+s4+$0x0] =	vst.idx.add.f32.msk $0xffff, v8;
	v8 =	vadd.s32 v14, v16;
	v16 =	vadd.s32 v17, v15;
	v15 =	vsel vm15, $0x1, v3  }
0x323: {  	s10 =	simm.s32 $0x0;
	s11 =	simm.s32 $0x5EE0;
	v14 =	vld [tilespmem:s9+$0x0];
	v18 =	vadd.s32 v18, v8;
	v17 =	vadd.s32 v20, v16;
	v16 =	vadd.s32 v21, v19  }
.LBB2_17:
0x324: {  	v8 =	vld [tilespmem:s11+$0x10];
	v18 =	vshll.u32 v18, $0x4;
	v17 =	vshll.u32 v17, $0x4;
	v15 =	vadd.s32 v15, v16  }
0x325: {  	s10 =	sadd.s32 $0x4, s10;
	v16 =	vld [tilespmem:s11+$0xFFFFFFF0];
	v19 =	vand.u32 $0xF0, v18;
	v18 =	vor.u32 v1, v18;
	v15 =	vshll.u32 v15, $0x4  }
0x326: {  	p1 =	slt.u32 s10, $0x1F0;
	v21 =	vand.u32 $0xF0, v17;
	v17 =	vor.u32 v1, v17;
	v20 =	vld [tilespmem:s11+$0x0];
	v22 =	vand.u32 $0xF0, v15  }
0x327: {  	vm0 =	veq.s32 v9, v10;
	vm1 =	veq.s32 v11, v13;
	v9 =	vor.u32 v1, v15;
	v23 =	vld [tilespmem:s11+$0xFFFFFFE0]  }
0x328: {  	vm2 =	veq.s32 v12, v14;
	v10 =	vand.u32 $0xFF, v18;
	v11 =	vor.u32 v4, v19  }
0x329: {  	v13 =	vand.u32 $0xFF, v17;
	v14 =	vor.u32 v4, v21;
	v12 =	vmul.f32 $1.000000000e+01, v8  }
0x32a: {  	v9 =	vand.u32 $0xFF, v9;
	v17 =	vor.u32 v4, v22;
	v15 =	vmul.f32 $1.000000000e+01, v16  }
0x32b: {  	v19 =	vsel vm0, $0x45800800, v2;
	v18 =	vmul.f32 $1.000000000e+01, v20;
	v12 =	vtrunc.f32 v12  }
0x32c: {  	v22 =	vsel vm1, $0x45800800, v2;
	v21 =	vmul.f32 $1.000000000e+01, v23;
	v12 =	vcvt.f32.s32 v12  }
0x32d: {  	v15 =	vtrunc.f32 v15;
	v18 =	vtrunc.f32 v18;
	[tilespmem:v10+s4+$0x0] =	vst.idx.add.f32.msk $0xffff, v19;
	v10 =	vsel vm2, $0x45800800, v2  }
0x32e: {  	v15 =	vcvt.f32.s32 v15;
	v19 =	vtrunc.f32 v21;
	vm0 =	vlt.s32 v12, $0x9;
	[tilespmem:v11+s4+$0x0] =	vst.idx.add.f32.msk $0xffff, v7;
	v7 =	vmovc v23  }
0x32f: {  	v18 =	vcvt.f32.s32 v18;
	v19 =	vcvt.f32.s32 v19;
	v11 =	vnsel vm0, $0x9, v12;
	[tilespmem:v13+s4+$0x0] =	vst.idx.add.f32.msk $0xffff, v22  }
0x330: {  	vm1 =	vlt.s32 v15, $0x9;
	vm0 =	vgt.s32 v15, $0x8;
	v13 =	vcvt.s32.f32 v11;
	[tilespmem:v14+s4+$0x0] =	vst.idx.add.f32.msk $0xffff, v5;
	v5 =	vmovc v16  }
0x331: {  	v16 =	vnsel vm1, $0x9, v15;
	vm1 =	vlt.s32 v18, $0x9;
	vm2 =	vlt.s32 v19, $0x9;
	[tilespmem:v9+s4+$0x0] =	vst.idx.add.f32.msk $0xffff, v10  }
0x332: {  	v22 =	vnsel vm1, $0x9, v18;
	v21 =	vnsel vm2, $0x9, v19;
	v9 =	vadd.f32 $1.000000000e+00, v13;
	[tilespmem:v17+s4+$0x0] =	vst.idx.add.f32.msk $0xffff, v6;
	v6 =	vmovc v20  }
0x333: {  	vm1 =	vgt.s32 v19, $0x8;
	v13 =	vmul.f32 $1.000000010e-01, v13;
	v10 =	vcvt.s32.f32 v21  }
0x334: {  	v14 =	vcvt.s32.f32 v16;
	vm2 =	vgt.s32 v12, $0x8;
	v9 =	vmul.f32 $1.000000010e-01, v9  }
0x335: {  	v17 =	vcvt.s32.f32 v22;
	v13 =	vsel vm2, $0x3F666666, v13;
	vm2 =	veq.s32 v12, $0x8  }
0x336: {  	v12 =	vadd.f32 $1.000000000e+00, v10;
	v9 =	vsel vm2, $0x3F666666, v9;
	vm2 =	vle.f32 v8, v13  }
0x337: {  	v13 =	vadd.f32 $1.000000000e+00, v14;
	vm3 =	vgt.f32 v8, v9;
	v9 =	vsel vm2, $0xFFFFFFFF, v3  }
0x338: {  	s8 =	sadd.s32 $0x40, s8;
	v20 =	vadd.f32 $1.000000000e+00, v17;
	v23 =	vsel vm3, $0x1, v3;
	v9 =	vadd.s32 v9, v11  }
0x339: {  	s9 =	sadd.s32 $0x40, s9;
	v14 =	vmul.f32 $1.000000010e-01, v14;
	v11 =	vmul.f32 $1.000000010e-01, v10;
	v24 =	vld [tilespmem:s8+$0x10];
	v9 =	vadd.s32 v23, v9  }
0x33a: {  	v17 =	vmul.f32 $1.000000010e-01, v17;
	v12 =	vmul.f32 $1.000000010e-01, v12;
	v23 =	vld [tilespmem:s9+$0x10];
	v25 =	vshll.u32 v9, $0x4  }
0x33b: {  	v20 =	vmul.f32 $1.000000010e-01, v20;
	v26 =	vmul.f32 $1.000000010e-01, v13;
	v9 =	vld [tilespmem:s8+$0xFFFFFFE0];
	v13 =	vor.u32 v1, v25  }
0x33c: {  	vm2 =	vgt.s32 v18, $0x8;
	v25 =	vand.u32 $0xF0, v25;
	v10 =	vld [tilespmem:s9+$0xFFFFFFE0];
	v27 =	vand.u32 $0xFF, v13  }
0x33d: {  	v29 =	vsel vm0, $0x3F666666, v14;
	v28 =	vsel vm1, $0x3F666666, v11;
	v25 =	vor.u32 v4, v25;
	v11 =	vld [tilespmem:s8+$0xFFFFFFF0]  }
0x33e: {  	vm0 =	veq.s32 v19, $0x8;
	vm1 =	veq.s32 v15, $0x8;
	v15 =	vsel vm2, $0x3F666666, v17;
	v13 =	vld [tilespmem:s9+$0xFFFFFFF0]  }
0x33f: {  	v17 =	vsel vm0, $0x3F666666, v12;
	vm0 =	veq.s32 v18, $0x8;
	v12 =	vld [tilespmem:s8+$0x0];
	vm2 =	veq.s32 v24, v23  }
0x340: {  	v18 =	vsel vm1, $0x3F666666, v26;
	v19 =	vsel vm0, $0x3F666666, v20;
	v14 =	vld [tilespmem:s9+$0x0];
	v20 =	vsel vm2, $0x45800800, v2  }
0x341: {  	vm0 =	vle.f32 v7, v28;
	vm1 =	vle.f32 v5, v29;
	[tilespmem:v27+s4+$0x0] =	vst.idx.add.f32.msk $0xffff, v20  }
.Ltmp10:
0x342: {  	vm2 =	vgt.f32 v7, v17;
	v17 =	vsel vm0, $0xFFFFFFFF, v3;
	vm0 =	vle.f32 v6, v15;
	[tilespmem:v25+s4+$0x0] =	vst.idx.add.f32.msk $0xffff, v8;
	(pc) =	sbr.rel @p1 .LBB2_17-.Ltmp10, $4  }
0x343: {  	vm3 =	vgt.f32 v5, v18;
	v8 =	vsel vm1, $0xFFFFFFFF, v3;
	vm1 =	vgt.f32 v6, v19  }
0x344: {  	v18 =	vsel vm2, $0x1, v3;
	v20 =	vsel vm0, $0xFFFFFFFF, v3;
	v19 =	vsel vm3, $0x1, v3  }
0x345: {  	v17 =	vadd.s32 v17, v21;
	v8 =	vadd.s32 v8, v16;
	v15 =	vsel vm1, $0x1, v3  }
0x346: {  	s11 =	sadd.s32 $0x40, s11;
	v18 =	vadd.s32 v18, v17;
	v16 =	vadd.s32 v20, v22;
	v17 =	vadd.s32 v19, v8  }
.Ltmp11:
0x347: {  	_ = 	snop;
	(pc) =	sbr.rel .LBB2_18-.Ltmp11, $1  }
0x348: {  	_ =	sdelay $0x3  }
.LBB2_20:
0x349: {  	_ =	sfence.sel $0x180000  }
0x34a: {  	[bflag:$0x0] =	sbarrier.arrive $0xFFFF  }
0x34b: {  	_ =	strace $0x90000047  }
0x34c: {  	s0 =	stileid.u32;
	[bflag:$0x2] =	sbarrier.arrive $0xFFFF  }
0x34d: {  	p0 =	sne.s32 s0, $0x0;
	s0 =	rddreg [dreg:$0x4]  }
0x34e: {  	s0 =	sadd.s32 @!p0 $0x100000, s0  }
0x34f: {  	[sflag:s0] =	ssyncadd.tile.s32 @!p0 $0x1;
	_ =	shalt  }
.Lfunc_end2:
_tile_overlayer_lowered:
.L_overlay_start_2:
0x350: {  	(tag) =	ssettag $0x2  }
0x351: {  	s0 =	rddreg [dreg:$0x0];
	s2 =	stileid.u32  }
0x352: {  	s1 =	rddreg [dreg:$0x1];
	p0 =	sne.s32 s2, $0x0  }
0x353: {  	s3 =	rddreg [dreg:$0x2];
	[bflag:$0x3] =	sbarrier.arrive $0xFFFF;
	s2 =	simm.s32 @!p0 $0x1C03  }
0x354: {  	[timem:s3], [sflag:s2] =	dma.local @!p0 [hbm:s0], s1  }
0x355: {  	s0 =	simm.s32 @!p0 $0x3  }
0x356: {  	_ =	swait.ge @!p0 [sflag:s0], s1  }
0x357: {  	s1 =	ssub.s32 @!p0 $0x0, s1;
	[sflag:s0] =	ssyncset.done @!p0 $0x0  }
0x358: {  	[sflag:s0] =	ssyncadd.s32 @!p0 s1  }
0x359: {  	[bflag:$0x3] =	sbarrier.arrive $0xFFFF  }
0x35a: {  	_ =	shalt  }

</sc_bundles>
